<compile_context>
chip_gen: v7x
topology: tpu7x:2x2x1
jax: 0.10.2.dev20260603
libtpu: 0.0.44.dev20260713+nightly
codegen_flags: <defaults>
</compile_context>

<pallas_src>
import functools

import jax
import jax.numpy as jnp
from jax import lax
from jax.experimental import pallas as pl
from jax.experimental.pallas import tpu as pltpu
from jax.experimental.pallas import tpu_sc as plsc

NUM_SCENES = 100000
NUM_LOBES = 128
NUM_P = 7
BATCH = 16384
CHUNK = 128


def _make_gather():
  info = plsc.get_sparse_core_info()
  nw = info.num_cores * info.num_subcores
  b_per_w = BATCH // nw
  n_chunks = b_per_w // CHUNK

  mesh = plsc.VectorSubcoreMesh(core_axis_name="c", subcore_axis_name="s")

  @functools.partial(
      pl.kernel,
      mesh=mesh,
      out_type=jax.ShapeDtypeStruct((NUM_P, BATCH, NUM_LOBES), jnp.float32),
      scratch_types=[
          pltpu.VMEM((b_per_w,), jnp.int32),
          pltpu.VMEM((CHUNK, NUM_LOBES), jnp.float32),
          pltpu.VMEM((CHUNK, NUM_LOBES), jnp.float32),
          pltpu.VMEM((CHUNK, NUM_LOBES), jnp.float32),
          pltpu.VMEM((CHUNK, NUM_LOBES), jnp.float32),
          pltpu.SemaphoreType.DMA,
          pltpu.SemaphoreType.DMA,
      ],
  )
  def gather_kernel(table_hbm, idx_hbm, out_hbm, idx_v, buf0, buf1,
                    buf2, buf3, gsem, wsem):
    wid = lax.axis_index("c") * info.num_subcores + lax.axis_index("s")
    base = wid * b_per_w
    pltpu.sync_copy(idx_hbm.at[pl.ds(base, b_per_w)], idx_v)

    bufs = (buf0, buf1, buf2, buf3)
    nbuf = len(bufs)
    depth = nbuf - 1
    steps = [(p, c) for p in range(NUM_P) for c in range(n_chunks)]

    def gather_start(step, buf):
      p, c = step
      return pltpu.async_copy(
          table_hbm.at[p].at[idx_v.at[pl.ds(c * CHUNK, CHUNK)]], buf, gsem)

    def write_start(step, buf):
      p, c = step
      return pltpu.async_copy(
          buf, out_hbm.at[p].at[pl.ds(base + c * CHUNK, CHUNK)], wsem)

    def write_drain(step, buf):
      p, c = step
      pltpu.make_async_copy(
          buf, out_hbm.at[p].at[pl.ds(base + c * CHUNK, CHUNK)], wsem).wait()

    n = len(steps)
    gathers = [gather_start(steps[k], bufs[k % nbuf])
               for k in range(min(depth, n))]
    for k in range(n):
      gathers[k].wait()
      write_start(steps[k], bufs[k % nbuf])
      j = k + depth
      if j < n:
        if j - nbuf >= 0:
          write_drain(steps[j - nbuf], bufs[j % nbuf])
        gathers.append(gather_start(steps[j], bufs[j % nbuf]))
    for k in range(max(0, n - nbuf), n):
      write_drain(steps[k], bufs[k % nbuf])

  return gather_kernel


_gather = _make_gather()


@jax.jit
def kernel(sg_params, scene_id):
  table = jnp.transpose(sg_params, (2, 0, 1))
  out7 = _gather(table, scene_id.astype(jnp.int32))
  return jnp.transpose(out7, (1, 2, 0))

# --- scband reference (transcript-rebuilt; emitter-appended) ---
"""Pipeline reference for scband-sgenvironment-map-36197984370776 (READ-ONLY COPY).

The authoritative reference and input builder live on the scoring server;
editing this copy changes nothing except your own understanding.
"""

import jax, jax.numpy as jnp
import numpy as np

NUM_SCENES = 100000
NUM_LOBES = 128
BATCH = 16384


def setup_inputs(seed: int = 0) -> dict:
    key = jax.random.key(seed)
    k1, k2 = jax.random.split(key)
    # Learned parameter: initialized to zeros in the module, but we use randn
    # so that the lookup produces non-degenerate values for benchmarking.
    sg_params = jax.random.normal(k1, (NUM_SCENES, NUM_LOBES, 7), dtype=jnp.float32)
    scene_id = jax.random.randint(k2, (BATCH,), 0, NUM_SCENES, dtype=jnp.int64 if jax.config.jax_enable_x64 else jnp.int32)
    return {"sg_params": sg_params, "scene_id": scene_id}


def reference(sg_params, scene_id):
    # Equivalent of self.sg_params[scene_id, :, :]
    return jnp.take(sg_params, scene_id, axis=0)

if __name__ == "__main__":
    import jax
    _d = setup_inputs()
    print(jax.jit(kernel)(*tuple(_d.values())))

</pallas_src>

<mosaic_0001>
#map = affine_map<(d0, d1) -> (0, 0, 0)>
#map1 = affine_map<(d0, d1) -> (0)>
module attributes {stable_mosaic.version = 14 : i64} {
  func.func @gather_kernel(%arg0: i32, %arg1: i32, %arg2: memref<7x100000x128xf32, #tpu.memory_space<hbm>>, %arg3: memref<16384xi32, #tpu.memory_space<hbm>>, %arg4: memref<7x16384x128xf32, #tpu.memory_space<hbm>>, %arg5: memref<512xi32, #tpu.memory_space<vmem>>, %arg6: memref<128x128xf32, #tpu.memory_space<vmem>>, %arg7: memref<128x128xf32, #tpu.memory_space<vmem>>, %arg8: memref<128x128xf32, #tpu.memory_space<vmem>>, %arg9: memref<128x128xf32, #tpu.memory_space<vmem>>, %arg10: memref<!tpu.dma_semaphore, #tpu.memory_space<semaphore_mem>>, %arg11: memref<!tpu.dma_semaphore, #tpu.memory_space<semaphore_mem>>) attributes {dimension_semantics = [#tpu.dimension_semantics<core_parallel>, #tpu.dimension_semantics<subcore_parallel>], iteration_bounds = array<i64: 2, 16>, scalar_prefetch = 0 : i64, scratch_operands = 7 : i64, tpu.core_type = #tpu.core_type<sc_vector_subcore>, window_params = [{transform_indices = #map}, {transform_indices = #map1}, {transform_indices = #map}]} {
    %mul3A = arith.constant 16 : i32
    %mul3A_0 = arith.muli %arg0, %mul3A : i32
    %add3A = arith.addi %mul3A_0, %arg1 : i32
    %mul3A_1 = arith.constant 512 : i32
    %mul3A_2 = arith.muli %add3A, %mul3A_1 : i32
    "tpu.region"() ({
      %run_scoped3A = tpu.sem_alloc : memref<!tpu.dma_semaphore, #tpu.memory_space<semaphore_mem>>
      %dma_start3A_1401 = tpu.memref_slice %arg3[%mul3A_2] : memref<16384xi32, #tpu.memory_space<hbm>> -> memref<512xi32, #tpu.memory_space<hbm>>
      %dma_start3A_1402 = tpu.memref_slice %arg3[%mul3A_2] : memref<16384xi32, #tpu.memory_space<hbm>> -> memref<512xi32, #tpu.memory_space<hbm>>
      tpu.enqueue_dma source(%dma_start3A_1402 : memref<512xi32, #tpu.memory_space<hbm>>) target(%arg5 : memref<512xi32, #tpu.memory_space<vmem>>) target_semaphore(%run_scoped3A : memref<!tpu.dma_semaphore, #tpu.memory_space<semaphore_mem>>)
      %dma_wait3A_1403 = tpu.memref_slice %arg3[%mul3A_2] : memref<16384xi32, #tpu.memory_space<hbm>> -> memref<512xi32, #tpu.memory_space<hbm>>
      %dma_wait3A_1404 = tpu.memref_slice %arg3[%mul3A_2] : memref<16384xi32, #tpu.memory_space<hbm>> -> memref<512xi32, #tpu.memory_space<hbm>>
      tpu.wait_dma2 semaphore(%run_scoped3A : memref<!tpu.dma_semaphore, #tpu.memory_space<semaphore_mem>>) src(%dma_wait3A_1404 : memref<512xi32, #tpu.memory_space<hbm>>) dst(%arg5 : memref<512xi32, #tpu.memory_space<vmem>>)
      tpu.yield
    }) : () -> ()
    %dma_start3A = arith.constant 0 : i32
    %dma_start3A_3 = arith.constant 0 : i32
    %dma_start3A_4 = tpu.memref_slice %arg5[%dma_start3A_3] : memref<512xi32, #tpu.memory_space<vmem>> -> memref<128xi32, #tpu.memory_space<vmem>>
    %dma_start3A_5 = arith.constant 0 : i32
    %dma_start3A_6 = arith.constant 0 : i32
    %dma_start3A_7 = tpu.memref_slice %arg2[%dma_start3A, %dma_start3A_5, %dma_start3A_6] : memref<7x100000x128xf32, #tpu.memory_space<hbm>> -> memref<1x100000x128xf32, #tpu.memory_space<hbm>>
    %dma_start3A_8 = tpu.memref_squeeze %dma_start3A_7 : memref<1x100000x128xf32, #tpu.memory_space<hbm>> -> memref<100000x128xf32, #tpu.memory_space<hbm>>
    %dma_start3A_9 = arith.constant 0 : i32
    %dma_start3A_10 = arith.constant 0 : i32
    %dma_start3A_11 = tpu.memref_slice %dma_start3A_8[%dma_start3A_9, %dma_start3A_10] : memref<100000x128xf32, #tpu.memory_space<hbm>> -> memref<100000x128xf32, #tpu.memory_space<hbm>>
    tpu.enqueue_indirect_dma source(%dma_start3A_11 : memref<100000x128xf32, #tpu.memory_space<hbm>>) target(%arg6 : memref<128x128xf32, #tpu.memory_space<vmem>>) offsets(%dma_start3A_4 : memref<128xi32, #tpu.memory_space<vmem>>) semaphore(%arg10 : memref<!tpu.dma_semaphore, #tpu.memory_space<semaphore_mem>>)
    %dma_start3A_12 = arith.constant 0 : i32
    %dma_start3A_13 = arith.constant 128 : i32
    %dma_start3A_14 = tpu.memref_slice %arg5[%dma_start3A_13] : memref<512xi32, #tpu.memory_space<vmem>> -> memref<128xi32, #tpu.memory_space<vmem>>
    %dma_start3A_15 = arith.constant 0 : i32
    %dma_start3A_16 = arith.constant 0 : i32
    %dma_start3A_17 = tpu.memref_slice %arg2[%dma_start3A_12, %dma_start3A_15, %dma_start3A_16] : memref<7x100000x128xf32, #tpu.memory_space<hbm>> -> memref<1x100000x128xf32, #tpu.memory_space<hbm>>
    %dma_start3A_18 = tpu.memref_squeeze %dma_start3A_17 : memref<1x100000x128xf32, #tpu.memory_space<hbm>> -> memref<100000x128xf32, #tpu.memory_space<hbm>>
    %dma_start3A_19 = arith.constant 0 : i32
    %dma_start3A_20 = arith.constant 0 : i32
    %dma_start3A_21 = tpu.memref_slice %dma_start3A_18[%dma_start3A_19, %dma_start3A_20] : memref<100000x128xf32, #tpu.memory_space<hbm>> -> memref<100000x128xf32, #tpu.memory_space<hbm>>
    tpu.enqueue_indirect_dma source(%dma_start3A_21 : memref<100000x128xf32, #tpu.memory_space<hbm>>) target(%arg7 : memref<128x128xf32, #tpu.memory_space<vmem>>) offsets(%dma_start3A_14 : memref<128xi32, #tpu.memory_space<vmem>>) semaphore(%arg10 : memref<!tpu.dma_semaphore, #tpu.memory_space<semaphore_mem>>)
    %dma_start3A_22 = arith.constant 0 : i32
    %dma_start3A_23 = arith.constant 256 : i32
    %dma_start3A_24 = tpu.memref_slice %arg5[%dma_start3A_23] : memref<512xi32, #tpu.memory_space<vmem>> -> memref<128xi32, #tpu.memory_space<vmem>>
    %dma_start3A_25 = arith.constant 0 : i32
    %dma_start3A_26 = arith.constant 0 : i32
    %dma_start3A_27 = tpu.memref_slice %arg2[%dma_start3A_22, %dma_start3A_25, %dma_start3A_26] : memref<7x100000x128xf32, #tpu.memory_space<hbm>> -> memref<1x100000x128xf32, #tpu.memory_space<hbm>>
    %dma_start3A_28 = tpu.memref_squeeze %dma_start3A_27 : memref<1x100000x128xf32, #tpu.memory_space<hbm>> -> memref<100000x128xf32, #tpu.memory_space<hbm>>
    %dma_start3A_29 = arith.constant 0 : i32
    %dma_start3A_30 = arith.constant 0 : i32
    %dma_start3A_31 = tpu.memref_slice %dma_start3A_28[%dma_start3A_29, %dma_start3A_30] : memref<100000x128xf32, #tpu.memory_space<hbm>> -> memref<100000x128xf32, #tpu.memory_space<hbm>>
    tpu.enqueue_indirect_dma source(%dma_start3A_31 : memref<100000x128xf32, #tpu.memory_space<hbm>>) target(%arg8 : memref<128x128xf32, #tpu.memory_space<vmem>>) offsets(%dma_start3A_24 : memref<128xi32, #tpu.memory_space<vmem>>) semaphore(%arg10 : memref<!tpu.dma_semaphore, #tpu.memory_space<semaphore_mem>>)
    %dma_wait3A = arith.constant 0 : i32
    %dma_wait3A_32 = arith.constant 0 : i32
    %dma_wait3A_33 = tpu.memref_slice %arg5[%dma_wait3A_32] : memref<512xi32, #tpu.memory_space<vmem>> -> memref<128xi32, #tpu.memory_space<vmem>>
    %dma_wait3A_34 = arith.constant 0 : i32
    %dma_wait3A_35 = arith.constant 0 : i32
    %dma_wait3A_36 = tpu.memref_slice %arg2[%dma_wait3A, %dma_wait3A_34, %dma_wait3A_35] : memref<7x100000x128xf32, #tpu.memory_space<hbm>> -> memref<1x100000x128xf32, #tpu.memory_space<hbm>>
    %dma_wait3A_37 = tpu.memref_squeeze %dma_wait3A_36 : memref<1x100000x128xf32, #tpu.memory_space<hbm>> -> memref<100000x128xf32, #tpu.memory_space<hbm>>
    %dma_wait3A_38 = arith.constant 0 : i32
    %dma_wait3A_39 = arith.constant 0 : i32
    %dma_wait3A_40 = tpu.memref_slice %dma_wait3A_37[%dma_wait3A_38, %dma_wait3A_39] : memref<100000x128xf32, #tpu.memory_space<hbm>> -> memref<100000x128xf32, #tpu.memory_space<hbm>>
    tpu.wait_indirect_dma semaphore(%arg10 : memref<!tpu.dma_semaphore, #tpu.memory_space<semaphore_mem>>) src(%dma_wait3A_40 : memref<100000x128xf32, #tpu.memory_space<hbm>>) dst(%arg6 : memref<128x128xf32, #tpu.memory_space<vmem>>)
    %add3A_41 = arith.constant 0 : i32
    %add3A_42 = arith.addi %mul3A_2, %add3A_41 : i32
    %dma_start3A_43 = arith.constant 0 : i32
    %dma_start3A_44 = arith.constant 0 : i32
    %dma_start3A_45 = arith.constant 0 : i32
    %dma_start3A_46 = tpu.memref_slice %arg4[%dma_start3A_43, %dma_start3A_44, %dma_start3A_45] : memref<7x16384x128xf32, #tpu.memory_space<hbm>> -> memref<1x16384x128xf32, #tpu.memory_space<hbm>>
    %dma_start3A_47 = tpu.memref_squeeze %dma_start3A_46 : memref<1x16384x128xf32, #tpu.memory_space<hbm>> -> memref<16384x128xf32, #tpu.memory_space<hbm>>
    %dma_start3A_48 = arith.constant 0 : i32
    %dma_start3A_49 = tpu.memref_slice %dma_start3A_47[%add3A_42, %dma_start3A_48] : memref<16384x128xf32, #tpu.memory_space<hbm>> -> memref<128x128xf32, #tpu.memory_space<hbm>>
    %dma_start3A_50 = arith.constant 0 : i32
    %dma_start3A_51 = arith.constant 0 : i32
    %dma_start3A_52 = tpu.memref_slice %arg4[%dma_start3A_43, %dma_start3A_50, %dma_start3A_51] : memref<7x16384x128xf32, #tpu.memory_space<hbm>> -> memref<1x16384x128xf32, #tpu.memory_space<hbm>>
    %dma_start3A_53 = tpu.memref_squeeze %dma_start3A_52 : memref<1x16384x128xf32, #tpu.memory_space<hbm>> -> memref<16384x128xf32, #tpu.memory_space<hbm>>
    %dma_start3A_54 = arith.constant 0 : i32
    %dma_start3A_55 = tpu.memref_slice %dma_start3A_53[%add3A_42, %dma_start3A_54] : memref<16384x128xf32, #tpu.memory_space<hbm>> -> memref<128x128xf32, #tpu.memory_space<hbm>>
    tpu.enqueue_dma source(%arg6 : memref<128x128xf32, #tpu.memory_space<vmem>>) target(%dma_start3A_55 : memref<128x128xf32, #tpu.memory_space<hbm>>) target_semaphore(%arg11 : memref<!tpu.dma_semaphore, #tpu.memory_space<semaphore_mem>>)
    %dma_start3A_56 = arith.constant 0 : i32
    %dma_start3A_57 = arith.constant 384 : i32
    %dma_start3A_58 = tpu.memref_slice %arg5[%dma_start3A_57] : memref<512xi32, #tpu.memory_space<vmem>> -> memref<128xi32, #tpu.memory_space<vmem>>
    %dma_start3A_59 = arith.constant 0 : i32
    %dma_start3A_60 = arith.constant 0 : i32
    %dma_start3A_61 = tpu.memref_slice %arg2[%dma_start3A_56, %dma_start3A_59, %dma_start3A_60] : memref<7x100000x128xf32, #tpu.memory_space<hbm>> -> memref<1x100000x128xf32, #tpu.memory_space<hbm>>
    %dma_start3A_62 = tpu.memref_squeeze %dma_start3A_61 : memref<1x100000x128xf32, #tpu.memory_space<hbm>> -> memref<100000x128xf32, #tpu.memory_space<hbm>>
    %dma_start3A_63 = arith.constant 0 : i32
    %dma_start3A_64 = arith.constant 0 : i32
    %dma_start3A_65 = tpu.memref_slice %dma_start3A_62[%dma_start3A_63, %dma_start3A_64] : memref<100000x128xf32, #tpu.memory_space<hbm>> -> memref<100000x128xf32, #tpu.memory_space<hbm>>
    tpu.enqueue_indirect_dma source(%dma_start3A_65 : memref<100000x128xf32, #tpu.memory_space<hbm>>) target(%arg9 : memref<128x128xf32, #tpu.memory_space<vmem>>) offsets(%dma_start3A_58 : memref<128xi32, #tpu.memory_space<vmem>>) semaphore(%arg10 : memref<!tpu.dma_semaphore, #tpu.memory_space<semaphore_mem>>)
    %dma_wait3A_66 = arith.constant 0 : i32
    %dma_wait3A_67 = arith.constant 128 : i32
    %dma_wait3A_68 = tpu.memref_slice %arg5[%dma_wait3A_67] : memref<512xi32, #tpu.memory_space<vmem>> -> memref<128xi32, #tpu.memory_space<vmem>>
    %dma_wait3A_69 = arith.constant 0 : i32
    %dma_wait3A_70 = arith.constant 0 : i32
    %dma_wait3A_71 = tpu.memref_slice %arg2[%dma_wait3A_66, %dma_wait3A_69, %dma_wait3A_70] : memref<7x100000x128xf32, #tpu.memory_space<hbm>> -> memref<1x100000x128xf32, #tpu.memory_space<hbm>>
    %dma_wait3A_72 = tpu.memref_squeeze %dma_wait3A_71 : memref<1x100000x128xf32, #tpu.memory_space<hbm>> -> memref<100000x128xf32, #tpu.memory_space<hbm>>
    %dma_wait3A_73 = arith.constant 0 : i32
    %dma_wait3A_74 = arith.constant 0 : i32
    %dma_wait3A_75 = tpu.memref_slice %dma_wait3A_72[%dma_wait3A_73, %dma_wait3A_74] : memref<100000x128xf32, #tpu.memory_space<hbm>> -> memref<100000x128xf32, #tpu.memory_space<hbm>>
    tpu.wait_indirect_dma semaphore(%arg10 : memref<!tpu.dma_semaphore, #tpu.memory_space<semaphore_mem>>) src(%dma_wait3A_75 : memref<100000x128xf32, #tpu.memory_space<hbm>>) dst(%arg7 : memref<128x128xf32, #tpu.memory_space<vmem>>)
    %add3A_76 = arith.constant 128 : i32
    %add3A_77 = arith.addi %mul3A_2, %add3A_76 : i32
    %dma_start3A_78 = arith.constant 0 : i32
    %dma_start3A_79 = arith.constant 0 : i32
    %dma_start3A_80 = arith.constant 0 : i32
    %dma_start3A_81 = tpu.memref_slice %arg4[%dma_start3A_78, %dma_start3A_79, %dma_start3A_80] : memref<7x16384x128xf32, #tpu.memory_space<hbm>> -> memref<1x16384x128xf32, #tpu.memory_space<hbm>>
    %dma_start3A_82 = tpu.memref_squeeze %dma_start3A_81 : memref<1x16384x128xf32, #tpu.memory_space<hbm>> -> memref<16384x128xf32, #tpu.memory_space<hbm>>
    %dma_start3A_83 = arith.constant 0 : i32
    %dma_start3A_84 = tpu.memref_slice %dma_start3A_82[%add3A_77, %dma_start3A_83] : memref<16384x128xf32, #tpu.memory_space<hbm>> -> memref<128x128xf32, #tpu.memory_space<hbm>>
    %dma_start3A_85 = arith.constant 0 : i32
    %dma_start3A_86 = arith.constant 0 : i32
    %dma_start3A_87 = tpu.memref_slice %arg4[%dma_start3A_78, %dma_start3A_85, %dma_start3A_86] : memref<7x16384x128xf32, #tpu.memory_space<hbm>> -> memref<1x16384x128xf32, #tpu.memory_space<hbm>>
    %dma_start3A_88 = tpu.memref_squeeze %dma_start3A_87 : memref<1x16384x128xf32, #tpu.memory_space<hbm>> -> memref<16384x128xf32, #tpu.memory_space<hbm>>
    %dma_start3A_89 = arith.constant 0 : i32
    %dma_start3A_90 = tpu.memref_slice %dma_start3A_88[%add3A_77, %dma_start3A_89] : memref<16384x128xf32, #tpu.memory_space<hbm>> -> memref<128x128xf32, #tpu.memory_space<hbm>>
    tpu.enqueue_dma source(%arg7 : memref<128x128xf32, #tpu.memory_space<vmem>>) target(%dma_start3A_90 : memref<128x128xf32, #tpu.memory_space<hbm>>) target_semaphore(%arg11 : memref<!tpu.dma_semaphore, #tpu.memory_space<semaphore_mem>>)
    %add3A_91 = arith.constant 0 : i32
    %add3A_92 = arith.addi %mul3A_2, %add3A_91 : i32
    %dma_wait3A_93 = arith.constant 0 : i32
    %dma_wait3A_94 = arith.constant 0 : i32
    %dma_wait3A_95 = arith.constant 0 : i32
    %dma_wait3A_96 = tpu.memref_slice %arg4[%dma_wait3A_93, %dma_wait3A_94, %dma_wait3A_95] : memref<7x16384x128xf32, #tpu.memory_space<hbm>> -> memref<1x16384x128xf32, #tpu.memory_space<hbm>>
    %dma_wait3A_97 = tpu.memref_squeeze %dma_wait3A_96 : memref<1x16384x128xf32, #tpu.memory_space<hbm>> -> memref<16384x128xf32, #tpu.memory_space<hbm>>
    %dma_wait3A_98 = arith.constant 0 : i32
    %dma_wait3A_99 = tpu.memref_slice %dma_wait3A_97[%add3A_92, %dma_wait3A_98] : memref<16384x128xf32, #tpu.memory_space<hbm>> -> memref<128x128xf32, #tpu.memory_space<hbm>>
    %dma_wait3A_100 = arith.constant 0 : i32
    %dma_wait3A_101 = arith.constant 0 : i32
    %dma_wait3A_102 = tpu.memref_slice %arg4[%dma_wait3A_93, %dma_wait3A_100, %dma_wait3A_101] : memref<7x16384x128xf32, #tpu.memory_space<hbm>> -> memref<1x16384x128xf32, #tpu.memory_space<hbm>>
    %dma_wait3A_103 = tpu.memref_squeeze %dma_wait3A_102 : memref<1x16384x128xf32, #tpu.memory_space<hbm>> -> memref<16384x128xf32, #tpu.memory_space<hbm>>
    %dma_wait3A_104 = arith.constant 0 : i32
    %dma_wait3A_105 = tpu.memref_slice %dma_wait3A_103[%add3A_92, %dma_wait3A_104] : memref<16384x128xf32, #tpu.memory_space<hbm>> -> memref<128x128xf32, #tpu.memory_space<hbm>>
    tpu.wait_dma2 semaphore(%arg11 : memref<!tpu.dma_semaphore, #tpu.memory_space<semaphore_mem>>) src(%arg6 : memref<128x128xf32, #tpu.memory_space<vmem>>) dst(%dma_wait3A_105 : memref<128x128xf32, #tpu.memory_space<hbm>>)
    %dma_start3A_106 = arith.constant 1 : i32
    %dma_start3A_107 = arith.constant 0 : i32
    %dma_start3A_108 = tpu.memref_slice %arg5[%dma_start3A_107] : memref<512xi32, #tpu.memory_space<vmem>> -> memref<128xi32, #tpu.memory_space<vmem>>
    %dma_start3A_109 = arith.constant 0 : i32
    %dma_start3A_110 = arith.constant 0 : i32
    %dma_start3A_111 = tpu.memref_slice %arg2[%dma_start3A_106, %dma_start3A_109, %dma_start3A_110] : memref<7x100000x128xf32, #tpu.memory_space<hbm>> -> memref<1x100000x128xf32, #tpu.memory_space<hbm>>
    %dma_start3A_112 = tpu.memref_squeeze %dma_start3A_111 : memref<1x100000x128xf32, #tpu.memory_space<hbm>> -> memref<100000x128xf32, #tpu.memory_space<hbm>>
    %dma_start3A_113 = arith.constant 0 : i32
    %dma_start3A_114 = arith.constant 0 : i32
    %dma_start3A_115 = tpu.memref_slice %dma_start3A_112[%dma_start3A_113, %dma_start3A_114] : memref<100000x128xf32, #tpu.memory_space<hbm>> -> memref<100000x128xf32, #tpu.memory_space<hbm>>
    tpu.enqueue_indirect_dma source(%dma_start3A_115 : memref<100000x128xf32, #tpu.memory_space<hbm>>) target(%arg6 : memref<128x128xf32, #tpu.memory_space<vmem>>) offsets(%dma_start3A_108 : memref<128xi32, #tpu.memory_space<vmem>>) semaphore(%arg10 : memref<!tpu.dma_semaphore, #tpu.memory_space<semaphore_mem>>)
    %dma_wait3A_116 = arith.constant 0 : i32
    %dma_wait3A_117 = arith.constant 256 : i32
    %dma_wait3A_118 = tpu.memref_slice %arg5[%dma_wait3A_117] : memref<512xi32, #tpu.memory_space<vmem>> -> memref<128xi32, #tpu.memory_space<vmem>>
    %dma_wait3A_119 = arith.constant 0 : i32
    %dma_wait3A_120 = arith.constant 0 : i32
    %dma_wait3A_121 = tpu.memref_slice %arg2[%dma_wait3A_116, %dma_wait3A_119, %dma_wait3A_120] : memref<7x100000x128xf32, #tpu.memory_space<hbm>> -> memref<1x100000x128xf32, #tpu.memory_space<hbm>>
    %dma_wait3A_122 = tpu.memref_squeeze %dma_wait3A_121 : memref<1x100000x128xf32, #tpu.memory_space<hbm>> -> memref<100000x128xf32, #tpu.memory_space<hbm>>
    %dma_wait3A_123 = arith.constant 0 : i32
    %dma_wait3A_124 = arith.constant 0 : i32
    %dma_wait3A_125 = tpu.memref_slice %dma_wait3A_122[%dma_wait3A_123, %dma_wait3A_124] : memref<100000x128xf32, #tpu.memory_space<hbm>> -> memref<100000x128xf32, #tpu.memory_space<hbm>>
    tpu.wait_indirect_dma semaphore(%arg10 : memref<!tpu.dma_semaphore, #tpu.memory_space<semaphore_mem>>) src(%dma_wait3A_125 : memref<100000x128xf32, #tpu.memory_space<hbm>>) dst(%arg8 : memref<128x128xf32, #tpu.memory_space<vmem>>)
    %add3A_126 = arith.constant 256 : i32
    %add3A_127 = arith.addi %mul3A_2, %add3A_126 : i32
    %dma_start3A_128 = arith.constant 0 : i32
    %dma_start3A_129 = arith.constant 0 : i32
    %dma_start3A_130 = arith.constant 0 : i32
    %dma_start3A_131 = tpu.memref_slice %arg4[%dma_start3A_128, %dma_start3A_129, %dma_start3A_130] : memref<7x16384x128xf32, #tpu.memory_space<hbm>> -> memref<1x16384x128xf32, #tpu.memory_space<hbm>>
    %dma_start3A_132 = tpu.memref_squeeze %dma_start3A_131 : memref<1x16384x128xf32, #tpu.memory_space<hbm>> -> memref<16384x128xf32, #tpu.memory_space<hbm>>
    %dma_start3A_133 = arith.constant 0 : i32
    %dma_start3A_134 = tpu.memref_slice %dma_start3A_132[%add3A_127, %dma_start3A_133] : memref<16384x128xf32, #tpu.memory_space<hbm>> -> memref<128x128xf32, #tpu.memory_space<hbm>>
    %dma_start3A_135 = arith.constant 0 : i32
    %dma_start3A_136 = arith.constant 0 : i32
    %dma_start3A_137 = tpu.memref_slice %arg4[%dma_start3A_128, %dma_start3A_135, %dma_start3A_136] : memref<7x16384x128xf32, #tpu.memory_space<hbm>> -> memref<1x16384x128xf32, #tpu.memory_space<hbm>>
    %dma_start3A_138 = tpu.memref_squeeze %dma_start3A_137 : memref<1x16384x128xf32, #tpu.memory_space<hbm>> -> memref<16384x128xf32, #tpu.memory_space<hbm>>
    %dma_start3A_139 = arith.constant 0 : i32
    %dma_start3A_140 = tpu.memref_slice %dma_start3A_138[%add3A_127, %dma_start3A_139] : memref<16384x128xf32, #tpu.memory_space<hbm>> -> memref<128x128xf32, #tpu.memory_space<hbm>>
    tpu.enqueue_dma source(%arg8 : memref<128x128xf32, #tpu.memory_space<vmem>>) target(%dma_start3A_140 : memref<128x128xf32, #tpu.memory_space<hbm>>) target_semaphore(%arg11 : memref<!tpu.dma_semaphore, #tpu.memory_space<semaphore_mem>>)
    %add3A_141 = arith.constant 128 : i32
    %add3A_142 = arith.addi %mul3A_2, %add3A_141 : i32
    %dma_wait3A_143 = arith.constant 0 : i32
    %dma_wait3A_144 = arith.constant 0 : i32
    %dma_wait3A_145 = arith.constant 0 : i32
    %dma_wait3A_146 = tpu.memref_slice %arg4[%dma_wait3A_143, %dma_wait3A_144, %dma_wait3A_145] : memref<7x16384x128xf32, #tpu.memory_space<hbm>> -> memref<1x16384x128xf32, #tpu.memory_space<hbm>>
    %dma_wait3A_147 = tpu.memref_squeeze %dma_wait3A_146 : memref<1x16384x128xf32, #tpu.memory_space<hbm>> -> memref<16384x128xf32, #tpu.memory_space<hbm>>
    %dma_wait3A_148 = arith.constant 0 : i32
    %dma_wait3A_149 = tpu.memref_slice %dma_wait3A_147[%add3A_142, %dma_wait3A_148] : memref<16384x128xf32, #tpu.memory_space<hbm>> -> memref<128x128xf32, #tpu.memory_space<hbm>>
    %dma_wait3A_150 = arith.constant 0 : i32
    %dma_wait3A_151 = arith.constant 0 : i32
    %dma_wait3A_152 = tpu.memref_slice %arg4[%dma_wait3A_143, %dma_wait3A_150, %dma_wait3A_151] : memref<7x16384x128xf32, #tpu.memory_space<hbm>> -> memref<1x16384x128xf32, #tpu.memory_space<hbm>>
    %dma_wait3A_153 = tpu.memref_squeeze %dma_wait3A_152 : memref<1x16384x128xf32, #tpu.memory_space<hbm>> -> memref<16384x128xf32, #tpu.memory_space<hbm>>
    %dma_wait3A_154 = arith.constant 0 : i32
    %dma_wait3A_155 = tpu.memref_slice %dma_wait3A_153[%add3A_142, %dma_wait3A_154] : memref<16384x128xf32, #tpu.memory_space<hbm>> -> memref<128x128xf32, #tpu.memory_space<hbm>>
    tpu.wait_dma2 semaphore(%arg11 : memref<!tpu.dma_semaphore, #tpu.memory_space<semaphore_mem>>) src(%arg7 : memref<128x128xf32, #tpu.memory_space<vmem>>) dst(%dma_wait3A_155 : memref<128x128xf32, #tpu.memory_space<hbm>>)
    %dma_start3A_156 = arith.constant 1 : i32
    %dma_start3A_157 = arith.constant 128 : i32
    %dma_start3A_158 = tpu.memref_slice %arg5[%dma_start3A_157] : memref<512xi32, #tpu.memory_space<vmem>> -> memref<128xi32, #tpu.memory_space<vmem>>
    %dma_start3A_159 = arith.constant 0 : i32
    %dma_start3A_160 = arith.constant 0 : i32
    %dma_start3A_161 = tpu.memref_slice %arg2[%dma_start3A_156, %dma_start3A_159, %dma_start3A_160] : memref<7x100000x128xf32, #tpu.memory_space<hbm>> -> memref<1x100000x128xf32, #tpu.memory_space<hbm>>
    %dma_start3A_162 = tpu.memref_squeeze %dma_start3A_161 : memref<1x100000x128xf32, #tpu.memory_space<hbm>> -> memref<100000x128xf32, #tpu.memory_space<hbm>>
    %dma_start3A_163 = arith.constant 0 : i32
    %dma_start3A_164 = arith.constant 0 : i32
    %dma_start3A_165 = tpu.memref_slice %dma_start3A_162[%dma_start3A_163, %dma_start3A_164] : memref<100000x128xf32, #tpu.memory_space<hbm>> -> memref<100000x128xf32, #tpu.memory_space<hbm>>
    tpu.enqueue_indirect_dma source(%dma_start3A_165 : memref<100000x128xf32, #tpu.memory_space<hbm>>) target(%arg7 : memref<128x128xf32, #tpu.memory_space<vmem>>) offsets(%dma_start3A_158 : memref<128xi32, #tpu.memory_space<vmem>>) semaphore(%arg10 : memref<!tpu.dma_semaphore, #tpu.memory_space<semaphore_mem>>)
    %dma_wait3A_166 = arith.constant 0 : i32
    %dma_wait3A_167 = arith.constant 384 : i32
    %dma_wait3A_168 = tpu.memref_slice %arg5[%dma_wait3A_167] : memref<512xi32, #tpu.memory_space<vmem>> -> memref<128xi32, #tpu.memory_space<vmem>>
    %dma_wait3A_169 = arith.constant 0 : i32
    %dma_wait3A_170 = arith.constant 0 : i32
    %dma_wait3A_171 = tpu.memref_slice %arg2[%dma_wait3A_166, %dma_wait3A_169, %dma_wait3A_170] : memref<7x100000x128xf32, #tpu.memory_space<hbm>> -> memref<1x100000x128xf32, #tpu.memory_space<hbm>>
    %dma_wait3A_172 = tpu.memref_squeeze %dma_wait3A_171 : memref<1x100000x128xf32, #tpu.memory_space<hbm>> -> memref<100000x128xf32, #tpu.memory_space<hbm>>
    %dma_wait3A_173 = arith.constant 0 : i32
    %dma_wait3A_174 = arith.constant 0 : i32
    %dma_wait3A_175 = tpu.memref_slice %dma_wait3A_172[%dma_wait3A_173, %dma_wait3A_174] : memref<100000x128xf32, #tpu.memory_space<hbm>> -> memref<100000x128xf32, #tpu.memory_space<hbm>>
    tpu.wait_indirect_dma semaphore(%arg10 : memref<!tpu.dma_semaphore, #tpu.memory_space<semaphore_mem>>) src(%dma_wait3A_175 : memref<100000x128xf32, #tpu.memory_space<hbm>>) dst(%arg9 : memref<128x128xf32, #tpu.memory_space<vmem>>)
    %add3A_176 = arith.constant 384 : i32
    %add3A_177 = arith.addi %mul3A_2, %add3A_176 : i32
    %dma_start3A_178 = arith.constant 0 : i32
    %dma_start3A_179 = arith.constant 0 : i32
    %dma_start3A_180 = arith.constant 0 : i32
    %dma_start3A_181 = tpu.memref_slice %arg4[%dma_start3A_178, %dma_start3A_179, %dma_start3A_180] : memref<7x16384x128xf32, #tpu.memory_space<hbm>> -> memref<1x16384x128xf32, #tpu.memory_space<hbm>>
    %dma_start3A_182 = tpu.memref_squeeze %dma_start3A_181 : memref<1x16384x128xf32, #tpu.memory_space<hbm>> -> memref<16384x128xf32, #tpu.memory_space<hbm>>
    %dma_start3A_183 = arith.constant 0 : i32
    %dma_start3A_184 = tpu.memref_slice %dma_start3A_182[%add3A_177, %dma_start3A_183] : memref<16384x128xf32, #tpu.memory_space<hbm>> -> memref<128x128xf32, #tpu.memory_space<hbm>>
    %dma_start3A_185 = arith.constant 0 : i32
    %dma_start3A_186 = arith.constant 0 : i32
    %dma_start3A_187 = tpu.memref_slice %arg4[%dma_start3A_178, %dma_start3A_185, %dma_start3A_186] : memref<7x16384x128xf32, #tpu.memory_space<hbm>> -> memref<1x16384x128xf32, #tpu.memory_space<hbm>>
    %dma_start3A_188 = tpu.memref_squeeze %dma_start3A_187 : memref<1x16384x128xf32, #tpu.memory_space<hbm>> -> memref<16384x128xf32, #tpu.memory_space<hbm>>
    %dma_start3A_189 = arith.constant 0 : i32
    %dma_start3A_190 = tpu.memref_slice %dma_start3A_188[%add3A_177, %dma_start3A_189] : memref<16384x128xf32, #tpu.memory_space<hbm>> -> memref<128x128xf32, #tpu.memory_space<hbm>>
    tpu.enqueue_dma source(%arg9 : memref<128x128xf32, #tpu.memory_space<vmem>>) target(%dma_start3A_190 : memref<128x128xf32, #tpu.memory_space<hbm>>) target_semaphore(%arg11 : memref<!tpu.dma_semaphore, #tpu.memory_space<semaphore_mem>>)
    %add3A_191 = arith.constant 256 : i32
    %add3A_192 = arith.addi %mul3A_2, %add3A_191 : i32
    %dma_wait3A_193 = arith.constant 0 : i32
    %dma_wait3A_194 = arith.constant 0 : i32
    %dma_wait3A_195 = arith.constant 0 : i32
    %dma_wait3A_196 = tpu.memref_slice %arg4[%dma_wait3A_193, %dma_wait3A_194, %dma_wait3A_195] : memref<7x16384x128xf32, #tpu.memory_space<hbm>> -> memref<1x16384x128xf32, #tpu.memory_space<hbm>>
    %dma_wait3A_197 = tpu.memref_squeeze %dma_wait3A_196 : memref<1x16384x128xf32, #tpu.memory_space<hbm>> -> memref<16384x128xf32, #tpu.memory_space<hbm>>
    %dma_wait3A_198 = arith.constant 0 : i32
    %dma_wait3A_199 = tpu.memref_slice %dma_wait3A_197[%add3A_192, %dma_wait3A_198] : memref<16384x128xf32, #tpu.memory_space<hbm>> -> memref<128x128xf32, #tpu.memory_space<hbm>>
    %dma_wait3A_200 = arith.constant 0 : i32
    %dma_wait3A_201 = arith.constant 0 : i32
    %dma_wait3A_202 = tpu.memref_slice %arg4[%dma_wait3A_193, %dma_wait3A_200, %dma_wait3A_201] : memref<7x16384x128xf32, #tpu.memory_space<hbm>> -> memref<1x16384x128xf32, #tpu.memory_space<hbm>>
    %dma_wait3A_203 = tpu.memref_squeeze %dma_wait3A_202 : memref<1x16384x128xf32, #tpu.memory_space<hbm>> -> memref<16384x128xf32, #tpu.memory_space<hbm>>
    %dma_wait3A_204 = arith.constant 0 : i32
    %dma_wait3A_205 = tpu.memref_slice %dma_wait3A_203[%add3A_192, %dma_wait3A_204] : memref<16384x128xf32, #tpu.memory_space<hbm>> -> memref<128x128xf32, #tpu.memory_space<hbm>>
    tpu.wait_dma2 semaphore(%arg11 : memref<!tpu.dma_semaphore, #tpu.memory_space<semaphore_mem>>) src(%arg8 : memref<128x128xf32, #tpu.memory_space<vmem>>) dst(%dma_wait3A_205 : memref<128x128xf32, #tpu.memory_space<hbm>>)
    %dma_start3A_206 = arith.constant 1 : i32
    %dma_start3A_207 = arith.constant 256 : i32
    %dma_start3A_208 = tpu.memref_slice %arg5[%dma_start3A_207] : memref<512xi32, #tpu.memory_space<vmem>> -> memref<128xi32, #tpu.memory_space<vmem>>
    %dma_start3A_209 = arith.constant 0 : i32
    %dma_start3A_210 = arith.constant 0 : i32
    %dma_start3A_211 = tpu.memref_slice %arg2[%dma_start3A_206, %dma_start3A_209, %dma_start3A_210] : memref<7x100000x128xf32, #tpu.memory_space<hbm>> -> memref<1x100000x128xf32, #tpu.memory_space<hbm>>
    %dma_start3A_212 = tpu.memref_squeeze %dma_start3A_211 : memref<1x100000x128xf32, #tpu.memory_space<hbm>> -> memref<100000x128xf32, #tpu.memory_space<hbm>>
    %dma_start3A_213 = arith.constant 0 : i32
    %dma_start3A_214 = arith.constant 0 : i32
    %dma_start3A_215 = tpu.memref_slice %dma_start3A_212[%dma_start3A_213, %dma_start3A_214] : memref<100000x128xf32, #tpu.memory_space<hbm>> -> memref<100000x128xf32, #tpu.memory_space<hbm>>
    tpu.enqueue_indirect_dma source(%dma_start3A_215 : memref<100000x128xf32, #tpu.memory_space<hbm>>) target(%arg8 : memref<128x128xf32, #tpu.memory_space<vmem>>) offsets(%dma_start3A_208 : memref<128xi32, #tpu.memory_space<vmem>>) semaphore(%arg10 : memref<!tpu.dma_semaphore, #tpu.memory_space<semaphore_mem>>)
    %dma_wait3A_216 = arith.constant 1 : i32
    %dma_wait3A_217 = arith.constant 0 : i32
    %dma_wait3A_218 = tpu.memref_slice %arg5[%dma_wait3A_217] : memref<512xi32, #tpu.memory_space<vmem>> -> memref<128xi32, #tpu.memory_space<vmem>>
    %dma_wait3A_219 = arith.constant 0 : i32
    %dma_wait3A_220 = arith.constant 0 : i32
    %dma_wait3A_221 = tpu.memref_slice %arg2[%dma_wait3A_216, %dma_wait3A_219, %dma_wait3A_220] : memref<7x100000x128xf32, #tpu.memory_space<hbm>> -> memref<1x100000x128xf32, #tpu.memory_space<hbm>>
    %dma_wait3A_222 = tpu.memref_squeeze %dma_wait3A_221 : memref<1x100000x128xf32, #tpu.memory_space<hbm>> -> memref<100000x128xf32, #tpu.memory_space<hbm>>
    %dma_wait3A_223 = arith.constant 0 : i32
    %dma_wait3A_224 = arith.constant 0 : i32
    %dma_wait3A_225 = tpu.memref_slice %dma_wait3A_222[%dma_wait3A_223, %dma_wait3A_224] : memref<100000x128xf32, #tpu.memory_space<hbm>> -> memref<100000x128xf32, #tpu.memory_space<hbm>>
    tpu.wait_indirect_dma semaphore(%arg10 : memref<!tpu.dma_semaphore, #tpu.memory_space<semaphore_mem>>) src(%dma_wait3A_225 : memref<100000x128xf32, #tpu.memory_space<hbm>>) dst(%arg6 : memref<128x128xf32, #tpu.memory_space<vmem>>)
    %add3A_226 = arith.constant 0 : i32
    %add3A_227 = arith.addi %mul3A_2, %add3A_226 : i32
    %dma_start3A_228 = arith.constant 1 : i32
    %dma_start3A_229 = arith.constant 0 : i32
    %dma_start3A_230 = arith.constant 0 : i32
    %dma_start3A_231 = tpu.memref_slice %arg4[%dma_start3A_228, %dma_start3A_229, %dma_start3A_230] : memref<7x16384x128xf32, #tpu.memory_space<hbm>> -> memref<1x16384x128xf32, #tpu.memory_space<hbm>>
    %dma_start3A_232 = tpu.memref_squeeze %dma_start3A_231 : memref<1x16384x128xf32, #tpu.memory_space<hbm>> -> memref<16384x128xf32, #tpu.memory_space<hbm>>
    %dma_start3A_233 = arith.constant 0 : i32
    %dma_start3A_234 = tpu.memref_slice %dma_start3A_232[%add3A_227, %dma_start3A_233] : memref<16384x128xf32, #tpu.memory_space<hbm>> -> memref<128x128xf32, #tpu.memory_space<hbm>>
    %dma_start3A_235 = arith.constant 0 : i32
    %dma_start3A_236 = arith.constant 0 : i32
    %dma_start3A_237 = tpu.memref_slice %arg4[%dma_start3A_228, %dma_start3A_235, %dma_start3A_236] : memref<7x16384x128xf32, #tpu.memory_space<hbm>> -> memref<1x16384x128xf32, #tpu.memory_space<hbm>>
    %dma_start3A_238 = tpu.memref_squeeze %dma_start3A_237 : memref<1x16384x128xf32, #tpu.memory_space<hbm>> -> memref<16384x128xf32, #tpu.memory_space<hbm>>
    %dma_start3A_239 = arith.constant 0 : i32
    %dma_start3A_240 = tpu.memref_slice %dma_start3A_238[%add3A_227, %dma_start3A_239] : memref<16384x128xf32, #tpu.memory_space<hbm>> -> memref<128x128xf32, #tpu.memory_space<hbm>>
    tpu.enqueue_dma source(%arg6 : memref<128x128xf32, #tpu.memory_space<vmem>>) target(%dma_start3A_240 : memref<128x128xf32, #tpu.memory_space<hbm>>) target_semaphore(%arg11 : memref<!tpu.dma_semaphore, #tpu.memory_space<semaphore_mem>>)
    %add3A_241 = arith.constant 384 : i32
    %add3A_242 = arith.addi %mul3A_2, %add3A_241 : i32
    %dma_wait3A_243 = arith.constant 0 : i32
    %dma_wait3A_244 = arith.constant 0 : i32
    %dma_wait3A_245 = arith.constant 0 : i32
    %dma_wait3A_246 = tpu.memref_slice %arg4[%dma_wait3A_243, %dma_wait3A_244, %dma_wait3A_245] : memref<7x16384x128xf32, #tpu.memory_space<hbm>> -> memref<1x16384x128xf32, #tpu.memory_space<hbm>>
    %dma_wait3A_247 = tpu.memref_squeeze %dma_wait3A_246 : memref<1x16384x128xf32, #tpu.memory_space<hbm>> -> memref<16384x128xf32, #tpu.memory_space<hbm>>
    %dma_wait3A_248 = arith.constant 0 : i32
    %dma_wait3A_249 = tpu.memref_slice %dma_wait3A_247[%add3A_242, %dma_wait3A_248] : memref<16384x128xf32, #tpu.memory_space<hbm>> -> memref<128x128xf32, #tpu.memory_space<hbm>>
    %dma_wait3A_250 = arith.constant 0 : i32
    %dma_wait3A_251 = arith.constant 0 : i32
    %dma_wait3A_252 = tpu.memref_slice %arg4[%dma_wait3A_243, %dma_wait3A_250, %dma_wait3A_251] : memref<7x16384x128xf32, #tpu.memory_space<hbm>> -> memref<1x16384x128xf32, #tpu.memory_space<hbm>>
    %dma_wait3A_253 = tpu.memref_squeeze %dma_wait3A_252 : memref<1x16384x128xf32, #tpu.memory_space<hbm>> -> memref<16384x128xf32, #tpu.memory_space<hbm>>
    %dma_wait3A_254 = arith.constant 0 : i32
    %dma_wait3A_255 = tpu.memref_slice %dma_wait3A_253[%add3A_242, %dma_wait3A_254] : memref<16384x128xf32, #tpu.memory_space<hbm>> -> memref<128x128xf32, #tpu.memory_space<hbm>>
    tpu.wait_dma2 semaphore(%arg11 : memref<!tpu.dma_semaphore, #tpu.memory_space<semaphore_mem>>) src(%arg9 : memref<128x128xf32, #tpu.memory_space<vmem>>) dst(%dma_wait3A_255 : memref<128x128xf32, #tpu.memory_space<hbm>>)
    %dma_start3A_256 = arith.constant 1 : i32
    %dma_start3A_257 = arith.constant 384 : i32
    %dma_start3A_258 = tpu.memref_slice %arg5[%dma_start3A_257] : memref<512xi32, #tpu.memory_space<vmem>> -> memref<128xi32, #tpu.memory_space<vmem>>
    %dma_start3A_259 = arith.constant 0 : i32
    %dma_start3A_260 = arith.constant 0 : i32
    %dma_start3A_261 = tpu.memref_slice %arg2[%dma_start3A_256, %dma_start3A_259, %dma_start3A_260] : memref<7x100000x128xf32, #tpu.memory_space<hbm>> -> memref<1x100000x128xf32, #tpu.memory_space<hbm>>
    %dma_start3A_262 = tpu.memref_squeeze %dma_start3A_261 : memref<1x100000x128xf32, #tpu.memory_space<hbm>> -> memref<100000x128xf32, #tpu.memory_space<hbm>>
    %dma_start3A_263 = arith.constant 0 : i32
    %dma_start3A_264 = arith.constant 0 : i32
    %dma_start3A_265 = tpu.memref_slice %dma_start3A_262[%dma_start3A_263, %dma_start3A_264] : memref<100000x128xf32, #tpu.memory_space<hbm>> -> memref<100000x128xf32, #tpu.memory_space<hbm>>
    tpu.enqueue_indirect_dma source(%dma_start3A_265 : memref<100000x128xf32, #tpu.memory_space<hbm>>) target(%arg9 : memref<128x128xf32, #tpu.memory_space<vmem>>) offsets(%dma_start3A_258 : memref<128xi32, #tpu.memory_space<vmem>>) semaphore(%arg10 : memref<!tpu.dma_semaphore, #tpu.memory_space<semaphore_mem>>)
    %dma_wait3A_266 = arith.constant 1 : i32
    %dma_wait3A_267 = arith.constant 128 : i32
    %dma_wait3A_268 = tpu.memref_slice %arg5[%dma_wait3A_267] : memref<512xi32, #tpu.memory_space<vmem>> -> memref<128xi32, #tpu.memory_space<vmem>>
    %dma_wait3A_269 = arith.constant 0 : i32
    %dma_wait3A_270 = arith.constant 0 : i32
    %dma_wait3A_271 = tpu.memref_slice %arg2[%dma_wait3A_266, %dma_wait3A_269, %dma_wait3A_270] : memref<7x100000x128xf32, #tpu.memory_space<hbm>> -> memref<1x100000x128xf32, #tpu.memory_space<hbm>>
    %dma_wait3A_272 = tpu.memref_squeeze %dma_wait3A_271 : memref<1x100000x128xf32, #tpu.memory_space<hbm>> -> memref<100000x128xf32, #tpu.memory_space<hbm>>
    %dma_wait3A_273 = arith.constant 0 : i32
    %dma_wait3A_274 = arith.constant 0 : i32
    %dma_wait3A_275 = tpu.memref_slice %dma_wait3A_272[%dma_wait3A_273, %dma_wait3A_274] : memref<100000x128xf32, #tpu.memory_space<hbm>> -> memref<100000x128xf32, #tpu.memory_space<hbm>>
    tpu.wait_indirect_dma semaphore(%arg10 : memref<!tpu.dma_semaphore, #tpu.memory_space<semaphore_mem>>) src(%dma_wait3A_275 : memref<100000x128xf32, #tpu.memory_space<hbm>>) dst(%arg7 : memref<128x128xf32, #tpu.memory_space<vmem>>)
    %add3A_276 = arith.constant 128 : i32
    %add3A_277 = arith.addi %mul3A_2, %add3A_276 : i32
    %dma_start3A_278 = arith.constant 1 : i32
    %dma_start3A_279 = arith.constant 0 : i32
    %dma_start3A_280 = arith.constant 0 : i32
    %dma_start3A_281 = tpu.memref_slice %arg4[%dma_start3A_278, %dma_start3A_279, %dma_start3A_280] : memref<7x16384x128xf32, #tpu.memory_space<hbm>> -> memref<1x16384x128xf32, #tpu.memory_space<hbm>>
    %dma_start3A_282 = tpu.memref_squeeze %dma_start3A_281 : memref<1x16384x128xf32, #tpu.memory_space<hbm>> -> memref<16384x128xf32, #tpu.memory_space<hbm>>
    %dma_start3A_283 = arith.constant 0 : i32
    %dma_start3A_284 = tpu.memref_slice %dma_start3A_282[%add3A_277, %dma_start3A_283] : memref<16384x128xf32, #tpu.memory_space<hbm>> -> memref<128x128xf32, #tpu.memory_space<hbm>>
    %dma_start3A_285 = arith.constant 0 : i32
    %dma_start3A_286 = arith.constant 0 : i32
    %dma_start3A_287 = tpu.memref_slice %arg4[%dma_start3A_278, %dma_start3A_285, %dma_start3A_286] : memref<7x16384x128xf32, #tpu.memory_space<hbm>> -> memref<1x16384x128xf32, #tpu.memory_space<hbm>>
    %dma_start3A_288 = tpu.memref_squeeze %dma_start3A_287 : memref<1x16384x128xf32, #tpu.memory_space<hbm>> -> memref<16384x128xf32, #tpu.memory_space<hbm>>
    %dma_start3A_289 = arith.constant 0 : i32
    %dma_start3A_290 = tpu.memref_slice %dma_start3A_288[%add3A_277, %dma_start3A_289] : memref<16384x128xf32, #tpu.memory_space<hbm>> -> memref<128x128xf32, #tpu.memory_space<hbm>>
    tpu.enqueue_dma source(%arg7 : memref<128x128xf32, #tpu.memory_space<vmem>>) target(%dma_start3A_290 : memref<128x128xf32, #tpu.memory_space<hbm>>) target_semaphore(%arg11 : memref<!tpu.dma_semaphore, #tpu.memory_space<semaphore_mem>>)
    %add3A_291 = arith.constant 0 : i32
    %add3A_292 = arith.addi %mul3A_2, %add3A_291 : i32
    %dma_wait3A_293 = arith.constant 1 : i32
    %dma_wait3A_294 = arith.constant 0 : i32
    %dma_wait3A_295 = arith.constant 0 : i32
    %dma_wait3A_296 = tpu.memref_slice %arg4[%dma_wait3A_293, %dma_wait3A_294, %dma_wait3A_295] : memref<7x16384x128xf32, #tpu.memory_space<hbm>> -> memref<1x16384x128xf32, #tpu.memory_space<hbm>>
    %dma_wait3A_297 = tpu.memref_squeeze %dma_wait3A_296 : memref<1x16384x128xf32, #tpu.memory_space<hbm>> -> memref<16384x128xf32, #tpu.memory_space<hbm>>
    %dma_wait3A_298 = arith.constant 0 : i32
    %dma_wait3A_299 = tpu.memref_slice %dma_wait3A_297[%add3A_292, %dma_wait3A_298] : memref<16384x128xf32, #tpu.memory_space<hbm>> -> memref<128x128xf32, #tpu.memory_space<hbm>>
    %dma_wait3A_300 = arith.constant 0 : i32
    %dma_wait3A_301 = arith.constant 0 : i32
    %dma_wait3A_302 = tpu.memref_slice %arg4[%dma_wait3A_293, %dma_wait3A_300, %dma_wait3A_301] : memref<7x16384x128xf32, #tpu.memory_space<hbm>> -> memref<1x16384x128xf32, #tpu.memory_space<hbm>>
    %dma_wait3A_303 = tpu.memref_squeeze %dma_wait3A_302 : memref<1x16384x128xf32, #tpu.memory_space<hbm>> -> memref<16384x128xf32, #tpu.memory_space<hbm>>
    %dma_wait3A_304 = arith.constant 0 : i32
    %dma_wait3A_305 = tpu.memref_slice %dma_wait3A_303[%add3A_292, %dma_wait3A_304] : memref<16384x128xf32, #tpu.memory_space<hbm>> -> memref<128x128xf32, #tpu.memory_space<hbm>>
    tpu.wait_dma2 semaphore(%arg11 : memref<!tpu.dma_semaphore, #tpu.memory_space<semaphore_mem>>) src(%arg6 : memref<128x128xf32, #tpu.memory_space<vmem>>) dst(%dma_wait3A_305 : memref<128x128xf32, #tpu.memory_space<hbm>>)
    %dma_start3A_306 = arith.constant 2 : i32
    %dma_start3A_307 = arith.constant 0 : i32
    %dma_start3A_308 = tpu.memref_slice %arg5[%dma_start3A_307] : memref<512xi32, #tpu.memory_space<vmem>> -> memref<128xi32, #tpu.memory_space<vmem>>
    %dma_start3A_309 = arith.constant 0 : i32
    %dma_start3A_310 = arith.constant 0 : i32
    %dma_start3A_311 = tpu.memref_slice %arg2[%dma_start3A_306, %dma_start3A_309, %dma_start3A_310] : memref<7x100000x128xf32, #tpu.memory_space<hbm>> -> memref<1x100000x128xf32, #tpu.memory_space<hbm>>
    %dma_start3A_312 = tpu.memref_squeeze %dma_start3A_311 : memref<1x100000x128xf32, #tpu.memory_space<hbm>> -> memref<100000x128xf32, #tpu.memory_space<hbm>>
    %dma_start3A_313 = arith.constant 0 : i32
    %dma_start3A_314 = arith.constant 0 : i32
    %dma_start3A_315 = tpu.memref_slice %dma_start3A_312[%dma_start3A_313, %dma_start3A_314] : memref<100000x128xf32, #tpu.memory_space<hbm>> -> memref<100000x128xf32, #tpu.memory_space<hbm>>
    tpu.enqueue_indirect_dma source(%dma_start3A_315 : memref<100000x128xf32, #tpu.memory_space<hbm>>) target(%arg6 : memref<128x128xf32, #tpu.memory_space<vmem>>) offsets(%dma_start3A_308 : memref<128xi32, #tpu.memory_space<vmem>>) semaphore(%arg10 : memref<!tpu.dma_semaphore, #tpu.memory_space<semaphore_mem>>)
    %dma_wait3A_316 = arith.constant 1 : i32
    %dma_wait3A_317 = arith.constant 256 : i32
    %dma_wait3A_318 = tpu.memref_slice %arg5[%dma_wait3A_317] : memref<512xi32, #tpu.memory_space<vmem>> -> memref<128xi32, #tpu.memory_space<vmem>>
    %dma_wait3A_319 = arith.constant 0 : i32
    %dma_wait3A_320 = arith.constant 0 : i32
    %dma_wait3A_321 = tpu.memref_slice %arg2[%dma_wait3A_316, %dma_wait3A_319, %dma_wait3A_320] : memref<7x100000x128xf32, #tpu.memory_space<hbm>> -> memref<1x100000x128xf32, #tpu.memory_space<hbm>>
    %dma_wait3A_322 = tpu.memref_squeeze %dma_wait3A_321 : memref<1x100000x128xf32, #tpu.memory_space<hbm>> -> memref<100000x128xf32, #tpu.memory_space<hbm>>
    %dma_wait3A_323 = arith.constant 0 : i32
    %dma_wait3A_324 = arith.constant 0 : i32
    %dma_wait3A_325 = tpu.memref_slice %dma_wait3A_322[%dma_wait3A_323, %dma_wait3A_324] : memref<100000x128xf32, #tpu.memory_space<hbm>> -> memref<100000x128xf32, #tpu.memory_space<hbm>>
    tpu.wait_indirect_dma semaphore(%arg10 : memref<!tpu.dma_semaphore, #tpu.memory_space<semaphore_mem>>) src(%dma_wait3A_325 : memref<100000x128xf32, #tpu.memory_space<hbm>>) dst(%arg8 : memref<128x128xf32, #tpu.memory_space<vmem>>)
    %add3A_326 = arith.constant 256 : i32
    %add3A_327 = arith.addi %mul3A_2, %add3A_326 : i32
    %dma_start3A_328 = arith.constant 1 : i32
    %dma_start3A_329 = arith.constant 0 : i32
    %dma_start3A_330 = arith.constant 0 : i32
    %dma_start3A_331 = tpu.memref_slice %arg4[%dma_start3A_328, %dma_start3A_329, %dma_start3A_330] : memref<7x16384x128xf32, #tpu.memory_space<hbm>> -> memref<1x16384x128xf32, #tpu.memory_space<hbm>>
    %dma_start3A_332 = tpu.memref_squeeze %dma_start3A_331 : memref<1x16384x128xf32, #tpu.memory_space<hbm>> -> memref<16384x128xf32, #tpu.memory_space<hbm>>
    %dma_start3A_333 = arith.constant 0 : i32
    %dma_start3A_334 = tpu.memref_slice %dma_start3A_332[%add3A_327, %dma_start3A_333] : memref<16384x128xf32, #tpu.memory_space<hbm>> -> memref<128x128xf32, #tpu.memory_space<hbm>>
    %dma_start3A_335 = arith.constant 0 : i32
    %dma_start3A_336 = arith.constant 0 : i32
    %dma_start3A_337 = tpu.memref_slice %arg4[%dma_start3A_328, %dma_start3A_335, %dma_start3A_336] : memref<7x16384x128xf32, #tpu.memory_space<hbm>> -> memref<1x16384x128xf32, #tpu.memory_space<hbm>>
    %dma_start3A_338 = tpu.memref_squeeze %dma_start3A_337 : memref<1x16384x128xf32, #tpu.memory_space<hbm>> -> memref<16384x128xf32, #tpu.memory_space<hbm>>
    %dma_start3A_339 = arith.constant 0 : i32
    %dma_start3A_340 = tpu.memref_slice %dma_start3A_338[%add3A_327, %dma_start3A_339] : memref<16384x128xf32, #tpu.memory_space<hbm>> -> memref<128x128xf32, #tpu.memory_space<hbm>>
    tpu.enqueue_dma source(%arg8 : memref<128x128xf32, #tpu.memory_space<vmem>>) target(%dma_start3A_340 : memref<128x128xf32, #tpu.memory_space<hbm>>) target_semaphore(%arg11 : memref<!tpu.dma_semaphore, #tpu.memory_space<semaphore_mem>>)
    %add3A_341 = arith.constant 128 : i32
    %add3A_342 = arith.addi %mul3A_2, %add3A_341 : i32
    %dma_wait3A_343 = arith.constant 1 : i32
    %dma_wait3A_344 = arith.constant 0 : i32
    %dma_wait3A_345 = arith.constant 0 : i32
    %dma_wait3A_346 = tpu.memref_slice %arg4[%dma_wait3A_343, %dma_wait3A_344, %dma_wait3A_345] : memref<7x16384x128xf32, #tpu.memory_space<hbm>> -> memref<1x16384x128xf32, #tpu.memory_space<hbm>>
    %dma_wait3A_347 = tpu.memref_squeeze %dma_wait3A_346 : memref<1x16384x128xf32, #tpu.memory_space<hbm>> -> memref<16384x128xf32, #tpu.memory_space<hbm>>
    %dma_wait3A_348 = arith.constant 0 : i32
    %dma_wait3A_349 = tpu.memref_slice %dma_wait3A_347[%add3A_342, %dma_wait3A_348] : memref<16384x128xf32, #tpu.memory_space<hbm>> -> memref<128x128xf32, #tpu.memory_space<hbm>>
    %dma_wait3A_350 = arith.constant 0 : i32
    %dma_wait3A_351 = arith.constant 0 : i32
    %dma_wait3A_352 = tpu.memref_slice %arg4[%dma_wait3A_343, %dma_wait3A_350, %dma_wait3A_351] : memref<7x16384x128xf32, #tpu.memory_space<hbm>> -> memref<1x16384x128xf32, #tpu.memory_space<hbm>>
    %dma_wait3A_353 = tpu.memref_squeeze %dma_wait3A_352 : memref<1x16384x128xf32, #tpu.memory_space<hbm>> -> memref<16384x128xf32, #tpu.memory_space<hbm>>
    %dma_wait3A_354 = arith.constant 0 : i32
    %dma_wait3A_355 = tpu.memref_slice %dma_wait3A_353[%add3A_342, %dma_wait3A_354] : memref<16384x128xf32, #tpu.memory_space<hbm>> -> memref<128x128xf32, #tpu.memory_space<hbm>>
    tpu.wait_dma2 semaphore(%arg11 : memref<!tpu.dma_semaphore, #tpu.memory_space<semaphore_mem>>) src(%arg7 : memref<128x128xf32, #tpu.memory_space<vmem>>) dst(%dma_wait3A_355 : memref<128x128xf32, #tpu.memory_space<hbm>>)
    %dma_start3A_356 = arith.constant 2 : i32
    %dma_start3A_357 = arith.constant 128 : i32
    %dma_start3A_358 = tpu.memref_slice %arg5[%dma_start3A_357] : memref<512xi32, #tpu.memory_space<vmem>> -> memref<128xi32, #tpu.memory_space<vmem>>
    %dma_start3A_359 = arith.constant 0 : i32
    %dma_start3A_360 = arith.constant 0 : i32
    %dma_start3A_361 = tpu.memref_slice %arg2[%dma_start3A_356, %dma_start3A_359, %dma_start3A_360] : memref<7x100000x128xf32, #tpu.memory_space<hbm>> -> memref<1x100000x128xf32, #tpu.memory_space<hbm>>
    %dma_start3A_362 = tpu.memref_squeeze %dma_start3A_361 : memref<1x100000x128xf32, #tpu.memory_space<hbm>> -> memref<100000x128xf32, #tpu.memory_space<hbm>>
    %dma_start3A_363 = arith.constant 0 : i32
    %dma_start3A_364 = arith.constant 0 : i32
    %dma_start3A_365 = tpu.memref_slice %dma_start3A_362[%dma_start3A_363, %dma_start3A_364] : memref<100000x128xf32, #tpu.memory_space<hbm>> -> memref<100000x128xf32, #tpu.memory_space<hbm>>
    tpu.enqueue_indirect_dma source(%dma_start3A_365 : memref<100000x128xf32, #tpu.memory_space<hbm>>) target(%arg7 : memref<128x128xf32, #tpu.memory_space<vmem>>) offsets(%dma_start3A_358 : memref<128xi32, #tpu.memory_space<vmem>>) semaphore(%arg10 : memref<!tpu.dma_semaphore, #tpu.memory_space<semaphore_mem>>)
    %dma_wait3A_366 = arith.constant 1 : i32
    %dma_wait3A_367 = arith.constant 384 : i32
    %dma_wait3A_368 = tpu.memref_slice %arg5[%dma_wait3A_367] : memref<512xi32, #tpu.memory_space<vmem>> -> memref<128xi32, #tpu.memory_space<vmem>>
    %dma_wait3A_369 = arith.constant 0 : i32
    %dma_wait3A_370 = arith.constant 0 : i32
    %dma_wait3A_371 = tpu.memref_slice %arg2[%dma_wait3A_366, %dma_wait3A_369, %dma_wait3A_370] : memref<7x100000x128xf32, #tpu.memory_space<hbm>> -> memref<1x100000x128xf32, #tpu.memory_space<hbm>>
    %dma_wait3A_372 = tpu.memref_squeeze %dma_wait3A_371 : memref<1x100000x128xf32, #tpu.memory_space<hbm>> -> memref<100000x128xf32, #tpu.memory_space<hbm>>
    %dma_wait3A_373 = arith.constant 0 : i32
    %dma_wait3A_374 = arith.constant 0 : i32
    %dma_wait3A_375 = tpu.memref_slice %dma_wait3A_372[%dma_wait3A_373, %dma_wait3A_374] : memref<100000x128xf32, #tpu.memory_space<hbm>> -> memref<100000x128xf32, #tpu.memory_space<hbm>>
    tpu.wait_indirect_dma semaphore(%arg10 : memref<!tpu.dma_semaphore, #tpu.memory_space<semaphore_mem>>) src(%dma_wait3A_375 : memref<100000x128xf32, #tpu.memory_space<hbm>>) dst(%arg9 : memref<128x128xf32, #tpu.memory_space<vmem>>)
    %add3A_376 = arith.constant 384 : i32
    %add3A_377 = arith.addi %mul3A_2, %add3A_376 : i32
    %dma_start3A_378 = arith.constant 1 : i32
    %dma_start3A_379 = arith.constant 0 : i32
    %dma_start3A_380 = arith.constant 0 : i32
    %dma_start3A_381 = tpu.memref_slice %arg4[%dma_start3A_378, %dma_start3A_379, %dma_start3A_380] : memref<7x16384x128xf32, #tpu.memory_space<hbm>> -> memref<1x16384x128xf32, #tpu.memory_space<hbm>>
    %dma_start3A_382 = tpu.memref_squeeze %dma_start3A_381 : memref<1x16384x128xf32, #tpu.memory_space<hbm>> -> memref<16384x128xf32, #tpu.memory_space<hbm>>
    %dma_start3A_383 = arith.constant 0 : i32
    %dma_start3A_384 = tpu.memref_slice %dma_start3A_382[%add3A_377, %dma_start3A_383] : memref<16384x128xf32, #tpu.memory_space<hbm>> -> memref<128x128xf32, #tpu.memory_space<hbm>>
    %dma_start3A_385 = arith.constant 0 : i32
    %dma_start3A_386 = arith.constant 0 : i32
    %dma_start3A_387 = tpu.memref_slice %arg4[%dma_start3A_378, %dma_start3A_385, %dma_start3A_386] : memref<7x16384x128xf32, #tpu.memory_space<hbm>> -> memref<1x16384x128xf32, #tpu.memory_space<hbm>>
    %dma_start3A_388 = tpu.memref_squeeze %dma_start3A_387 : memref<1x16384x128xf32, #tpu.memory_space<hbm>> -> memref<16384x128xf32, #tpu.memory_space<hbm>>
    %dma_start3A_389 = arith.constant 0 : i32
    %dma_start3A_390 = tpu.memref_slice %dma_start3A_388[%add3A_377, %dma_start3A_389] : memref<16384x128xf32, #tpu.memory_space<hbm>> -> memref<128x128xf32, #tpu.memory_space<hbm>>
    tpu.enqueue_dma source(%arg9 : memref<128x128xf32, #tpu.memory_space<vmem>>) target(%dma_start3A_390 : memref<128x128xf32, #tpu.memory_space<hbm>>) target_semaphore(%arg11 : memref<!tpu.dma_semaphore, #tpu.memory_space<semaphore_mem>>)
    %add3A_391 = arith.constant 256 : i32
    %add3A_392 = arith.addi %mul3A_2, %add3A_391 : i32
    %dma_wait3A_393 = arith.constant 1 : i32
    %dma_wait3A_394 = arith.constant 0 : i32
    %dma_wait3A_395 = arith.constant 0 : i32
    %dma_wait3A_396 = tpu.memref_slice %arg4[%dma_wait3A_393, %dma_wait3A_394, %dma_wait3A_395] : memref<7x16384x128xf32, #tpu.memory_space<hbm>> -> memref<1x16384x128xf32, #tpu.memory_space<hbm>>
    %dma_wait3A_397 = tpu.memref_squeeze %dma_wait3A_396 : memref<1x16384x128xf32, #tpu.memory_space<hbm>> -> memref<16384x128xf32, #tpu.memory_space<hbm>>
    %dma_wait3A_398 = arith.constant 0 : i32
    %dma_wait3A_399 = tpu.memref_slice %dma_wait3A_397[%add3A_392, %dma_wait3A_398] : memref<16384x128xf32, #tpu.memory_space<hbm>> -> memref<128x128xf32, #tpu.memory_space<hbm>>
    %dma_wait3A_400 = arith.constant 0 : i32
    %dma_wait3A_401 = arith.constant 0 : i32
    %dma_wait3A_402 = tpu.memref_slice %arg4[%dma_wait3A_393, %dma_wait3A_400, %dma_wait3A_401] : memref<7x16384x128xf32, #tpu.memory_space<hbm>> -> memref<1x16384x128xf32, #tpu.memory_space<hbm>>
    %dma_wait3A_403 = tpu.memref_squeeze %dma_wait3A_402 : memref<1x16384x128xf32, #tpu.memory_space<hbm>> -> memref<16384x128xf32, #tpu.memory_space<hbm>>
    %dma_wait3A_404 = arith.constant 0 : i32
    %dma_wait3A_405 = tpu.memref_slice %dma_wait3A_403[%add3A_392, %dma_wait3A_404] : memref<16384x128xf32, #tpu.memory_space<hbm>> -> memref<128x128xf32, #tpu.memory_space<hbm>>
    tpu.wait_dma2 semaphore(%arg11 : memref<!tpu.dma_semaphore, #tpu.memory_space<semaphore_mem>>) src(%arg8 : memref<128x128xf32, #tpu.memory_space<vmem>>) dst(%dma_wait3A_405 : memref<128x128xf32, #tpu.memory_space<hbm>>)
    %dma_start3A_406 = arith.constant 2 : i32
    %dma_start3A_407 = arith.constant 256 : i32
    %dma_start3A_408 = tpu.memref_slice %arg5[%dma_start3A_407] : memref<512xi32, #tpu.memory_space<vmem>> -> memref<128xi32, #tpu.memory_space<vmem>>
    %dma_start3A_409 = arith.constant 0 : i32
    %dma_start3A_410 = arith.constant 0 : i32
    %dma_start3A_411 = tpu.memref_slice %arg2[%dma_start3A_406, %dma_start3A_409, %dma_start3A_410] : memref<7x100000x128xf32, #tpu.memory_space<hbm>> -> memref<1x100000x128xf32, #tpu.memory_space<hbm>>
    %dma_start3A_412 = tpu.memref_squeeze %dma_start3A_411 : memref<1x100000x128xf32, #tpu.memory_space<hbm>> -> memref<100000x128xf32, #tpu.memory_space<hbm>>
    %dma_start3A_413 = arith.constant 0 : i32
    %dma_start3A_414 = arith.constant 0 : i32
    %dma_start3A_415 = tpu.memref_slice %dma_start3A_412[%dma_start3A_413, %dma_start3A_414] : memref<100000x128xf32, #tpu.memory_space<hbm>> -> memref<100000x128xf32, #tpu.memory_space<hbm>>
    tpu.enqueue_indirect_dma source(%dma_start3A_415 : memref<100000x128xf32, #tpu.memory_space<hbm>>) target(%arg8 : memref<128x128xf32, #tpu.memory_space<vmem>>) offsets(%dma_start3A_408 : memref<128xi32, #tpu.memory_space<vmem>>) semaphore(%arg10 : memref<!tpu.dma_semaphore, #tpu.memory_space<semaphore_mem>>)
    %dma_wait3A_416 = arith.constant 2 : i32
    %dma_wait3A_417 = arith.constant 0 : i32
    %dma_wait3A_418 = tpu.memref_slice %arg5[%dma_wait3A_417] : memref<512xi32, #tpu.memory_space<vmem>> -> memref<128xi32, #tpu.memory_space<vmem>>
    %dma_wait3A_419 = arith.constant 0 : i32
    %dma_wait3A_420 = arith.constant 0 : i32
    %dma_wait3A_421 = tpu.memref_slice %arg2[%dma_wait3A_416, %dma_wait3A_419, %dma_wait3A_420] : memref<7x100000x128xf32, #tpu.memory_space<hbm>> -> memref<1x100000x128xf32, #tpu.memory_space<hbm>>
    %dma_wait3A_422 = tpu.memref_squeeze %dma_wait3A_421 : memref<1x100000x128xf32, #tpu.memory_space<hbm>> -> memref<100000x128xf32, #tpu.memory_space<hbm>>
    %dma_wait3A_423 = arith.constant 0 : i32
    %dma_wait3A_424 = arith.constant 0 : i32
    %dma_wait3A_425 = tpu.memref_slice %dma_wait3A_422[%dma_wait3A_423, %dma_wait3A_424] : memref<100000x128xf32, #tpu.memory_space<hbm>> -> memref<100000x128xf32, #tpu.memory_space<hbm>>
    tpu.wait_indirect_dma semaphore(%arg10 : memref<!tpu.dma_semaphore, #tpu.memory_space<semaphore_mem>>) src(%dma_wait3A_425 : memref<100000x128xf32, #tpu.memory_space<hbm>>) dst(%arg6 : memref<128x128xf32, #tpu.memory_space<vmem>>)
    %add3A_426 = arith.constant 0 : i32
    %add3A_427 = arith.addi %mul3A_2, %add3A_426 : i32
    %dma_start3A_428 = arith.constant 2 : i32
    %dma_start3A_429 = arith.constant 0 : i32
    %dma_start3A_430 = arith.constant 0 : i32
    %dma_start3A_431 = tpu.memref_slice %arg4[%dma_start3A_428, %dma_start3A_429, %dma_start3A_430] : memref<7x16384x128xf32, #tpu.memory_space<hbm>> -> memref<1x16384x128xf32, #tpu.memory_space<hbm>>
    %dma_start3A_432 = tpu.memref_squeeze %dma_start3A_431 : memref<1x16384x128xf32, #tpu.memory_space<hbm>> -> memref<16384x128xf32, #tpu.memory_space<hbm>>
    %dma_start3A_433 = arith.constant 0 : i32
    %dma_start3A_434 = tpu.memref_slice %dma_start3A_432[%add3A_427, %dma_start3A_433] : memref<16384x128xf32, #tpu.memory_space<hbm>> -> memref<128x128xf32, #tpu.memory_space<hbm>>
    %dma_start3A_435 = arith.constant 0 : i32
    %dma_start3A_436 = arith.constant 0 : i32
    %dma_start3A_437 = tpu.memref_slice %arg4[%dma_start3A_428, %dma_start3A_435, %dma_start3A_436] : memref<7x16384x128xf32, #tpu.memory_space<hbm>> -> memref<1x16384x128xf32, #tpu.memory_space<hbm>>
    %dma_start3A_438 = tpu.memref_squeeze %dma_start3A_437 : memref<1x16384x128xf32, #tpu.memory_space<hbm>> -> memref<16384x128xf32, #tpu.memory_space<hbm>>
    %dma_start3A_439 = arith.constant 0 : i32
    %dma_start3A_440 = tpu.memref_slice %dma_start3A_438[%add3A_427, %dma_start3A_439] : memref<16384x128xf32, #tpu.memory_space<hbm>> -> memref<128x128xf32, #tpu.memory_space<hbm>>
    tpu.enqueue_dma source(%arg6 : memref<128x128xf32, #tpu.memory_space<vmem>>) target(%dma_start3A_440 : memref<128x128xf32, #tpu.memory_space<hbm>>) target_semaphore(%arg11 : memref<!tpu.dma_semaphore, #tpu.memory_space<semaphore_mem>>)
    %add3A_441 = arith.constant 384 : i32
    %add3A_442 = arith.addi %mul3A_2, %add3A_441 : i32
    %dma_wait3A_443 = arith.constant 1 : i32
    %dma_wait3A_444 = arith.constant 0 : i32
    %dma_wait3A_445 = arith.constant 0 : i32
    %dma_wait3A_446 = tpu.memref_slice %arg4[%dma_wait3A_443, %dma_wait3A_444, %dma_wait3A_445] : memref<7x16384x128xf32, #tpu.memory_space<hbm>> -> memref<1x16384x128xf32, #tpu.memory_space<hbm>>
    %dma_wait3A_447 = tpu.memref_squeeze %dma_wait3A_446 : memref<1x16384x128xf32, #tpu.memory_space<hbm>> -> memref<16384x128xf32, #tpu.memory_space<hbm>>
    %dma_wait3A_448 = arith.constant 0 : i32
    %dma_wait3A_449 = tpu.memref_slice %dma_wait3A_447[%add3A_442, %dma_wait3A_448] : memref<16384x128xf32, #tpu.memory_space<hbm>> -> memref<128x128xf32, #tpu.memory_space<hbm>>
    %dma_wait3A_450 = arith.constant 0 : i32
    %dma_wait3A_451 = arith.constant 0 : i32
    %dma_wait3A_452 = tpu.memref_slice %arg4[%dma_wait3A_443, %dma_wait3A_450, %dma_wait3A_451] : memref<7x16384x128xf32, #tpu.memory_space<hbm>> -> memref<1x16384x128xf32, #tpu.memory_space<hbm>>
    %dma_wait3A_453 = tpu.memref_squeeze %dma_wait3A_452 : memref<1x16384x128xf32, #tpu.memory_space<hbm>> -> memref<16384x128xf32, #tpu.memory_space<hbm>>
    %dma_wait3A_454 = arith.constant 0 : i32
    %dma_wait3A_455 = tpu.memref_slice %dma_wait3A_453[%add3A_442, %dma_wait3A_454] : memref<16384x128xf32, #tpu.memory_space<hbm>> -> memref<128x128xf32, #tpu.memory_space<hbm>>
    tpu.wait_dma2 semaphore(%arg11 : memref<!tpu.dma_semaphore, #tpu.memory_space<semaphore_mem>>) src(%arg9 : memref<128x128xf32, #tpu.memory_space<vmem>>) dst(%dma_wait3A_455 : memref<128x128xf32, #tpu.memory_space<hbm>>)
    %dma_start3A_456 = arith.constant 2 : i32
    %dma_start3A_457 = arith.constant 384 : i32
    %dma_start3A_458 = tpu.memref_slice %arg5[%dma_start3A_457] : memref<512xi32, #tpu.memory_space<vmem>> -> memref<128xi32, #tpu.memory_space<vmem>>
    %dma_start3A_459 = arith.constant 0 : i32
    %dma_start3A_460 = arith.constant 0 : i32
    %dma_start3A_461 = tpu.memref_slice %arg2[%dma_start3A_456, %dma_start3A_459, %dma_start3A_460] : memref<7x100000x128xf32, #tpu.memory_space<hbm>> -> memref<1x100000x128xf32, #tpu.memory_space<hbm>>
    %dma_start3A_462 = tpu.memref_squeeze %dma_start3A_461 : memref<1x100000x128xf32, #tpu.memory_space<hbm>> -> memref<100000x128xf32, #tpu.memory_space<hbm>>
    %dma_start3A_463 = arith.constant 0 : i32
    %dma_start3A_464 = arith.constant 0 : i32
    %dma_start3A_465 = tpu.memref_slice %dma_start3A_462[%dma_start3A_463, %dma_start3A_464] : memref<100000x128xf32, #tpu.memory_space<hbm>> -> memref<100000x128xf32, #tpu.memory_space<hbm>>
    tpu.enqueue_indirect_dma source(%dma_start3A_465 : memref<100000x128xf32, #tpu.memory_space<hbm>>) target(%arg9 : memref<128x128xf32, #tpu.memory_space<vmem>>) offsets(%dma_start3A_458 : memref<128xi32, #tpu.memory_space<vmem>>) semaphore(%arg10 : memref<!tpu.dma_semaphore, #tpu.memory_space<semaphore_mem>>)
    %dma_wait3A_466 = arith.constant 2 : i32
    %dma_wait3A_467 = arith.constant 128 : i32
    %dma_wait3A_468 = tpu.memref_slice %arg5[%dma_wait3A_467] : memref<512xi32, #tpu.memory_space<vmem>> -> memref<128xi32, #tpu.memory_space<vmem>>
    %dma_wait3A_469 = arith.constant 0 : i32
    %dma_wait3A_470 = arith.constant 0 : i32
    %dma_wait3A_471 = tpu.memref_slice %arg2[%dma_wait3A_466, %dma_wait3A_469, %dma_wait3A_470] : memref<7x100000x128xf32, #tpu.memory_space<hbm>> -> memref<1x100000x128xf32, #tpu.memory_space<hbm>>
    %dma_wait3A_472 = tpu.memref_squeeze %dma_wait3A_471 : memref<1x100000x128xf32, #tpu.memory_space<hbm>> -> memref<100000x128xf32, #tpu.memory_space<hbm>>
    %dma_wait3A_473 = arith.constant 0 : i32
    %dma_wait3A_474 = arith.constant 0 : i32
    %dma_wait3A_475 = tpu.memref_slice %dma_wait3A_472[%dma_wait3A_473, %dma_wait3A_474] : memref<100000x128xf32, #tpu.memory_space<hbm>> -> memref<100000x128xf32, #tpu.memory_space<hbm>>
    tpu.wait_indirect_dma semaphore(%arg10 : memref<!tpu.dma_semaphore, #tpu.memory_space<semaphore_mem>>) src(%dma_wait3A_475 : memref<100000x128xf32, #tpu.memory_space<hbm>>) dst(%arg7 : memref<128x128xf32, #tpu.memory_space<vmem>>)
    %add3A_476 = arith.constant 128 : i32
    %add3A_477 = arith.addi %mul3A_2, %add3A_476 : i32
    %dma_start3A_478 = arith.constant 2 : i32
    %dma_start3A_479 = arith.constant 0 : i32
    %dma_start3A_480 = arith.constant 0 : i32
    %dma_start3A_481 = tpu.memref_slice %arg4[%dma_start3A_478, %dma_start3A_479, %dma_start3A_480] : memref<7x16384x128xf32, #tpu.memory_space<hbm>> -> memref<1x16384x128xf32, #tpu.memory_space<hbm>>
    %dma_start3A_482 = tpu.memref_squeeze %dma_start3A_481 : memref<1x16384x128xf32, #tpu.memory_space<hbm>> -> memref<16384x128xf32, #tpu.memory_space<hbm>>
    %dma_start3A_483 = arith.constant 0 : i32
    %dma_start3A_484 = tpu.memref_slice %dma_start3A_482[%add3A_477, %dma_start3A_483] : memref<16384x128xf32, #tpu.memory_space<hbm>> -> memref<128x128xf32, #tpu.memory_space<hbm>>
    %dma_start3A_485 = arith.constant 0 : i32
    %dma_start3A_486 = arith.constant 0 : i32
    %dma_start3A_487 = tpu.memref_slice %arg4[%dma_start3A_478, %dma_start3A_485, %dma_start3A_486] : memref<7x16384x128xf32, #tpu.memory_space<hbm>> -> memref<1x16384x128xf32, #tpu.memory_space<hbm>>
    %dma_start3A_488 = tpu.memref_squeeze %dma_start3A_487 : memref<1x16384x128xf32, #tpu.memory_space<hbm>> -> memref<16384x128xf32, #tpu.memory_space<hbm>>
    %dma_start3A_489 = arith.constant 0 : i32
    %dma_start3A_490 = tpu.memref_slice %dma_start3A_488[%add3A_477, %dma_start3A_489] : memref<16384x128xf32, #tpu.memory_space<hbm>> -> memref<128x128xf32, #tpu.memory_space<hbm>>
    tpu.enqueue_dma source(%arg7 : memref<128x128xf32, #tpu.memory_space<vmem>>) target(%dma_start3A_490 : memref<128x128xf32, #tpu.memory_space<hbm>>) target_semaphore(%arg11 : memref<!tpu.dma_semaphore, #tpu.memory_space<semaphore_mem>>)
    %add3A_491 = arith.constant 0 : i32
    %add3A_492 = arith.addi %mul3A_2, %add3A_491 : i32
    %dma_wait3A_493 = arith.constant 2 : i32
    %dma_wait3A_494 = arith.constant 0 : i32
    %dma_wait3A_495 = arith.constant 0 : i32
    %dma_wait3A_496 = tpu.memref_slice %arg4[%dma_wait3A_493, %dma_wait3A_494, %dma_wait3A_495] : memref<7x16384x128xf32, #tpu.memory_space<hbm>> -> memref<1x16384x128xf32, #tpu.memory_space<hbm>>
    %dma_wait3A_497 = tpu.memref_squeeze %dma_wait3A_496 : memref<1x16384x128xf32, #tpu.memory_space<hbm>> -> memref<16384x128xf32, #tpu.memory_space<hbm>>
    %dma_wait3A_498 = arith.constant 0 : i32
    %dma_wait3A_499 = tpu.memref_slice %dma_wait3A_497[%add3A_492, %dma_wait3A_498] : memref<16384x128xf32, #tpu.memory_space<hbm>> -> memref<128x128xf32, #tpu.memory_space<hbm>>
    %dma_wait3A_500 = arith.constant 0 : i32
    %dma_wait3A_501 = arith.constant 0 : i32
    %dma_wait3A_502 = tpu.memref_slice %arg4[%dma_wait3A_493, %dma_wait3A_500, %dma_wait3A_501] : memref<7x16384x128xf32, #tpu.memory_space<hbm>> -> memref<1x16384x128xf32, #tpu.memory_space<hbm>>
    %dma_wait3A_503 = tpu.memref_squeeze %dma_wait3A_502 : memref<1x16384x128xf32, #tpu.memory_space<hbm>> -> memref<16384x128xf32, #tpu.memory_space<hbm>>
    %dma_wait3A_504 = arith.constant 0 : i32
    %dma_wait3A_505 = tpu.memref_slice %dma_wait3A_503[%add3A_492, %dma_wait3A_504] : memref<16384x128xf32, #tpu.memory_space<hbm>> -> memref<128x128xf32, #tpu.memory_space<hbm>>
    tpu.wait_dma2 semaphore(%arg11 : memref<!tpu.dma_semaphore, #tpu.memory_space<semaphore_mem>>) src(%arg6 : memref<128x128xf32, #tpu.memory_space<vmem>>) dst(%dma_wait3A_505 : memref<128x128xf32, #tpu.memory_space<hbm>>)
    %dma_start3A_506 = arith.constant 3 : i32
    %dma_start3A_507 = arith.constant 0 : i32
    %dma_start3A_508 = tpu.memref_slice %arg5[%dma_start3A_507] : memref<512xi32, #tpu.memory_space<vmem>> -> memref<128xi32, #tpu.memory_space<vmem>>
    %dma_start3A_509 = arith.constant 0 : i32
    %dma_start3A_510 = arith.constant 0 : i32
    %dma_start3A_511 = tpu.memref_slice %arg2[%dma_start3A_506, %dma_start3A_509, %dma_start3A_510] : memref<7x100000x128xf32, #tpu.memory_space<hbm>> -> memref<1x100000x128xf32, #tpu.memory_space<hbm>>
    %dma_start3A_512 = tpu.memref_squeeze %dma_start3A_511 : memref<1x100000x128xf32, #tpu.memory_space<hbm>> -> memref<100000x128xf32, #tpu.memory_space<hbm>>
    %dma_start3A_513 = arith.constant 0 : i32
    %dma_start3A_514 = arith.constant 0 : i32
    %dma_start3A_515 = tpu.memref_slice %dma_start3A_512[%dma_start3A_513, %dma_start3A_514] : memref<100000x128xf32, #tpu.memory_space<hbm>> -> memref<100000x128xf32, #tpu.memory_space<hbm>>
    tpu.enqueue_indirect_dma source(%dma_start3A_515 : memref<100000x128xf32, #tpu.memory_space<hbm>>) target(%arg6 : memref<128x128xf32, #tpu.memory_space<vmem>>) offsets(%dma_start3A_508 : memref<128xi32, #tpu.memory_space<vmem>>) semaphore(%arg10 : memref<!tpu.dma_semaphore, #tpu.memory_space<semaphore_mem>>)
    %dma_wait3A_516 = arith.constant 2 : i32
    %dma_wait3A_517 = arith.constant 256 : i32
    %dma_wait3A_518 = tpu.memref_slice %arg5[%dma_wait3A_517] : memref<512xi32, #tpu.memory_space<vmem>> -> memref<128xi32, #tpu.memory_space<vmem>>
    %dma_wait3A_519 = arith.constant 0 : i32
    %dma_wait3A_520 = arith.constant 0 : i32
    %dma_wait3A_521 = tpu.memref_slice %arg2[%dma_wait3A_516, %dma_wait3A_519, %dma_wait3A_520] : memref<7x100000x128xf32, #tpu.memory_space<hbm>> -> memref<1x100000x128xf32, #tpu.memory_space<hbm>>
    %dma_wait3A_522 = tpu.memref_squeeze %dma_wait3A_521 : memref<1x100000x128xf32, #tpu.memory_space<hbm>> -> memref<100000x128xf32, #tpu.memory_space<hbm>>
    %dma_wait3A_523 = arith.constant 0 : i32
    %dma_wait3A_524 = arith.constant 0 : i32
    %dma_wait3A_525 = tpu.memref_slice %dma_wait3A_522[%dma_wait3A_523, %dma_wait3A_524] : memref<100000x128xf32, #tpu.memory_space<hbm>> -> memref<100000x128xf32, #tpu.memory_space<hbm>>
    tpu.wait_indirect_dma semaphore(%arg10 : memref<!tpu.dma_semaphore, #tpu.memory_space<semaphore_mem>>) src(%dma_wait3A_525 : memref<100000x128xf32, #tpu.memory_space<hbm>>) dst(%arg8 : memref<128x128xf32, #tpu.memory_space<vmem>>)
    %add3A_526 = arith.constant 256 : i32
    %add3A_527 = arith.addi %mul3A_2, %add3A_526 : i32
    %dma_start3A_528 = arith.constant 2 : i32
    %dma_start3A_529 = arith.constant 0 : i32
    %dma_start3A_530 = arith.constant 0 : i32
    %dma_start3A_531 = tpu.memref_slice %arg4[%dma_start3A_528, %dma_start3A_529, %dma_start3A_530] : memref<7x16384x128xf32, #tpu.memory_space<hbm>> -> memref<1x16384x128xf32, #tpu.memory_space<hbm>>
    %dma_start3A_532 = tpu.memref_squeeze %dma_start3A_531 : memref<1x16384x128xf32, #tpu.memory_space<hbm>> -> memref<16384x128xf32, #tpu.memory_space<hbm>>
    %dma_start3A_533 = arith.constant 0 : i32
    %dma_start3A_534 = tpu.memref_slice %dma_start3A_532[%add3A_527, %dma_start3A_533] : memref<16384x128xf32, #tpu.memory_space<hbm>> -> memref<128x128xf32, #tpu.memory_space<hbm>>
    %dma_start3A_535 = arith.constant 0 : i32
    %dma_start3A_536 = arith.constant 0 : i32
    %dma_start3A_537 = tpu.memref_slice %arg4[%dma_start3A_528, %dma_start3A_535, %dma_start3A_536] : memref<7x16384x128xf32, #tpu.memory_space<hbm>> -> memref<1x16384x128xf32, #tpu.memory_space<hbm>>
    %dma_start3A_538 = tpu.memref_squeeze %dma_start3A_537 : memref<1x16384x128xf32, #tpu.memory_space<hbm>> -> memref<16384x128xf32, #tpu.memory_space<hbm>>
    %dma_start3A_539 = arith.constant 0 : i32
    %dma_start3A_540 = tpu.memref_slice %dma_start3A_538[%add3A_527, %dma_start3A_539] : memref<16384x128xf32, #tpu.memory_space<hbm>> -> memref<128x128xf32, #tpu.memory_space<hbm>>
    tpu.enqueue_dma source(%arg8 : memref<128x128xf32, #tpu.memory_space<vmem>>) target(%dma_start3A_540 : memref<128x128xf32, #tpu.memory_space<hbm>>) target_semaphore(%arg11 : memref<!tpu.dma_semaphore, #tpu.memory_space<semaphore_mem>>)
    %add3A_541 = arith.constant 128 : i32
    %add3A_542 = arith.addi %mul3A_2, %add3A_541 : i32
    %dma_wait3A_543 = arith.constant 2 : i32
    %dma_wait3A_544 = arith.constant 0 : i32
    %dma_wait3A_545 = arith.constant 0 : i32
    %dma_wait3A_546 = tpu.memref_slice %arg4[%dma_wait3A_543, %dma_wait3A_544, %dma_wait3A_545] : memref<7x16384x128xf32, #tpu.memory_space<hbm>> -> memref<1x16384x128xf32, #tpu.memory_space<hbm>>
    %dma_wait3A_547 = tpu.memref_squeeze %dma_wait3A_546 : memref<1x16384x128xf32, #tpu.memory_space<hbm>> -> memref<16384x128xf32, #tpu.memory_space<hbm>>
    %dma_wait3A_548 = arith.constant 0 : i32
    %dma_wait3A_549 = tpu.memref_slice %dma_wait3A_547[%add3A_542, %dma_wait3A_548] : memref<16384x128xf32, #tpu.memory_space<hbm>> -> memref<128x128xf32, #tpu.memory_space<hbm>>
    %dma_wait3A_550 = arith.constant 0 : i32
    %dma_wait3A_551 = arith.constant 0 : i32
    %dma_wait3A_552 = tpu.memref_slice %arg4[%dma_wait3A_543, %dma_wait3A_550, %dma_wait3A_551] : memref<7x16384x128xf32, #tpu.memory_space<hbm>> -> memref<1x16384x128xf32, #tpu.memory_space<hbm>>
    %dma_wait3A_553 = tpu.memref_squeeze %dma_wait3A_552 : memref<1x16384x128xf32, #tpu.memory_space<hbm>> -> memref<16384x128xf32, #tpu.memory_space<hbm>>
    %dma_wait3A_554 = arith.constant 0 : i32
    %dma_wait3A_555 = tpu.memref_slice %dma_wait3A_553[%add3A_542, %dma_wait3A_554] : memref<16384x128xf32, #tpu.memory_space<hbm>> -> memref<128x128xf32, #tpu.memory_space<hbm>>
    tpu.wait_dma2 semaphore(%arg11 : memref<!tpu.dma_semaphore, #tpu.memory_space<semaphore_mem>>) src(%arg7 : memref<128x128xf32, #tpu.memory_space<vmem>>) dst(%dma_wait3A_555 : memref<128x128xf32, #tpu.memory_space<hbm>>)
    %dma_start3A_556 = arith.constant 3 : i32
    %dma_start3A_557 = arith.constant 128 : i32
    %dma_start3A_558 = tpu.memref_slice %arg5[%dma_start3A_557] : memref<512xi32, #tpu.memory_space<vmem>> -> memref<128xi32, #tpu.memory_space<vmem>>
    %dma_start3A_559 = arith.constant 0 : i32
    %dma_start3A_560 = arith.constant 0 : i32
    %dma_start3A_561 = tpu.memref_slice %arg2[%dma_start3A_556, %dma_start3A_559, %dma_start3A_560] : memref<7x100000x128xf32, #tpu.memory_space<hbm>> -> memref<1x100000x128xf32, #tpu.memory_space<hbm>>
    %dma_start3A_562 = tpu.memref_squeeze %dma_start3A_561 : memref<1x100000x128xf32, #tpu.memory_space<hbm>> -> memref<100000x128xf32, #tpu.memory_space<hbm>>
    %dma_start3A_563 = arith.constant 0 : i32
    %dma_start3A_564 = arith.constant 0 : i32
    %dma_start3A_565 = tpu.memref_slice %dma_start3A_562[%dma_start3A_563, %dma_start3A_564] : memref<100000x128xf32, #tpu.memory_space<hbm>> -> memref<100000x128xf32, #tpu.memory_space<hbm>>
    tpu.enqueue_indirect_dma source(%dma_start3A_565 : memref<100000x128xf32, #tpu.memory_space<hbm>>) target(%arg7 : memref<128x128xf32, #tpu.memory_space<vmem>>) offsets(%dma_start3A_558 : memref<128xi32, #tpu.memory_space<vmem>>) semaphore(%arg10 : memref<!tpu.dma_semaphore, #tpu.memory_space<semaphore_mem>>)
    %dma_wait3A_566 = arith.constant 2 : i32
    %dma_wait3A_567 = arith.constant 384 : i32
    %dma_wait3A_568 = tpu.memref_slice %arg5[%dma_wait3A_567] : memref<512xi32, #tpu.memory_space<vmem>> -> memref<128xi32, #tpu.memory_space<vmem>>
    %dma_wait3A_569 = arith.constant 0 : i32
    %dma_wait3A_570 = arith.constant 0 : i32
    %dma_wait3A_571 = tpu.memref_slice %arg2[%dma_wait3A_566, %dma_wait3A_569, %dma_wait3A_570] : memref<7x100000x128xf32, #tpu.memory_space<hbm>> -> memref<1x100000x128xf32, #tpu.memory_space<hbm>>
    %dma_wait3A_572 = tpu.memref_squeeze %dma_wait3A_571 : memref<1x100000x128xf32, #tpu.memory_space<hbm>> -> memref<100000x128xf32, #tpu.memory_space<hbm>>
    %dma_wait3A_573 = arith.constant 0 : i32
    %dma_wait3A_574 = arith.constant 0 : i32
    %dma_wait3A_575 = tpu.memref_slice %dma_wait3A_572[%dma_wait3A_573, %dma_wait3A_574] : memref<100000x128xf32, #tpu.memory_space<hbm>> -> memref<100000x128xf32, #tpu.memory_space<hbm>>
    tpu.wait_indirect_dma semaphore(%arg10 : memref<!tpu.dma_semaphore, #tpu.memory_space<semaphore_mem>>) src(%dma_wait3A_575 : memref<100000x128xf32, #tpu.memory_space<hbm>>) dst(%arg9 : memref<128x128xf32, #tpu.memory_space<vmem>>)
    %add3A_576 = arith.constant 384 : i32
    %add3A_577 = arith.addi %mul3A_2, %add3A_576 : i32
    %dma_start3A_578 = arith.constant 2 : i32
    %dma_start3A_579 = arith.constant 0 : i32
    %dma_start3A_580 = arith.constant 0 : i32
    %dma_start3A_581 = tpu.memref_slice %arg4[%dma_start3A_578, %dma_start3A_579, %dma_start3A_580] : memref<7x16384x128xf32, #tpu.memory_space<hbm>> -> memref<1x16384x128xf32, #tpu.memory_space<hbm>>
    %dma_start3A_582 = tpu.memref_squeeze %dma_start3A_581 : memref<1x16384x128xf32, #tpu.memory_space<hbm>> -> memref<16384x128xf32, #tpu.memory_space<hbm>>
    %dma_start3A_583 = arith.constant 0 : i32
    %dma_start3A_584 = tpu.memref_slice %dma_start3A_582[%add3A_577, %dma_start3A_583] : memref<16384x128xf32, #tpu.memory_space<hbm>> -> memref<128x128xf32, #tpu.memory_space<hbm>>
    %dma_start3A_585 = arith.constant 0 : i32
    %dma_start3A_586 = arith.constant 0 : i32
    %dma_start3A_587 = tpu.memref_slice %arg4[%dma_start3A_578, %dma_start3A_585, %dma_start3A_586] : memref<7x16384x128xf32, #tpu.memory_space<hbm>> -> memref<1x16384x128xf32, #tpu.memory_space<hbm>>
    %dma_start3A_588 = tpu.memref_squeeze %dma_start3A_587 : memref<1x16384x128xf32, #tpu.memory_space<hbm>> -> memref<16384x128xf32, #tpu.memory_space<hbm>>
    %dma_start3A_589 = arith.constant 0 : i32
    %dma_start3A_590 = tpu.memref_slice %dma_start3A_588[%add3A_577, %dma_start3A_589] : memref<16384x128xf32, #tpu.memory_space<hbm>> -> memref<128x128xf32, #tpu.memory_space<hbm>>
    tpu.enqueue_dma source(%arg9 : memref<128x128xf32, #tpu.memory_space<vmem>>) target(%dma_start3A_590 : memref<128x128xf32, #tpu.memory_space<hbm>>) target_semaphore(%arg11 : memref<!tpu.dma_semaphore, #tpu.memory_space<semaphore_mem>>)
    %add3A_591 = arith.constant 256 : i32
    %add3A_592 = arith.addi %mul3A_2, %add3A_591 : i32
    %dma_wait3A_593 = arith.constant 2 : i32
    %dma_wait3A_594 = arith.constant 0 : i32
    %dma_wait3A_595 = arith.constant 0 : i32
    %dma_wait3A_596 = tpu.memref_slice %arg4[%dma_wait3A_593, %dma_wait3A_594, %dma_wait3A_595] : memref<7x16384x128xf32, #tpu.memory_space<hbm>> -> memref<1x16384x128xf32, #tpu.memory_space<hbm>>
    %dma_wait3A_597 = tpu.memref_squeeze %dma_wait3A_596 : memref<1x16384x128xf32, #tpu.memory_space<hbm>> -> memref<16384x128xf32, #tpu.memory_space<hbm>>
    %dma_wait3A_598 = arith.constant 0 : i32
    %dma_wait3A_599 = tpu.memref_slice %dma_wait3A_597[%add3A_592, %dma_wait3A_598] : memref<16384x128xf32, #tpu.memory_space<hbm>> -> memref<128x128xf32, #tpu.memory_space<hbm>>
    %dma_wait3A_600 = arith.constant 0 : i32
    %dma_wait3A_601 = arith.constant 0 : i32
    %dma_wait3A_602 = tpu.memref_slice %arg4[%dma_wait3A_593, %dma_wait3A_600, %dma_wait3A_601] : memref<7x16384x128xf32, #tpu.memory_space<hbm>> -> memref<1x16384x128xf32, #tpu.memory_space<hbm>>
    %dma_wait3A_603 = tpu.memref_squeeze %dma_wait3A_602 : memref<1x16384x128xf32, #tpu.memory_space<hbm>> -> memref<16384x128xf32, #tpu.memory_space<hbm>>
    %dma_wait3A_604 = arith.constant 0 : i32
    %dma_wait3A_605 = tpu.memref_slice %dma_wait3A_603[%add3A_592, %dma_wait3A_604] : memref<16384x128xf32, #tpu.memory_space<hbm>> -> memref<128x128xf32, #tpu.memory_space<hbm>>
    tpu.wait_dma2 semaphore(%arg11 : memref<!tpu.dma_semaphore, #tpu.memory_space<semaphore_mem>>) src(%arg8 : memref<128x128xf32, #tpu.memory_space<vmem>>) dst(%dma_wait3A_605 : memref<128x128xf32, #tpu.memory_space<hbm>>)
    %dma_start3A_606 = arith.constant 3 : i32
    %dma_start3A_607 = arith.constant 256 : i32
    %dma_start3A_608 = tpu.memref_slice %arg5[%dma_start3A_607] : memref<512xi32, #tpu.memory_space<vmem>> -> memref<128xi32, #tpu.memory_space<vmem>>
    %dma_start3A_609 = arith.constant 0 : i32
    %dma_start3A_610 = arith.constant 0 : i32
    %dma_start3A_611 = tpu.memref_slice %arg2[%dma_start3A_606, %dma_start3A_609, %dma_start3A_610] : memref<7x100000x128xf32, #tpu.memory_space<hbm>> -> memref<1x100000x128xf32, #tpu.memory_space<hbm>>
    %dma_start3A_612 = tpu.memref_squeeze %dma_start3A_611 : memref<1x100000x128xf32, #tpu.memory_space<hbm>> -> memref<100000x128xf32, #tpu.memory_space<hbm>>
    %dma_start3A_613 = arith.constant 0 : i32
    %dma_start3A_614 = arith.constant 0 : i32
    %dma_start3A_615 = tpu.memref_slice %dma_start3A_612[%dma_start3A_613, %dma_start3A_614] : memref<100000x128xf32, #tpu.memory_space<hbm>> -> memref<100000x128xf32, #tpu.memory_space<hbm>>
    tpu.enqueue_indirect_dma source(%dma_start3A_615 : memref<100000x128xf32, #tpu.memory_space<hbm>>) target(%arg8 : memref<128x128xf32, #tpu.memory_space<vmem>>) offsets(%dma_start3A_608 : memref<128xi32, #tpu.memory_space<vmem>>) semaphore(%arg10 : memref<!tpu.dma_semaphore, #tpu.memory_space<semaphore_mem>>)
    %dma_wait3A_616 = arith.constant 3 : i32
    %dma_wait3A_617 = arith.constant 0 : i32
    %dma_wait3A_618 = tpu.memref_slice %arg5[%dma_wait3A_617] : memref<512xi32, #tpu.memory_space<vmem>> -> memref<128xi32, #tpu.memory_space<vmem>>
    %dma_wait3A_619 = arith.constant 0 : i32
    %dma_wait3A_620 = arith.constant 0 : i32
    %dma_wait3A_621 = tpu.memref_slice %arg2[%dma_wait3A_616, %dma_wait3A_619, %dma_wait3A_620] : memref<7x100000x128xf32, #tpu.memory_space<hbm>> -> memref<1x100000x128xf32, #tpu.memory_space<hbm>>
    %dma_wait3A_622 = tpu.memref_squeeze %dma_wait3A_621 : memref<1x100000x128xf32, #tpu.memory_space<hbm>> -> memref<100000x128xf32, #tpu.memory_space<hbm>>
    %dma_wait3A_623 = arith.constant 0 : i32
    %dma_wait3A_624 = arith.constant 0 : i32
    %dma_wait3A_625 = tpu.memref_slice %dma_wait3A_622[%dma_wait3A_623, %dma_wait3A_624] : memref<100000x128xf32, #tpu.memory_space<hbm>> -> memref<100000x128xf32, #tpu.memory_space<hbm>>
    tpu.wait_indirect_dma semaphore(%arg10 : memref<!tpu.dma_semaphore, #tpu.memory_space<semaphore_mem>>) src(%dma_wait3A_625 : memref<100000x128xf32, #tpu.memory_space<hbm>>) dst(%arg6 : memref<128x128xf32, #tpu.memory_space<vmem>>)
    %add3A_626 = arith.constant 0 : i32
    %add3A_627 = arith.addi %mul3A_2, %add3A_626 : i32
    %dma_start3A_628 = arith.constant 3 : i32
    %dma_start3A_629 = arith.constant 0 : i32
    %dma_start3A_630 = arith.constant 0 : i32
    %dma_start3A_631 = tpu.memref_slice %arg4[%dma_start3A_628, %dma_start3A_629, %dma_start3A_630] : memref<7x16384x128xf32, #tpu.memory_space<hbm>> -> memref<1x16384x128xf32, #tpu.memory_space<hbm>>
    %dma_start3A_632 = tpu.memref_squeeze %dma_start3A_631 : memref<1x16384x128xf32, #tpu.memory_space<hbm>> -> memref<16384x128xf32, #tpu.memory_space<hbm>>
    %dma_start3A_633 = arith.constant 0 : i32
    %dma_start3A_634 = tpu.memref_slice %dma_start3A_632[%add3A_627, %dma_start3A_633] : memref<16384x128xf32, #tpu.memory_space<hbm>> -> memref<128x128xf32, #tpu.memory_space<hbm>>
    %dma_start3A_635 = arith.constant 0 : i32
    %dma_start3A_636 = arith.constant 0 : i32
    %dma_start3A_637 = tpu.memref_slice %arg4[%dma_start3A_628, %dma_start3A_635, %dma_start3A_636] : memref<7x16384x128xf32, #tpu.memory_space<hbm>> -> memref<1x16384x128xf32, #tpu.memory_space<hbm>>
    %dma_start3A_638 = tpu.memref_squeeze %dma_start3A_637 : memref<1x16384x128xf32, #tpu.memory_space<hbm>> -> memref<16384x128xf32, #tpu.memory_space<hbm>>
    %dma_start3A_639 = arith.constant 0 : i32
    %dma_start3A_640 = tpu.memref_slice %dma_start3A_638[%add3A_627, %dma_start3A_639] : memref<16384x128xf32, #tpu.memory_space<hbm>> -> memref<128x128xf32, #tpu.memory_space<hbm>>
    tpu.enqueue_dma source(%arg6 : memref<128x128xf32, #tpu.memory_space<vmem>>) target(%dma_start3A_640 : memref<128x128xf32, #tpu.memory_space<hbm>>) target_semaphore(%arg11 : memref<!tpu.dma_semaphore, #tpu.memory_space<semaphore_mem>>)
    %add3A_641 = arith.constant 384 : i32
    %add3A_642 = arith.addi %mul3A_2, %add3A_641 : i32
    %dma_wait3A_643 = arith.constant 2 : i32
    %dma_wait3A_644 = arith.constant 0 : i32
    %dma_wait3A_645 = arith.constant 0 : i32
    %dma_wait3A_646 = tpu.memref_slice %arg4[%dma_wait3A_643, %dma_wait3A_644, %dma_wait3A_645] : memref<7x16384x128xf32, #tpu.memory_space<hbm>> -> memref<1x16384x128xf32, #tpu.memory_space<hbm>>
    %dma_wait3A_647 = tpu.memref_squeeze %dma_wait3A_646 : memref<1x16384x128xf32, #tpu.memory_space<hbm>> -> memref<16384x128xf32, #tpu.memory_space<hbm>>
    %dma_wait3A_648 = arith.constant 0 : i32
    %dma_wait3A_649 = tpu.memref_slice %dma_wait3A_647[%add3A_642, %dma_wait3A_648] : memref<16384x128xf32, #tpu.memory_space<hbm>> -> memref<128x128xf32, #tpu.memory_space<hbm>>
    %dma_wait3A_650 = arith.constant 0 : i32
    %dma_wait3A_651 = arith.constant 0 : i32
    %dma_wait3A_652 = tpu.memref_slice %arg4[%dma_wait3A_643, %dma_wait3A_650, %dma_wait3A_651] : memref<7x16384x128xf32, #tpu.memory_space<hbm>> -> memref<1x16384x128xf32, #tpu.memory_space<hbm>>
    %dma_wait3A_653 = tpu.memref_squeeze %dma_wait3A_652 : memref<1x16384x128xf32, #tpu.memory_space<hbm>> -> memref<16384x128xf32, #tpu.memory_space<hbm>>
    %dma_wait3A_654 = arith.constant 0 : i32
    %dma_wait3A_655 = tpu.memref_slice %dma_wait3A_653[%add3A_642, %dma_wait3A_654] : memref<16384x128xf32, #tpu.memory_space<hbm>> -> memref<128x128xf32, #tpu.memory_space<hbm>>
    tpu.wait_dma2 semaphore(%arg11 : memref<!tpu.dma_semaphore, #tpu.memory_space<semaphore_mem>>) src(%arg9 : memref<128x128xf32, #tpu.memory_space<vmem>>) dst(%dma_wait3A_655 : memref<128x128xf32, #tpu.memory_space<hbm>>)
    %dma_start3A_656 = arith.constant 3 : i32
    %dma_start3A_657 = arith.constant 384 : i32
    %dma_start3A_658 = tpu.memref_slice %arg5[%dma_start3A_657] : memref<512xi32, #tpu.memory_space<vmem>> -> memref<128xi32, #tpu.memory_space<vmem>>
    %dma_start3A_659 = arith.constant 0 : i32
    %dma_start3A_660 = arith.constant 0 : i32
    %dma_start3A_661 = tpu.memref_slice %arg2[%dma_start3A_656, %dma_start3A_659, %dma_start3A_660] : memref<7x100000x128xf32, #tpu.memory_space<hbm>> -> memref<1x100000x128xf32, #tpu.memory_space<hbm>>
    %dma_start3A_662 = tpu.memref_squeeze %dma_start3A_661 : memref<1x100000x128xf32, #tpu.memory_space<hbm>> -> memref<100000x128xf32, #tpu.memory_space<hbm>>
    %dma_start3A_663 = arith.constant 0 : i32
    %dma_start3A_664 = arith.constant 0 : i32
    %dma_start3A_665 = tpu.memref_slice %dma_start3A_662[%dma_start3A_663, %dma_start3A_664] : memref<100000x128xf32, #tpu.memory_space<hbm>> -> memref<100000x128xf32, #tpu.memory_space<hbm>>
    tpu.enqueue_indirect_dma source(%dma_start3A_665 : memref<100000x128xf32, #tpu.memory_space<hbm>>) target(%arg9 : memref<128x128xf32, #tpu.memory_space<vmem>>) offsets(%dma_start3A_658 : memref<128xi32, #tpu.memory_space<vmem>>) semaphore(%arg10 : memref<!tpu.dma_semaphore, #tpu.memory_space<semaphore_mem>>)
    %dma_wait3A_666 = arith.constant 3 : i32
    %dma_wait3A_667 = arith.constant 128 : i32
    %dma_wait3A_668 = tpu.memref_slice %arg5[%dma_wait3A_667] : memref<512xi32, #tpu.memory_space<vmem>> -> memref<128xi32, #tpu.memory_space<vmem>>
    %dma_wait3A_669 = arith.constant 0 : i32
    %dma_wait3A_670 = arith.constant 0 : i32
    %dma_wait3A_671 = tpu.memref_slice %arg2[%dma_wait3A_666, %dma_wait3A_669, %dma_wait3A_670] : memref<7x100000x128xf32, #tpu.memory_space<hbm>> -> memref<1x100000x128xf32, #tpu.memory_space<hbm>>
    %dma_wait3A_672 = tpu.memref_squeeze %dma_wait3A_671 : memref<1x100000x128xf32, #tpu.memory_space<hbm>> -> memref<100000x128xf32, #tpu.memory_space<hbm>>
    %dma_wait3A_673 = arith.constant 0 : i32
    %dma_wait3A_674 = arith.constant 0 : i32
    %dma_wait3A_675 = tpu.memref_slice %dma_wait3A_672[%dma_wait3A_673, %dma_wait3A_674] : memref<100000x128xf32, #tpu.memory_space<hbm>> -> memref<100000x128xf32, #tpu.memory_space<hbm>>
    tpu.wait_indirect_dma semaphore(%arg10 : memref<!tpu.dma_semaphore, #tpu.memory_space<semaphore_mem>>) src(%dma_wait3A_675 : memref<100000x128xf32, #tpu.memory_space<hbm>>) dst(%arg7 : memref<128x128xf32, #tpu.memory_space<vmem>>)
    %add3A_676 = arith.constant 128 : i32
    %add3A_677 = arith.addi %mul3A_2, %add3A_676 : i32
    %dma_start3A_678 = arith.constant 3 : i32
    %dma_start3A_679 = arith.constant 0 : i32
    %dma_start3A_680 = arith.constant 0 : i32
    %dma_start3A_681 = tpu.memref_slice %arg4[%dma_start3A_678, %dma_start3A_679, %dma_start3A_680] : memref<7x16384x128xf32, #tpu.memory_space<hbm>> -> memref<1x16384x128xf32, #tpu.memory_space<hbm>>
    %dma_start3A_682 = tpu.memref_squeeze %dma_start3A_681 : memref<1x16384x128xf32, #tpu.memory_space<hbm>> -> memref<16384x128xf32, #tpu.memory_space<hbm>>
    %dma_start3A_683 = arith.constant 0 : i32
    %dma_start3A_684 = tpu.memref_slice %dma_start3A_682[%add3A_677, %dma_start3A_683] : memref<16384x128xf32, #tpu.memory_space<hbm>> -> memref<128x128xf32, #tpu.memory_space<hbm>>
    %dma_start3A_685 = arith.constant 0 : i32
    %dma_start3A_686 = arith.constant 0 : i32
    %dma_start3A_687 = tpu.memref_slice %arg4[%dma_start3A_678, %dma_start3A_685, %dma_start3A_686] : memref<7x16384x128xf32, #tpu.memory_space<hbm>> -> memref<1x16384x128xf32, #tpu.memory_space<hbm>>
    %dma_start3A_688 = tpu.memref_squeeze %dma_start3A_687 : memref<1x16384x128xf32, #tpu.memory_space<hbm>> -> memref<16384x128xf32, #tpu.memory_space<hbm>>
    %dma_start3A_689 = arith.constant 0 : i32
    %dma_start3A_690 = tpu.memref_slice %dma_start3A_688[%add3A_677, %dma_start3A_689] : memref<16384x128xf32, #tpu.memory_space<hbm>> -> memref<128x128xf32, #tpu.memory_space<hbm>>
    tpu.enqueue_dma source(%arg7 : memref<128x128xf32, #tpu.memory_space<vmem>>) target(%dma_start3A_690 : memref<128x128xf32, #tpu.memory_space<hbm>>) target_semaphore(%arg11 : memref<!tpu.dma_semaphore, #tpu.memory_space<semaphore_mem>>)
    %add3A_691 = arith.constant 0 : i32
    %add3A_692 = arith.addi %mul3A_2, %add3A_691 : i32
    %dma_wait3A_693 = arith.constant 3 : i32
    %dma_wait3A_694 = arith.constant 0 : i32
    %dma_wait3A_695 = arith.constant 0 : i32
    %dma_wait3A_696 = tpu.memref_slice %arg4[%dma_wait3A_693, %dma_wait3A_694, %dma_wait3A_695] : memref<7x16384x128xf32, #tpu.memory_space<hbm>> -> memref<1x16384x128xf32, #tpu.memory_space<hbm>>
    %dma_wait3A_697 = tpu.memref_squeeze %dma_wait3A_696 : memref<1x16384x128xf32, #tpu.memory_space<hbm>> -> memref<16384x128xf32, #tpu.memory_space<hbm>>
    %dma_wait3A_698 = arith.constant 0 : i32
    %dma_wait3A_699 = tpu.memref_slice %dma_wait3A_697[%add3A_692, %dma_wait3A_698] : memref<16384x128xf32, #tpu.memory_space<hbm>> -> memref<128x128xf32, #tpu.memory_space<hbm>>
    %dma_wait3A_700 = arith.constant 0 : i32
    %dma_wait3A_701 = arith.constant 0 : i32
    %dma_wait3A_702 = tpu.memref_slice %arg4[%dma_wait3A_693, %dma_wait3A_700, %dma_wait3A_701] : memref<7x16384x128xf32, #tpu.memory_space<hbm>> -> memref<1x16384x128xf32, #tpu.memory_space<hbm>>
    %dma_wait3A_703 = tpu.memref_squeeze %dma_wait3A_702 : memref<1x16384x128xf32, #tpu.memory_space<hbm>> -> memref<16384x128xf32, #tpu.memory_space<hbm>>
    %dma_wait3A_704 = arith.constant 0 : i32
    %dma_wait3A_705 = tpu.memref_slice %dma_wait3A_703[%add3A_692, %dma_wait3A_704] : memref<16384x128xf32, #tpu.memory_space<hbm>> -> memref<128x128xf32, #tpu.memory_space<hbm>>
    tpu.wait_dma2 semaphore(%arg11 : memref<!tpu.dma_semaphore, #tpu.memory_space<semaphore_mem>>) src(%arg6 : memref<128x128xf32, #tpu.memory_space<vmem>>) dst(%dma_wait3A_705 : memref<128x128xf32, #tpu.memory_space<hbm>>)
    %dma_start3A_706 = arith.constant 4 : i32
    %dma_start3A_707 = arith.constant 0 : i32
    %dma_start3A_708 = tpu.memref_slice %arg5[%dma_start3A_707] : memref<512xi32, #tpu.memory_space<vmem>> -> memref<128xi32, #tpu.memory_space<vmem>>
    %dma_start3A_709 = arith.constant 0 : i32
    %dma_start3A_710 = arith.constant 0 : i32
    %dma_start3A_711 = tpu.memref_slice %arg2[%dma_start3A_706, %dma_start3A_709, %dma_start3A_710] : memref<7x100000x128xf32, #tpu.memory_space<hbm>> -> memref<1x100000x128xf32, #tpu.memory_space<hbm>>
    %dma_start3A_712 = tpu.memref_squeeze %dma_start3A_711 : memref<1x100000x128xf32, #tpu.memory_space<hbm>> -> memref<100000x128xf32, #tpu.memory_space<hbm>>
    %dma_start3A_713 = arith.constant 0 : i32
    %dma_start3A_714 = arith.constant 0 : i32
    %dma_start3A_715 = tpu.memref_slice %dma_start3A_712[%dma_start3A_713, %dma_start3A_714] : memref<100000x128xf32, #tpu.memory_space<hbm>> -> memref<100000x128xf32, #tpu.memory_space<hbm>>
    tpu.enqueue_indirect_dma source(%dma_start3A_715 : memref<100000x128xf32, #tpu.memory_space<hbm>>) target(%arg6 : memref<128x128xf32, #tpu.memory_space<vmem>>) offsets(%dma_start3A_708 : memref<128xi32, #tpu.memory_space<vmem>>) semaphore(%arg10 : memref<!tpu.dma_semaphore, #tpu.memory_space<semaphore_mem>>)
    %dma_wait3A_716 = arith.constant 3 : i32
    %dma_wait3A_717 = arith.constant 256 : i32
    %dma_wait3A_718 = tpu.memref_slice %arg5[%dma_wait3A_717] : memref<512xi32, #tpu.memory_space<vmem>> -> memref<128xi32, #tpu.memory_space<vmem>>
    %dma_wait3A_719 = arith.constant 0 : i32
    %dma_wait3A_720 = arith.constant 0 : i32
    %dma_wait3A_721 = tpu.memref_slice %arg2[%dma_wait3A_716, %dma_wait3A_719, %dma_wait3A_720] : memref<7x100000x128xf32, #tpu.memory_space<hbm>> -> memref<1x100000x128xf32, #tpu.memory_space<hbm>>
    %dma_wait3A_722 = tpu.memref_squeeze %dma_wait3A_721 : memref<1x100000x128xf32, #tpu.memory_space<hbm>> -> memref<100000x128xf32, #tpu.memory_space<hbm>>
    %dma_wait3A_723 = arith.constant 0 : i32
    %dma_wait3A_724 = arith.constant 0 : i32
    %dma_wait3A_725 = tpu.memref_slice %dma_wait3A_722[%dma_wait3A_723, %dma_wait3A_724] : memref<100000x128xf32, #tpu.memory_space<hbm>> -> memref<100000x128xf32, #tpu.memory_space<hbm>>
    tpu.wait_indirect_dma semaphore(%arg10 : memref<!tpu.dma_semaphore, #tpu.memory_space<semaphore_mem>>) src(%dma_wait3A_725 : memref<100000x128xf32, #tpu.memory_space<hbm>>) dst(%arg8 : memref<128x128xf32, #tpu.memory_space<vmem>>)
    %add3A_726 = arith.constant 256 : i32
    %add3A_727 = arith.addi %mul3A_2, %add3A_726 : i32
    %dma_start3A_728 = arith.constant 3 : i32
    %dma_start3A_729 = arith.constant 0 : i32
    %dma_start3A_730 = arith.constant 0 : i32
    %dma_start3A_731 = tpu.memref_slice %arg4[%dma_start3A_728, %dma_start3A_729, %dma_start3A_730] : memref<7x16384x128xf32, #tpu.memory_space<hbm>> -> memref<1x16384x128xf32, #tpu.memory_space<hbm>>
    %dma_start3A_732 = tpu.memref_squeeze %dma_start3A_731 : memref<1x16384x128xf32, #tpu.memory_space<hbm>> -> memref<16384x128xf32, #tpu.memory_space<hbm>>
    %dma_start3A_733 = arith.constant 0 : i32
    %dma_start3A_734 = tpu.memref_slice %dma_start3A_732[%add3A_727, %dma_start3A_733] : memref<16384x128xf32, #tpu.memory_space<hbm>> -> memref<128x128xf32, #tpu.memory_space<hbm>>
    %dma_start3A_735 = arith.constant 0 : i32
    %dma_start3A_736 = arith.constant 0 : i32
    %dma_start3A_737 = tpu.memref_slice %arg4[%dma_start3A_728, %dma_start3A_735, %dma_start3A_736] : memref<7x16384x128xf32, #tpu.memory_space<hbm>> -> memref<1x16384x128xf32, #tpu.memory_space<hbm>>
    %dma_start3A_738 = tpu.memref_squeeze %dma_start3A_737 : memref<1x16384x128xf32, #tpu.memory_space<hbm>> -> memref<16384x128xf32, #tpu.memory_space<hbm>>
    %dma_start3A_739 = arith.constant 0 : i32
    %dma_start3A_740 = tpu.memref_slice %dma_start3A_738[%add3A_727, %dma_start3A_739] : memref<16384x128xf32, #tpu.memory_space<hbm>> -> memref<128x128xf32, #tpu.memory_space<hbm>>
    tpu.enqueue_dma source(%arg8 : memref<128x128xf32, #tpu.memory_space<vmem>>) target(%dma_start3A_740 : memref<128x128xf32, #tpu.memory_space<hbm>>) target_semaphore(%arg11 : memref<!tpu.dma_semaphore, #tpu.memory_space<semaphore_mem>>)
    %add3A_741 = arith.constant 128 : i32
    %add3A_742 = arith.addi %mul3A_2, %add3A_741 : i32
    %dma_wait3A_743 = arith.constant 3 : i32
    %dma_wait3A_744 = arith.constant 0 : i32
    %dma_wait3A_745 = arith.constant 0 : i32
    %dma_wait3A_746 = tpu.memref_slice %arg4[%dma_wait3A_743, %dma_wait3A_744, %dma_wait3A_745] : memref<7x16384x128xf32, #tpu.memory_space<hbm>> -> memref<1x16384x128xf32, #tpu.memory_space<hbm>>
    %dma_wait3A_747 = tpu.memref_squeeze %dma_wait3A_746 : memref<1x16384x128xf32, #tpu.memory_space<hbm>> -> memref<16384x128xf32, #tpu.memory_space<hbm>>
    %dma_wait3A_748 = arith.constant 0 : i32
    %dma_wait3A_749 = tpu.memref_slice %dma_wait3A_747[%add3A_742, %dma_wait3A_748] : memref<16384x128xf32, #tpu.memory_space<hbm>> -> memref<128x128xf32, #tpu.memory_space<hbm>>
    %dma_wait3A_750 = arith.constant 0 : i32
    %dma_wait3A_751 = arith.constant 0 : i32
    %dma_wait3A_752 = tpu.memref_slice %arg4[%dma_wait3A_743, %dma_wait3A_750, %dma_wait3A_751] : memref<7x16384x128xf32, #tpu.memory_space<hbm>> -> memref<1x16384x128xf32, #tpu.memory_space<hbm>>
    %dma_wait3A_753 = tpu.memref_squeeze %dma_wait3A_752 : memref<1x16384x128xf32, #tpu.memory_space<hbm>> -> memref<16384x128xf32, #tpu.memory_space<hbm>>
    %dma_wait3A_754 = arith.constant 0 : i32
    %dma_wait3A_755 = tpu.memref_slice %dma_wait3A_753[%add3A_742, %dma_wait3A_754] : memref<16384x128xf32, #tpu.memory_space<hbm>> -> memref<128x128xf32, #tpu.memory_space<hbm>>
    tpu.wait_dma2 semaphore(%arg11 : memref<!tpu.dma_semaphore, #tpu.memory_space<semaphore_mem>>) src(%arg7 : memref<128x128xf32, #tpu.memory_space<vmem>>) dst(%dma_wait3A_755 : memref<128x128xf32, #tpu.memory_space<hbm>>)
    %dma_start3A_756 = arith.constant 4 : i32
    %dma_start3A_757 = arith.constant 128 : i32
    %dma_start3A_758 = tpu.memref_slice %arg5[%dma_start3A_757] : memref<512xi32, #tpu.memory_space<vmem>> -> memref<128xi32, #tpu.memory_space<vmem>>
    %dma_start3A_759 = arith.constant 0 : i32
    %dma_start3A_760 = arith.constant 0 : i32
    %dma_start3A_761 = tpu.memref_slice %arg2[%dma_start3A_756, %dma_start3A_759, %dma_start3A_760] : memref<7x100000x128xf32, #tpu.memory_space<hbm>> -> memref<1x100000x128xf32, #tpu.memory_space<hbm>>
    %dma_start3A_762 = tpu.memref_squeeze %dma_start3A_761 : memref<1x100000x128xf32, #tpu.memory_space<hbm>> -> memref<100000x128xf32, #tpu.memory_space<hbm>>
    %dma_start3A_763 = arith.constant 0 : i32
    %dma_start3A_764 = arith.constant 0 : i32
    %dma_start3A_765 = tpu.memref_slice %dma_start3A_762[%dma_start3A_763, %dma_start3A_764] : memref<100000x128xf32, #tpu.memory_space<hbm>> -> memref<100000x128xf32, #tpu.memory_space<hbm>>
    tpu.enqueue_indirect_dma source(%dma_start3A_765 : memref<100000x128xf32, #tpu.memory_space<hbm>>) target(%arg7 : memref<128x128xf32, #tpu.memory_space<vmem>>) offsets(%dma_start3A_758 : memref<128xi32, #tpu.memory_space<vmem>>) semaphore(%arg10 : memref<!tpu.dma_semaphore, #tpu.memory_space<semaphore_mem>>)
    %dma_wait3A_766 = arith.constant 3 : i32
    %dma_wait3A_767 = arith.constant 384 : i32
    %dma_wait3A_768 = tpu.memref_slice %arg5[%dma_wait3A_767] : memref<512xi32, #tpu.memory_space<vmem>> -> memref<128xi32, #tpu.memory_space<vmem>>
    %dma_wait3A_769 = arith.constant 0 : i32
    %dma_wait3A_770 = arith.constant 0 : i32
    %dma_wait3A_771 = tpu.memref_slice %arg2[%dma_wait3A_766, %dma_wait3A_769, %dma_wait3A_770] : memref<7x100000x128xf32, #tpu.memory_space<hbm>> -> memref<1x100000x128xf32, #tpu.memory_space<hbm>>
    %dma_wait3A_772 = tpu.memref_squeeze %dma_wait3A_771 : memref<1x100000x128xf32, #tpu.memory_space<hbm>> -> memref<100000x128xf32, #tpu.memory_space<hbm>>
    %dma_wait3A_773 = arith.constant 0 : i32
    %dma_wait3A_774 = arith.constant 0 : i32
    %dma_wait3A_775 = tpu.memref_slice %dma_wait3A_772[%dma_wait3A_773, %dma_wait3A_774] : memref<100000x128xf32, #tpu.memory_space<hbm>> -> memref<100000x128xf32, #tpu.memory_space<hbm>>
    tpu.wait_indirect_dma semaphore(%arg10 : memref<!tpu.dma_semaphore, #tpu.memory_space<semaphore_mem>>) src(%dma_wait3A_775 : memref<100000x128xf32, #tpu.memory_space<hbm>>) dst(%arg9 : memref<128x128xf32, #tpu.memory_space<vmem>>)
    %add3A_776 = arith.constant 384 : i32
    %add3A_777 = arith.addi %mul3A_2, %add3A_776 : i32
    %dma_start3A_778 = arith.constant 3 : i32
    %dma_start3A_779 = arith.constant 0 : i32
    %dma_start3A_780 = arith.constant 0 : i32
    %dma_start3A_781 = tpu.memref_slice %arg4[%dma_start3A_778, %dma_start3A_779, %dma_start3A_780] : memref<7x16384x128xf32, #tpu.memory_space<hbm>> -> memref<1x16384x128xf32, #tpu.memory_space<hbm>>
    %dma_start3A_782 = tpu.memref_squeeze %dma_start3A_781 : memref<1x16384x128xf32, #tpu.memory_space<hbm>> -> memref<16384x128xf32, #tpu.memory_space<hbm>>
    %dma_start3A_783 = arith.constant 0 : i32
    %dma_start3A_784 = tpu.memref_slice %dma_start3A_782[%add3A_777, %dma_start3A_783] : memref<16384x128xf32, #tpu.memory_space<hbm>> -> memref<128x128xf32, #tpu.memory_space<hbm>>
    %dma_start3A_785 = arith.constant 0 : i32
    %dma_start3A_786 = arith.constant 0 : i32
    %dma_start3A_787 = tpu.memref_slice %arg4[%dma_start3A_778, %dma_start3A_785, %dma_start3A_786] : memref<7x16384x128xf32, #tpu.memory_space<hbm>> -> memref<1x16384x128xf32, #tpu.memory_space<hbm>>
    %dma_start3A_788 = tpu.memref_squeeze %dma_start3A_787 : memref<1x16384x128xf32, #tpu.memory_space<hbm>> -> memref<16384x128xf32, #tpu.memory_space<hbm>>
    %dma_start3A_789 = arith.constant 0 : i32
    %dma_start3A_790 = tpu.memref_slice %dma_start3A_788[%add3A_777, %dma_start3A_789] : memref<16384x128xf32, #tpu.memory_space<hbm>> -> memref<128x128xf32, #tpu.memory_space<hbm>>
    tpu.enqueue_dma source(%arg9 : memref<128x128xf32, #tpu.memory_space<vmem>>) target(%dma_start3A_790 : memref<128x128xf32, #tpu.memory_space<hbm>>) target_semaphore(%arg11 : memref<!tpu.dma_semaphore, #tpu.memory_space<semaphore_mem>>)
    %add3A_791 = arith.constant 256 : i32
    %add3A_792 = arith.addi %mul3A_2, %add3A_791 : i32
    %dma_wait3A_793 = arith.constant 3 : i32
    %dma_wait3A_794 = arith.constant 0 : i32
    %dma_wait3A_795 = arith.constant 0 : i32
    %dma_wait3A_796 = tpu.memref_slice %arg4[%dma_wait3A_793, %dma_wait3A_794, %dma_wait3A_795] : memref<7x16384x128xf32, #tpu.memory_space<hbm>> -> memref<1x16384x128xf32, #tpu.memory_space<hbm>>
    %dma_wait3A_797 = tpu.memref_squeeze %dma_wait3A_796 : memref<1x16384x128xf32, #tpu.memory_space<hbm>> -> memref<16384x128xf32, #tpu.memory_space<hbm>>
    %dma_wait3A_798 = arith.constant 0 : i32
    %dma_wait3A_799 = tpu.memref_slice %dma_wait3A_797[%add3A_792, %dma_wait3A_798] : memref<16384x128xf32, #tpu.memory_space<hbm>> -> memref<128x128xf32, #tpu.memory_space<hbm>>
    %dma_wait3A_800 = arith.constant 0 : i32
    %dma_wait3A_801 = arith.constant 0 : i32
    %dma_wait3A_802 = tpu.memref_slice %arg4[%dma_wait3A_793, %dma_wait3A_800, %dma_wait3A_801] : memref<7x16384x128xf32, #tpu.memory_space<hbm>> -> memref<1x16384x128xf32, #tpu.memory_space<hbm>>
    %dma_wait3A_803 = tpu.memref_squeeze %dma_wait3A_802 : memref<1x16384x128xf32, #tpu.memory_space<hbm>> -> memref<16384x128xf32, #tpu.memory_space<hbm>>
    %dma_wait3A_804 = arith.constant 0 : i32
    %dma_wait3A_805 = tpu.memref_slice %dma_wait3A_803[%add3A_792, %dma_wait3A_804] : memref<16384x128xf32, #tpu.memory_space<hbm>> -> memref<128x128xf32, #tpu.memory_space<hbm>>
    tpu.wait_dma2 semaphore(%arg11 : memref<!tpu.dma_semaphore, #tpu.memory_space<semaphore_mem>>) src(%arg8 : memref<128x128xf32, #tpu.memory_space<vmem>>) dst(%dma_wait3A_805 : memref<128x128xf32, #tpu.memory_space<hbm>>)
    %dma_start3A_806 = arith.constant 4 : i32
    %dma_start3A_807 = arith.constant 256 : i32
    %dma_start3A_808 = tpu.memref_slice %arg5[%dma_start3A_807] : memref<512xi32, #tpu.memory_space<vmem>> -> memref<128xi32, #tpu.memory_space<vmem>>
    %dma_start3A_809 = arith.constant 0 : i32
    %dma_start3A_810 = arith.constant 0 : i32
    %dma_start3A_811 = tpu.memref_slice %arg2[%dma_start3A_806, %dma_start3A_809, %dma_start3A_810] : memref<7x100000x128xf32, #tpu.memory_space<hbm>> -> memref<1x100000x128xf32, #tpu.memory_space<hbm>>
    %dma_start3A_812 = tpu.memref_squeeze %dma_start3A_811 : memref<1x100000x128xf32, #tpu.memory_space<hbm>> -> memref<100000x128xf32, #tpu.memory_space<hbm>>
    %dma_start3A_813 = arith.constant 0 : i32
    %dma_start3A_814 = arith.constant 0 : i32
    %dma_start3A_815 = tpu.memref_slice %dma_start3A_812[%dma_start3A_813, %dma_start3A_814] : memref<100000x128xf32, #tpu.memory_space<hbm>> -> memref<100000x128xf32, #tpu.memory_space<hbm>>
    tpu.enqueue_indirect_dma source(%dma_start3A_815 : memref<100000x128xf32, #tpu.memory_space<hbm>>) target(%arg8 : memref<128x128xf32, #tpu.memory_space<vmem>>) offsets(%dma_start3A_808 : memref<128xi32, #tpu.memory_space<vmem>>) semaphore(%arg10 : memref<!tpu.dma_semaphore, #tpu.memory_space<semaphore_mem>>)
    %dma_wait3A_816 = arith.constant 4 : i32
    %dma_wait3A_817 = arith.constant 0 : i32
    %dma_wait3A_818 = tpu.memref_slice %arg5[%dma_wait3A_817] : memref<512xi32, #tpu.memory_space<vmem>> -> memref<128xi32, #tpu.memory_space<vmem>>
    %dma_wait3A_819 = arith.constant 0 : i32
    %dma_wait3A_820 = arith.constant 0 : i32
    %dma_wait3A_821 = tpu.memref_slice %arg2[%dma_wait3A_816, %dma_wait3A_819, %dma_wait3A_820] : memref<7x100000x128xf32, #tpu.memory_space<hbm>> -> memref<1x100000x128xf32, #tpu.memory_space<hbm>>
    %dma_wait3A_822 = tpu.memref_squeeze %dma_wait3A_821 : memref<1x100000x128xf32, #tpu.memory_space<hbm>> -> memref<100000x128xf32, #tpu.memory_space<hbm>>
    %dma_wait3A_823 = arith.constant 0 : i32
    %dma_wait3A_824 = arith.constant 0 : i32
    %dma_wait3A_825 = tpu.memref_slice %dma_wait3A_822[%dma_wait3A_823, %dma_wait3A_824] : memref<100000x128xf32, #tpu.memory_space<hbm>> -> memref<100000x128xf32, #tpu.memory_space<hbm>>
    tpu.wait_indirect_dma semaphore(%arg10 : memref<!tpu.dma_semaphore, #tpu.memory_space<semaphore_mem>>) src(%dma_wait3A_825 : memref<100000x128xf32, #tpu.memory_space<hbm>>) dst(%arg6 : memref<128x128xf32, #tpu.memory_space<vmem>>)
    %add3A_826 = arith.constant 0 : i32
    %add3A_827 = arith.addi %mul3A_2, %add3A_826 : i32
    %dma_start3A_828 = arith.constant 4 : i32
    %dma_start3A_829 = arith.constant 0 : i32
    %dma_start3A_830 = arith.constant 0 : i32
    %dma_start3A_831 = tpu.memref_slice %arg4[%dma_start3A_828, %dma_start3A_829, %dma_start3A_830] : memref<7x16384x128xf32, #tpu.memory_space<hbm>> -> memref<1x16384x128xf32, #tpu.memory_space<hbm>>
    %dma_start3A_832 = tpu.memref_squeeze %dma_start3A_831 : memref<1x16384x128xf32, #tpu.memory_space<hbm>> -> memref<16384x128xf32, #tpu.memory_space<hbm>>
    %dma_start3A_833 = arith.constant 0 : i32
    %dma_start3A_834 = tpu.memref_slice %dma_start3A_832[%add3A_827, %dma_start3A_833] : memref<16384x128xf32, #tpu.memory_space<hbm>> -> memref<128x128xf32, #tpu.memory_space<hbm>>
    %dma_start3A_835 = arith.constant 0 : i32
    %dma_start3A_836 = arith.constant 0 : i32
    %dma_start3A_837 = tpu.memref_slice %arg4[%dma_start3A_828, %dma_start3A_835, %dma_start3A_836] : memref<7x16384x128xf32, #tpu.memory_space<hbm>> -> memref<1x16384x128xf32, #tpu.memory_space<hbm>>
    %dma_start3A_838 = tpu.memref_squeeze %dma_start3A_837 : memref<1x16384x128xf32, #tpu.memory_space<hbm>> -> memref<16384x128xf32, #tpu.memory_space<hbm>>
    %dma_start3A_839 = arith.constant 0 : i32
    %dma_start3A_840 = tpu.memref_slice %dma_start3A_838[%add3A_827, %dma_start3A_839] : memref<16384x128xf32, #tpu.memory_space<hbm>> -> memref<128x128xf32, #tpu.memory_space<hbm>>
    tpu.enqueue_dma source(%arg6 : memref<128x128xf32, #tpu.memory_space<vmem>>) target(%dma_start3A_840 : memref<128x128xf32, #tpu.memory_space<hbm>>) target_semaphore(%arg11 : memref<!tpu.dma_semaphore, #tpu.memory_space<semaphore_mem>>)
    %add3A_841 = arith.constant 384 : i32
    %add3A_842 = arith.addi %mul3A_2, %add3A_841 : i32
    %dma_wait3A_843 = arith.constant 3 : i32
    %dma_wait3A_844 = arith.constant 0 : i32
    %dma_wait3A_845 = arith.constant 0 : i32
    %dma_wait3A_846 = tpu.memref_slice %arg4[%dma_wait3A_843, %dma_wait3A_844, %dma_wait3A_845] : memref<7x16384x128xf32, #tpu.memory_space<hbm>> -> memref<1x16384x128xf32, #tpu.memory_space<hbm>>
    %dma_wait3A_847 = tpu.memref_squeeze %dma_wait3A_846 : memref<1x16384x128xf32, #tpu.memory_space<hbm>> -> memref<16384x128xf32, #tpu.memory_space<hbm>>
    %dma_wait3A_848 = arith.constant 0 : i32
    %dma_wait3A_849 = tpu.memref_slice %dma_wait3A_847[%add3A_842, %dma_wait3A_848] : memref<16384x128xf32, #tpu.memory_space<hbm>> -> memref<128x128xf32, #tpu.memory_space<hbm>>
    %dma_wait3A_850 = arith.constant 0 : i32
    %dma_wait3A_851 = arith.constant 0 : i32
    %dma_wait3A_852 = tpu.memref_slice %arg4[%dma_wait3A_843, %dma_wait3A_850, %dma_wait3A_851] : memref<7x16384x128xf32, #tpu.memory_space<hbm>> -> memref<1x16384x128xf32, #tpu.memory_space<hbm>>
    %dma_wait3A_853 = tpu.memref_squeeze %dma_wait3A_852 : memref<1x16384x128xf32, #tpu.memory_space<hbm>> -> memref<16384x128xf32, #tpu.memory_space<hbm>>
    %dma_wait3A_854 = arith.constant 0 : i32
    %dma_wait3A_855 = tpu.memref_slice %dma_wait3A_853[%add3A_842, %dma_wait3A_854] : memref<16384x128xf32, #tpu.memory_space<hbm>> -> memref<128x128xf32, #tpu.memory_space<hbm>>
    tpu.wait_dma2 semaphore(%arg11 : memref<!tpu.dma_semaphore, #tpu.memory_space<semaphore_mem>>) src(%arg9 : memref<128x128xf32, #tpu.memory_space<vmem>>) dst(%dma_wait3A_855 : memref<128x128xf32, #tpu.memory_space<hbm>>)
    %dma_start3A_856 = arith.constant 4 : i32
    %dma_start3A_857 = arith.constant 384 : i32
    %dma_start3A_858 = tpu.memref_slice %arg5[%dma_start3A_857] : memref<512xi32, #tpu.memory_space<vmem>> -> memref<128xi32, #tpu.memory_space<vmem>>
    %dma_start3A_859 = arith.constant 0 : i32
    %dma_start3A_860 = arith.constant 0 : i32
    %dma_start3A_861 = tpu.memref_slice %arg2[%dma_start3A_856, %dma_start3A_859, %dma_start3A_860] : memref<7x100000x128xf32, #tpu.memory_space<hbm>> -> memref<1x100000x128xf32, #tpu.memory_space<hbm>>
    %dma_start3A_862 = tpu.memref_squeeze %dma_start3A_861 : memref<1x100000x128xf32, #tpu.memory_space<hbm>> -> memref<100000x128xf32, #tpu.memory_space<hbm>>
    %dma_start3A_863 = arith.constant 0 : i32
    %dma_start3A_864 = arith.constant 0 : i32
    %dma_start3A_865 = tpu.memref_slice %dma_start3A_862[%dma_start3A_863, %dma_start3A_864] : memref<100000x128xf32, #tpu.memory_space<hbm>> -> memref<100000x128xf32, #tpu.memory_space<hbm>>
    tpu.enqueue_indirect_dma source(%dma_start3A_865 : memref<100000x128xf32, #tpu.memory_space<hbm>>) target(%arg9 : memref<128x128xf32, #tpu.memory_space<vmem>>) offsets(%dma_start3A_858 : memref<128xi32, #tpu.memory_space<vmem>>) semaphore(%arg10 : memref<!tpu.dma_semaphore, #tpu.memory_space<semaphore_mem>>)
    %dma_wait3A_866 = arith.constant 4 : i32
    %dma_wait3A_867 = arith.constant 128 : i32
    %dma_wait3A_868 = tpu.memref_slice %arg5[%dma_wait3A_867] : memref<512xi32, #tpu.memory_space<vmem>> -> memref<128xi32, #tpu.memory_space<vmem>>
    %dma_wait3A_869 = arith.constant 0 : i32
    %dma_wait3A_870 = arith.constant 0 : i32
    %dma_wait3A_871 = tpu.memref_slice %arg2[%dma_wait3A_866, %dma_wait3A_869, %dma_wait3A_870] : memref<7x100000x128xf32, #tpu.memory_space<hbm>> -> memref<1x100000x128xf32, #tpu.memory_space<hbm>>
    %dma_wait3A_872 = tpu.memref_squeeze %dma_wait3A_871 : memref<1x100000x128xf32, #tpu.memory_space<hbm>> -> memref<100000x128xf32, #tpu.memory_space<hbm>>
    %dma_wait3A_873 = arith.constant 0 : i32
    %dma_wait3A_874 = arith.constant 0 : i32
    %dma_wait3A_875 = tpu.memref_slice %dma_wait3A_872[%dma_wait3A_873, %dma_wait3A_874] : memref<100000x128xf32, #tpu.memory_space<hbm>> -> memref<100000x128xf32, #tpu.memory_space<hbm>>
    tpu.wait_indirect_dma semaphore(%arg10 : memref<!tpu.dma_semaphore, #tpu.memory_space<semaphore_mem>>) src(%dma_wait3A_875 : memref<100000x128xf32, #tpu.memory_space<hbm>>) dst(%arg7 : memref<128x128xf32, #tpu.memory_space<vmem>>)
    %add3A_876 = arith.constant 128 : i32
    %add3A_877 = arith.addi %mul3A_2, %add3A_876 : i32
    %dma_start3A_878 = arith.constant 4 : i32
    %dma_start3A_879 = arith.constant 0 : i32
    %dma_start3A_880 = arith.constant 0 : i32
    %dma_start3A_881 = tpu.memref_slice %arg4[%dma_start3A_878, %dma_start3A_879, %dma_start3A_880] : memref<7x16384x128xf32, #tpu.memory_space<hbm>> -> memref<1x16384x128xf32, #tpu.memory_space<hbm>>
    %dma_start3A_882 = tpu.memref_squeeze %dma_start3A_881 : memref<1x16384x128xf32, #tpu.memory_space<hbm>> -> memref<16384x128xf32, #tpu.memory_space<hbm>>
    %dma_start3A_883 = arith.constant 0 : i32
    %dma_start3A_884 = tpu.memref_slice %dma_start3A_882[%add3A_877, %dma_start3A_883] : memref<16384x128xf32, #tpu.memory_space<hbm>> -> memref<128x128xf32, #tpu.memory_space<hbm>>
    %dma_start3A_885 = arith.constant 0 : i32
    %dma_start3A_886 = arith.constant 0 : i32
    %dma_start3A_887 = tpu.memref_slice %arg4[%dma_start3A_878, %dma_start3A_885, %dma_start3A_886] : memref<7x16384x128xf32, #tpu.memory_space<hbm>> -> memref<1x16384x128xf32, #tpu.memory_space<hbm>>
    %dma_start3A_888 = tpu.memref_squeeze %dma_start3A_887 : memref<1x16384x128xf32, #tpu.memory_space<hbm>> -> memref<16384x128xf32, #tpu.memory_space<hbm>>
    %dma_start3A_889 = arith.constant 0 : i32
    %dma_start3A_890 = tpu.memref_slice %dma_start3A_888[%add3A_877, %dma_start3A_889] : memref<16384x128xf32, #tpu.memory_space<hbm>> -> memref<128x128xf32, #tpu.memory_space<hbm>>
    tpu.enqueue_dma source(%arg7 : memref<128x128xf32, #tpu.memory_space<vmem>>) target(%dma_start3A_890 : memref<128x128xf32, #tpu.memory_space<hbm>>) target_semaphore(%arg11 : memref<!tpu.dma_semaphore, #tpu.memory_space<semaphore_mem>>)
    %add3A_891 = arith.constant 0 : i32
    %add3A_892 = arith.addi %mul3A_2, %add3A_891 : i32
    %dma_wait3A_893 = arith.constant 4 : i32
    %dma_wait3A_894 = arith.constant 0 : i32
    %dma_wait3A_895 = arith.constant 0 : i32
    %dma_wait3A_896 = tpu.memref_slice %arg4[%dma_wait3A_893, %dma_wait3A_894, %dma_wait3A_895] : memref<7x16384x128xf32, #tpu.memory_space<hbm>> -> memref<1x16384x128xf32, #tpu.memory_space<hbm>>
    %dma_wait3A_897 = tpu.memref_squeeze %dma_wait3A_896 : memref<1x16384x128xf32, #tpu.memory_space<hbm>> -> memref<16384x128xf32, #tpu.memory_space<hbm>>
    %dma_wait3A_898 = arith.constant 0 : i32
    %dma_wait3A_899 = tpu.memref_slice %dma_wait3A_897[%add3A_892, %dma_wait3A_898] : memref<16384x128xf32, #tpu.memory_space<hbm>> -> memref<128x128xf32, #tpu.memory_space<hbm>>
    %dma_wait3A_900 = arith.constant 0 : i32
    %dma_wait3A_901 = arith.constant 0 : i32
    %dma_wait3A_902 = tpu.memref_slice %arg4[%dma_wait3A_893, %dma_wait3A_900, %dma_wait3A_901] : memref<7x16384x128xf32, #tpu.memory_space<hbm>> -> memref<1x16384x128xf32, #tpu.memory_space<hbm>>
    %dma_wait3A_903 = tpu.memref_squeeze %dma_wait3A_902 : memref<1x16384x128xf32, #tpu.memory_space<hbm>> -> memref<16384x128xf32, #tpu.memory_space<hbm>>
    %dma_wait3A_904 = arith.constant 0 : i32
    %dma_wait3A_905 = tpu.memref_slice %dma_wait3A_903[%add3A_892, %dma_wait3A_904] : memref<16384x128xf32, #tpu.memory_space<hbm>> -> memref<128x128xf32, #tpu.memory_space<hbm>>
    tpu.wait_dma2 semaphore(%arg11 : memref<!tpu.dma_semaphore, #tpu.memory_space<semaphore_mem>>) src(%arg6 : memref<128x128xf32, #tpu.memory_space<vmem>>) dst(%dma_wait3A_905 : memref<128x128xf32, #tpu.memory_space<hbm>>)
    %dma_start3A_906 = arith.constant 5 : i32
    %dma_start3A_907 = arith.constant 0 : i32
    %dma_start3A_908 = tpu.memref_slice %arg5[%dma_start3A_907] : memref<512xi32, #tpu.memory_space<vmem>> -> memref<128xi32, #tpu.memory_space<vmem>>
    %dma_start3A_909 = arith.constant 0 : i32
    %dma_start3A_910 = arith.constant 0 : i32
    %dma_start3A_911 = tpu.memref_slice %arg2[%dma_start3A_906, %dma_start3A_909, %dma_start3A_910] : memref<7x100000x128xf32, #tpu.memory_space<hbm>> -> memref<1x100000x128xf32, #tpu.memory_space<hbm>>
    %dma_start3A_912 = tpu.memref_squeeze %dma_start3A_911 : memref<1x100000x128xf32, #tpu.memory_space<hbm>> -> memref<100000x128xf32, #tpu.memory_space<hbm>>
    %dma_start3A_913 = arith.constant 0 : i32
    %dma_start3A_914 = arith.constant 0 : i32
    %dma_start3A_915 = tpu.memref_slice %dma_start3A_912[%dma_start3A_913, %dma_start3A_914] : memref<100000x128xf32, #tpu.memory_space<hbm>> -> memref<100000x128xf32, #tpu.memory_space<hbm>>
    tpu.enqueue_indirect_dma source(%dma_start3A_915 : memref<100000x128xf32, #tpu.memory_space<hbm>>) target(%arg6 : memref<128x128xf32, #tpu.memory_space<vmem>>) offsets(%dma_start3A_908 : memref<128xi32, #tpu.memory_space<vmem>>) semaphore(%arg10 : memref<!tpu.dma_semaphore, #tpu.memory_space<semaphore_mem>>)
    %dma_wait3A_916 = arith.constant 4 : i32
    %dma_wait3A_917 = arith.constant 256 : i32
    %dma_wait3A_918 = tpu.memref_slice %arg5[%dma_wait3A_917] : memref<512xi32, #tpu.memory_space<vmem>> -> memref<128xi32, #tpu.memory_space<vmem>>
    %dma_wait3A_919 = arith.constant 0 : i32
    %dma_wait3A_920 = arith.constant 0 : i32
    %dma_wait3A_921 = tpu.memref_slice %arg2[%dma_wait3A_916, %dma_wait3A_919, %dma_wait3A_920] : memref<7x100000x128xf32, #tpu.memory_space<hbm>> -> memref<1x100000x128xf32, #tpu.memory_space<hbm>>
    %dma_wait3A_922 = tpu.memref_squeeze %dma_wait3A_921 : memref<1x100000x128xf32, #tpu.memory_space<hbm>> -> memref<100000x128xf32, #tpu.memory_space<hbm>>
    %dma_wait3A_923 = arith.constant 0 : i32
    %dma_wait3A_924 = arith.constant 0 : i32
    %dma_wait3A_925 = tpu.memref_slice %dma_wait3A_922[%dma_wait3A_923, %dma_wait3A_924] : memref<100000x128xf32, #tpu.memory_space<hbm>> -> memref<100000x128xf32, #tpu.memory_space<hbm>>
    tpu.wait_indirect_dma semaphore(%arg10 : memref<!tpu.dma_semaphore, #tpu.memory_space<semaphore_mem>>) src(%dma_wait3A_925 : memref<100000x128xf32, #tpu.memory_space<hbm>>) dst(%arg8 : memref<128x128xf32, #tpu.memory_space<vmem>>)
    %add3A_926 = arith.constant 256 : i32
    %add3A_927 = arith.addi %mul3A_2, %add3A_926 : i32
    %dma_start3A_928 = arith.constant 4 : i32
    %dma_start3A_929 = arith.constant 0 : i32
    %dma_start3A_930 = arith.constant 0 : i32
    %dma_start3A_931 = tpu.memref_slice %arg4[%dma_start3A_928, %dma_start3A_929, %dma_start3A_930] : memref<7x16384x128xf32, #tpu.memory_space<hbm>> -> memref<1x16384x128xf32, #tpu.memory_space<hbm>>
    %dma_start3A_932 = tpu.memref_squeeze %dma_start3A_931 : memref<1x16384x128xf32, #tpu.memory_space<hbm>> -> memref<16384x128xf32, #tpu.memory_space<hbm>>
    %dma_start3A_933 = arith.constant 0 : i32
    %dma_start3A_934 = tpu.memref_slice %dma_start3A_932[%add3A_927, %dma_start3A_933] : memref<16384x128xf32, #tpu.memory_space<hbm>> -> memref<128x128xf32, #tpu.memory_space<hbm>>
    %dma_start3A_935 = arith.constant 0 : i32
    %dma_start3A_936 = arith.constant 0 : i32
    %dma_start3A_937 = tpu.memref_slice %arg4[%dma_start3A_928, %dma_start3A_935, %dma_start3A_936] : memref<7x16384x128xf32, #tpu.memory_space<hbm>> -> memref<1x16384x128xf32, #tpu.memory_space<hbm>>
    %dma_start3A_938 = tpu.memref_squeeze %dma_start3A_937 : memref<1x16384x128xf32, #tpu.memory_space<hbm>> -> memref<16384x128xf32, #tpu.memory_space<hbm>>
    %dma_start3A_939 = arith.constant 0 : i32
    %dma_start3A_940 = tpu.memref_slice %dma_start3A_938[%add3A_927, %dma_start3A_939] : memref<16384x128xf32, #tpu.memory_space<hbm>> -> memref<128x128xf32, #tpu.memory_space<hbm>>
    tpu.enqueue_dma source(%arg8 : memref<128x128xf32, #tpu.memory_space<vmem>>) target(%dma_start3A_940 : memref<128x128xf32, #tpu.memory_space<hbm>>) target_semaphore(%arg11 : memref<!tpu.dma_semaphore, #tpu.memory_space<semaphore_mem>>)
    %add3A_941 = arith.constant 128 : i32
    %add3A_942 = arith.addi %mul3A_2, %add3A_941 : i32
    %dma_wait3A_943 = arith.constant 4 : i32
    %dma_wait3A_944 = arith.constant 0 : i32
    %dma_wait3A_945 = arith.constant 0 : i32
    %dma_wait3A_946 = tpu.memref_slice %arg4[%dma_wait3A_943, %dma_wait3A_944, %dma_wait3A_945] : memref<7x16384x128xf32, #tpu.memory_space<hbm>> -> memref<1x16384x128xf32, #tpu.memory_space<hbm>>
    %dma_wait3A_947 = tpu.memref_squeeze %dma_wait3A_946 : memref<1x16384x128xf32, #tpu.memory_space<hbm>> -> memref<16384x128xf32, #tpu.memory_space<hbm>>
    %dma_wait3A_948 = arith.constant 0 : i32
    %dma_wait3A_949 = tpu.memref_slice %dma_wait3A_947[%add3A_942, %dma_wait3A_948] : memref<16384x128xf32, #tpu.memory_space<hbm>> -> memref<128x128xf32, #tpu.memory_space<hbm>>
    %dma_wait3A_950 = arith.constant 0 : i32
    %dma_wait3A_951 = arith.constant 0 : i32
    %dma_wait3A_952 = tpu.memref_slice %arg4[%dma_wait3A_943, %dma_wait3A_950, %dma_wait3A_951] : memref<7x16384x128xf32, #tpu.memory_space<hbm>> -> memref<1x16384x128xf32, #tpu.memory_space<hbm>>
    %dma_wait3A_953 = tpu.memref_squeeze %dma_wait3A_952 : memref<1x16384x128xf32, #tpu.memory_space<hbm>> -> memref<16384x128xf32, #tpu.memory_space<hbm>>
    %dma_wait3A_954 = arith.constant 0 : i32
    %dma_wait3A_955 = tpu.memref_slice %dma_wait3A_953[%add3A_942, %dma_wait3A_954] : memref<16384x128xf32, #tpu.memory_space<hbm>> -> memref<128x128xf32, #tpu.memory_space<hbm>>
    tpu.wait_dma2 semaphore(%arg11 : memref<!tpu.dma_semaphore, #tpu.memory_space<semaphore_mem>>) src(%arg7 : memref<128x128xf32, #tpu.memory_space<vmem>>) dst(%dma_wait3A_955 : memref<128x128xf32, #tpu.memory_space<hbm>>)
    %dma_start3A_956 = arith.constant 5 : i32
    %dma_start3A_957 = arith.constant 128 : i32
    %dma_start3A_958 = tpu.memref_slice %arg5[%dma_start3A_957] : memref<512xi32, #tpu.memory_space<vmem>> -> memref<128xi32, #tpu.memory_space<vmem>>
    %dma_start3A_959 = arith.constant 0 : i32
    %dma_start3A_960 = arith.constant 0 : i32
    %dma_start3A_961 = tpu.memref_slice %arg2[%dma_start3A_956, %dma_start3A_959, %dma_start3A_960] : memref<7x100000x128xf32, #tpu.memory_space<hbm>> -> memref<1x100000x128xf32, #tpu.memory_space<hbm>>
    %dma_start3A_962 = tpu.memref_squeeze %dma_start3A_961 : memref<1x100000x128xf32, #tpu.memory_space<hbm>> -> memref<100000x128xf32, #tpu.memory_space<hbm>>
    %dma_start3A_963 = arith.constant 0 : i32
    %dma_start3A_964 = arith.constant 0 : i32
    %dma_start3A_965 = tpu.memref_slice %dma_start3A_962[%dma_start3A_963, %dma_start3A_964] : memref<100000x128xf32, #tpu.memory_space<hbm>> -> memref<100000x128xf32, #tpu.memory_space<hbm>>
    tpu.enqueue_indirect_dma source(%dma_start3A_965 : memref<100000x128xf32, #tpu.memory_space<hbm>>) target(%arg7 : memref<128x128xf32, #tpu.memory_space<vmem>>) offsets(%dma_start3A_958 : memref<128xi32, #tpu.memory_space<vmem>>) semaphore(%arg10 : memref<!tpu.dma_semaphore, #tpu.memory_space<semaphore_mem>>)
    %dma_wait3A_966 = arith.constant 4 : i32
    %dma_wait3A_967 = arith.constant 384 : i32
    %dma_wait3A_968 = tpu.memref_slice %arg5[%dma_wait3A_967] : memref<512xi32, #tpu.memory_space<vmem>> -> memref<128xi32, #tpu.memory_space<vmem>>
    %dma_wait3A_969 = arith.constant 0 : i32
    %dma_wait3A_970 = arith.constant 0 : i32
    %dma_wait3A_971 = tpu.memref_slice %arg2[%dma_wait3A_966, %dma_wait3A_969, %dma_wait3A_970] : memref<7x100000x128xf32, #tpu.memory_space<hbm>> -> memref<1x100000x128xf32, #tpu.memory_space<hbm>>
    %dma_wait3A_972 = tpu.memref_squeeze %dma_wait3A_971 : memref<1x100000x128xf32, #tpu.memory_space<hbm>> -> memref<100000x128xf32, #tpu.memory_space<hbm>>
    %dma_wait3A_973 = arith.constant 0 : i32
    %dma_wait3A_974 = arith.constant 0 : i32
    %dma_wait3A_975 = tpu.memref_slice %dma_wait3A_972[%dma_wait3A_973, %dma_wait3A_974] : memref<100000x128xf32, #tpu.memory_space<hbm>> -> memref<100000x128xf32, #tpu.memory_space<hbm>>
    tpu.wait_indirect_dma semaphore(%arg10 : memref<!tpu.dma_semaphore, #tpu.memory_space<semaphore_mem>>) src(%dma_wait3A_975 : memref<100000x128xf32, #tpu.memory_space<hbm>>) dst(%arg9 : memref<128x128xf32, #tpu.memory_space<vmem>>)
    %add3A_976 = arith.constant 384 : i32
    %add3A_977 = arith.addi %mul3A_2, %add3A_976 : i32
    %dma_start3A_978 = arith.constant 4 : i32
    %dma_start3A_979 = arith.constant 0 : i32
    %dma_start3A_980 = arith.constant 0 : i32
    %dma_start3A_981 = tpu.memref_slice %arg4[%dma_start3A_978, %dma_start3A_979, %dma_start3A_980] : memref<7x16384x128xf32, #tpu.memory_space<hbm>> -> memref<1x16384x128xf32, #tpu.memory_space<hbm>>
    %dma_start3A_982 = tpu.memref_squeeze %dma_start3A_981 : memref<1x16384x128xf32, #tpu.memory_space<hbm>> -> memref<16384x128xf32, #tpu.memory_space<hbm>>
    %dma_start3A_983 = arith.constant 0 : i32
    %dma_start3A_984 = tpu.memref_slice %dma_start3A_982[%add3A_977, %dma_start3A_983] : memref<16384x128xf32, #tpu.memory_space<hbm>> -> memref<128x128xf32, #tpu.memory_space<hbm>>
    %dma_start3A_985 = arith.constant 0 : i32
    %dma_start3A_986 = arith.constant 0 : i32
    %dma_start3A_987 = tpu.memref_slice %arg4[%dma_start3A_978, %dma_start3A_985, %dma_start3A_986] : memref<7x16384x128xf32, #tpu.memory_space<hbm>> -> memref<1x16384x128xf32, #tpu.memory_space<hbm>>
    %dma_start3A_988 = tpu.memref_squeeze %dma_start3A_987 : memref<1x16384x128xf32, #tpu.memory_space<hbm>> -> memref<16384x128xf32, #tpu.memory_space<hbm>>
    %dma_start3A_989 = arith.constant 0 : i32
    %dma_start3A_990 = tpu.memref_slice %dma_start3A_988[%add3A_977, %dma_start3A_989] : memref<16384x128xf32, #tpu.memory_space<hbm>> -> memref<128x128xf32, #tpu.memory_space<hbm>>
    tpu.enqueue_dma source(%arg9 : memref<128x128xf32, #tpu.memory_space<vmem>>) target(%dma_start3A_990 : memref<128x128xf32, #tpu.memory_space<hbm>>) target_semaphore(%arg11 : memref<!tpu.dma_semaphore, #tpu.memory_space<semaphore_mem>>)
    %add3A_991 = arith.constant 256 : i32
    %add3A_992 = arith.addi %mul3A_2, %add3A_991 : i32
    %dma_wait3A_993 = arith.constant 4 : i32
    %dma_wait3A_994 = arith.constant 0 : i32
    %dma_wait3A_995 = arith.constant 0 : i32
    %dma_wait3A_996 = tpu.memref_slice %arg4[%dma_wait3A_993, %dma_wait3A_994, %dma_wait3A_995] : memref<7x16384x128xf32, #tpu.memory_space<hbm>> -> memref<1x16384x128xf32, #tpu.memory_space<hbm>>
    %dma_wait3A_997 = tpu.memref_squeeze %dma_wait3A_996 : memref<1x16384x128xf32, #tpu.memory_space<hbm>> -> memref<16384x128xf32, #tpu.memory_space<hbm>>
    %dma_wait3A_998 = arith.constant 0 : i32
    %dma_wait3A_999 = tpu.memref_slice %dma_wait3A_997[%add3A_992, %dma_wait3A_998] : memref<16384x128xf32, #tpu.memory_space<hbm>> -> memref<128x128xf32, #tpu.memory_space<hbm>>
    %dma_wait3A_1000 = arith.constant 0 : i32
    %dma_wait3A_1001 = arith.constant 0 : i32
    %dma_wait3A_1002 = tpu.memref_slice %arg4[%dma_wait3A_993, %dma_wait3A_1000, %dma_wait3A_1001] : memref<7x16384x128xf32, #tpu.memory_space<hbm>> -> memref<1x16384x128xf32, #tpu.memory_space<hbm>>
    %dma_wait3A_1003 = tpu.memref_squeeze %dma_wait3A_1002 : memref<1x16384x128xf32, #tpu.memory_space<hbm>> -> memref<16384x128xf32, #tpu.memory_space<hbm>>
    %dma_wait3A_1004 = arith.constant 0 : i32
    %dma_wait3A_1005 = tpu.memref_slice %dma_wait3A_1003[%add3A_992, %dma_wait3A_1004] : memref<16384x128xf32, #tpu.memory_space<hbm>> -> memref<128x128xf32, #tpu.memory_space<hbm>>
    tpu.wait_dma2 semaphore(%arg11 : memref<!tpu.dma_semaphore, #tpu.memory_space<semaphore_mem>>) src(%arg8 : memref<128x128xf32, #tpu.memory_space<vmem>>) dst(%dma_wait3A_1005 : memref<128x128xf32, #tpu.memory_space<hbm>>)
    %dma_start3A_1006 = arith.constant 5 : i32
    %dma_start3A_1007 = arith.constant 256 : i32
    %dma_start3A_1008 = tpu.memref_slice %arg5[%dma_start3A_1007] : memref<512xi32, #tpu.memory_space<vmem>> -> memref<128xi32, #tpu.memory_space<vmem>>
    %dma_start3A_1009 = arith.constant 0 : i32
    %dma_start3A_1010 = arith.constant 0 : i32
    %dma_start3A_1011 = tpu.memref_slice %arg2[%dma_start3A_1006, %dma_start3A_1009, %dma_start3A_1010] : memref<7x100000x128xf32, #tpu.memory_space<hbm>> -> memref<1x100000x128xf32, #tpu.memory_space<hbm>>
    %dma_start3A_1012 = tpu.memref_squeeze %dma_start3A_1011 : memref<1x100000x128xf32, #tpu.memory_space<hbm>> -> memref<100000x128xf32, #tpu.memory_space<hbm>>
    %dma_start3A_1013 = arith.constant 0 : i32
    %dma_start3A_1014 = arith.constant 0 : i32
    %dma_start3A_1015 = tpu.memref_slice %dma_start3A_1012[%dma_start3A_1013, %dma_start3A_1014] : memref<100000x128xf32, #tpu.memory_space<hbm>> -> memref<100000x128xf32, #tpu.memory_space<hbm>>
    tpu.enqueue_indirect_dma source(%dma_start3A_1015 : memref<100000x128xf32, #tpu.memory_space<hbm>>) target(%arg8 : memref<128x128xf32, #tpu.memory_space<vmem>>) offsets(%dma_start3A_1008 : memref<128xi32, #tpu.memory_space<vmem>>) semaphore(%arg10 : memref<!tpu.dma_semaphore, #tpu.memory_space<semaphore_mem>>)
    %dma_wait3A_1016 = arith.constant 5 : i32
    %dma_wait3A_1017 = arith.constant 0 : i32
    %dma_wait3A_1018 = tpu.memref_slice %arg5[%dma_wait3A_1017] : memref<512xi32, #tpu.memory_space<vmem>> -> memref<128xi32, #tpu.memory_space<vmem>>
    %dma_wait3A_1019 = arith.constant 0 : i32
    %dma_wait3A_1020 = arith.constant 0 : i32
    %dma_wait3A_1021 = tpu.memref_slice %arg2[%dma_wait3A_1016, %dma_wait3A_1019, %dma_wait3A_1020] : memref<7x100000x128xf32, #tpu.memory_space<hbm>> -> memref<1x100000x128xf32, #tpu.memory_space<hbm>>
    %dma_wait3A_1022 = tpu.memref_squeeze %dma_wait3A_1021 : memref<1x100000x128xf32, #tpu.memory_space<hbm>> -> memref<100000x128xf32, #tpu.memory_space<hbm>>
    %dma_wait3A_1023 = arith.constant 0 : i32
    %dma_wait3A_1024 = arith.constant 0 : i32
    %dma_wait3A_1025 = tpu.memref_slice %dma_wait3A_1022[%dma_wait3A_1023, %dma_wait3A_1024] : memref<100000x128xf32, #tpu.memory_space<hbm>> -> memref<100000x128xf32, #tpu.memory_space<hbm>>
    tpu.wait_indirect_dma semaphore(%arg10 : memref<!tpu.dma_semaphore, #tpu.memory_space<semaphore_mem>>) src(%dma_wait3A_1025 : memref<100000x128xf32, #tpu.memory_space<hbm>>) dst(%arg6 : memref<128x128xf32, #tpu.memory_space<vmem>>)
    %add3A_1026 = arith.constant 0 : i32
    %add3A_1027 = arith.addi %mul3A_2, %add3A_1026 : i32
    %dma_start3A_1028 = arith.constant 5 : i32
    %dma_start3A_1029 = arith.constant 0 : i32
    %dma_start3A_1030 = arith.constant 0 : i32
    %dma_start3A_1031 = tpu.memref_slice %arg4[%dma_start3A_1028, %dma_start3A_1029, %dma_start3A_1030] : memref<7x16384x128xf32, #tpu.memory_space<hbm>> -> memref<1x16384x128xf32, #tpu.memory_space<hbm>>
    %dma_start3A_1032 = tpu.memref_squeeze %dma_start3A_1031 : memref<1x16384x128xf32, #tpu.memory_space<hbm>> -> memref<16384x128xf32, #tpu.memory_space<hbm>>
    %dma_start3A_1033 = arith.constant 0 : i32
    %dma_start3A_1034 = tpu.memref_slice %dma_start3A_1032[%add3A_1027, %dma_start3A_1033] : memref<16384x128xf32, #tpu.memory_space<hbm>> -> memref<128x128xf32, #tpu.memory_space<hbm>>
    %dma_start3A_1035 = arith.constant 0 : i32
    %dma_start3A_1036 = arith.constant 0 : i32
    %dma_start3A_1037 = tpu.memref_slice %arg4[%dma_start3A_1028, %dma_start3A_1035, %dma_start3A_1036] : memref<7x16384x128xf32, #tpu.memory_space<hbm>> -> memref<1x16384x128xf32, #tpu.memory_space<hbm>>
    %dma_start3A_1038 = tpu.memref_squeeze %dma_start3A_1037 : memref<1x16384x128xf32, #tpu.memory_space<hbm>> -> memref<16384x128xf32, #tpu.memory_space<hbm>>
    %dma_start3A_1039 = arith.constant 0 : i32
    %dma_start3A_1040 = tpu.memref_slice %dma_start3A_1038[%add3A_1027, %dma_start3A_1039] : memref<16384x128xf32, #tpu.memory_space<hbm>> -> memref<128x128xf32, #tpu.memory_space<hbm>>
    tpu.enqueue_dma source(%arg6 : memref<128x128xf32, #tpu.memory_space<vmem>>) target(%dma_start3A_1040 : memref<128x128xf32, #tpu.memory_space<hbm>>) target_semaphore(%arg11 : memref<!tpu.dma_semaphore, #tpu.memory_space<semaphore_mem>>)
    %add3A_1041 = arith.constant 384 : i32
    %add3A_1042 = arith.addi %mul3A_2, %add3A_1041 : i32
    %dma_wait3A_1043 = arith.constant 4 : i32
    %dma_wait3A_1044 = arith.constant 0 : i32
    %dma_wait3A_1045 = arith.constant 0 : i32
    %dma_wait3A_1046 = tpu.memref_slice %arg4[%dma_wait3A_1043, %dma_wait3A_1044, %dma_wait3A_1045] : memref<7x16384x128xf32, #tpu.memory_space<hbm>> -> memref<1x16384x128xf32, #tpu.memory_space<hbm>>
    %dma_wait3A_1047 = tpu.memref_squeeze %dma_wait3A_1046 : memref<1x16384x128xf32, #tpu.memory_space<hbm>> -> memref<16384x128xf32, #tpu.memory_space<hbm>>
    %dma_wait3A_1048 = arith.constant 0 : i32
    %dma_wait3A_1049 = tpu.memref_slice %dma_wait3A_1047[%add3A_1042, %dma_wait3A_1048] : memref<16384x128xf32, #tpu.memory_space<hbm>> -> memref<128x128xf32, #tpu.memory_space<hbm>>
    %dma_wait3A_1050 = arith.constant 0 : i32
    %dma_wait3A_1051 = arith.constant 0 : i32
    %dma_wait3A_1052 = tpu.memref_slice %arg4[%dma_wait3A_1043, %dma_wait3A_1050, %dma_wait3A_1051] : memref<7x16384x128xf32, #tpu.memory_space<hbm>> -> memref<1x16384x128xf32, #tpu.memory_space<hbm>>
    %dma_wait3A_1053 = tpu.memref_squeeze %dma_wait3A_1052 : memref<1x16384x128xf32, #tpu.memory_space<hbm>> -> memref<16384x128xf32, #tpu.memory_space<hbm>>
    %dma_wait3A_1054 = arith.constant 0 : i32
    %dma_wait3A_1055 = tpu.memref_slice %dma_wait3A_1053[%add3A_1042, %dma_wait3A_1054] : memref<16384x128xf32, #tpu.memory_space<hbm>> -> memref<128x128xf32, #tpu.memory_space<hbm>>
    tpu.wait_dma2 semaphore(%arg11 : memref<!tpu.dma_semaphore, #tpu.memory_space<semaphore_mem>>) src(%arg9 : memref<128x128xf32, #tpu.memory_space<vmem>>) dst(%dma_wait3A_1055 : memref<128x128xf32, #tpu.memory_space<hbm>>)
    %dma_start3A_1056 = arith.constant 5 : i32
    %dma_start3A_1057 = arith.constant 384 : i32
    %dma_start3A_1058 = tpu.memref_slice %arg5[%dma_start3A_1057] : memref<512xi32, #tpu.memory_space<vmem>> -> memref<128xi32, #tpu.memory_space<vmem>>
    %dma_start3A_1059 = arith.constant 0 : i32
    %dma_start3A_1060 = arith.constant 0 : i32
    %dma_start3A_1061 = tpu.memref_slice %arg2[%dma_start3A_1056, %dma_start3A_1059, %dma_start3A_1060] : memref<7x100000x128xf32, #tpu.memory_space<hbm>> -> memref<1x100000x128xf32, #tpu.memory_space<hbm>>
    %dma_start3A_1062 = tpu.memref_squeeze %dma_start3A_1061 : memref<1x100000x128xf32, #tpu.memory_space<hbm>> -> memref<100000x128xf32, #tpu.memory_space<hbm>>
    %dma_start3A_1063 = arith.constant 0 : i32
    %dma_start3A_1064 = arith.constant 0 : i32
    %dma_start3A_1065 = tpu.memref_slice %dma_start3A_1062[%dma_start3A_1063, %dma_start3A_1064] : memref<100000x128xf32, #tpu.memory_space<hbm>> -> memref<100000x128xf32, #tpu.memory_space<hbm>>
    tpu.enqueue_indirect_dma source(%dma_start3A_1065 : memref<100000x128xf32, #tpu.memory_space<hbm>>) target(%arg9 : memref<128x128xf32, #tpu.memory_space<vmem>>) offsets(%dma_start3A_1058 : memref<128xi32, #tpu.memory_space<vmem>>) semaphore(%arg10 : memref<!tpu.dma_semaphore, #tpu.memory_space<semaphore_mem>>)
    %dma_wait3A_1066 = arith.constant 5 : i32
    %dma_wait3A_1067 = arith.constant 128 : i32
    %dma_wait3A_1068 = tpu.memref_slice %arg5[%dma_wait3A_1067] : memref<512xi32, #tpu.memory_space<vmem>> -> memref<128xi32, #tpu.memory_space<vmem>>
    %dma_wait3A_1069 = arith.constant 0 : i32
    %dma_wait3A_1070 = arith.constant 0 : i32
    %dma_wait3A_1071 = tpu.memref_slice %arg2[%dma_wait3A_1066, %dma_wait3A_1069, %dma_wait3A_1070] : memref<7x100000x128xf32, #tpu.memory_space<hbm>> -> memref<1x100000x128xf32, #tpu.memory_space<hbm>>
    %dma_wait3A_1072 = tpu.memref_squeeze %dma_wait3A_1071 : memref<1x100000x128xf32, #tpu.memory_space<hbm>> -> memref<100000x128xf32, #tpu.memory_space<hbm>>
    %dma_wait3A_1073 = arith.constant 0 : i32
    %dma_wait3A_1074 = arith.constant 0 : i32
    %dma_wait3A_1075 = tpu.memref_slice %dma_wait3A_1072[%dma_wait3A_1073, %dma_wait3A_1074] : memref<100000x128xf32, #tpu.memory_space<hbm>> -> memref<100000x128xf32, #tpu.memory_space<hbm>>
    tpu.wait_indirect_dma semaphore(%arg10 : memref<!tpu.dma_semaphore, #tpu.memory_space<semaphore_mem>>) src(%dma_wait3A_1075 : memref<100000x128xf32, #tpu.memory_space<hbm>>) dst(%arg7 : memref<128x128xf32, #tpu.memory_space<vmem>>)
    %add3A_1076 = arith.constant 128 : i32
    %add3A_1077 = arith.addi %mul3A_2, %add3A_1076 : i32
    %dma_start3A_1078 = arith.constant 5 : i32
    %dma_start3A_1079 = arith.constant 0 : i32
    %dma_start3A_1080 = arith.constant 0 : i32
    %dma_start3A_1081 = tpu.memref_slice %arg4[%dma_start3A_1078, %dma_start3A_1079, %dma_start3A_1080] : memref<7x16384x128xf32, #tpu.memory_space<hbm>> -> memref<1x16384x128xf32, #tpu.memory_space<hbm>>
    %dma_start3A_1082 = tpu.memref_squeeze %dma_start3A_1081 : memref<1x16384x128xf32, #tpu.memory_space<hbm>> -> memref<16384x128xf32, #tpu.memory_space<hbm>>
    %dma_start3A_1083 = arith.constant 0 : i32
    %dma_start3A_1084 = tpu.memref_slice %dma_start3A_1082[%add3A_1077, %dma_start3A_1083] : memref<16384x128xf32, #tpu.memory_space<hbm>> -> memref<128x128xf32, #tpu.memory_space<hbm>>
    %dma_start3A_1085 = arith.constant 0 : i32
    %dma_start3A_1086 = arith.constant 0 : i32
    %dma_start3A_1087 = tpu.memref_slice %arg4[%dma_start3A_1078, %dma_start3A_1085, %dma_start3A_1086] : memref<7x16384x128xf32, #tpu.memory_space<hbm>> -> memref<1x16384x128xf32, #tpu.memory_space<hbm>>
    %dma_start3A_1088 = tpu.memref_squeeze %dma_start3A_1087 : memref<1x16384x128xf32, #tpu.memory_space<hbm>> -> memref<16384x128xf32, #tpu.memory_space<hbm>>
    %dma_start3A_1089 = arith.constant 0 : i32
    %dma_start3A_1090 = tpu.memref_slice %dma_start3A_1088[%add3A_1077, %dma_start3A_1089] : memref<16384x128xf32, #tpu.memory_space<hbm>> -> memref<128x128xf32, #tpu.memory_space<hbm>>
    tpu.enqueue_dma source(%arg7 : memref<128x128xf32, #tpu.memory_space<vmem>>) target(%dma_start3A_1090 : memref<128x128xf32, #tpu.memory_space<hbm>>) target_semaphore(%arg11 : memref<!tpu.dma_semaphore, #tpu.memory_space<semaphore_mem>>)
    %add3A_1091 = arith.constant 0 : i32
    %add3A_1092 = arith.addi %mul3A_2, %add3A_1091 : i32
    %dma_wait3A_1093 = arith.constant 5 : i32
    %dma_wait3A_1094 = arith.constant 0 : i32
    %dma_wait3A_1095 = arith.constant 0 : i32
    %dma_wait3A_1096 = tpu.memref_slice %arg4[%dma_wait3A_1093, %dma_wait3A_1094, %dma_wait3A_1095] : memref<7x16384x128xf32, #tpu.memory_space<hbm>> -> memref<1x16384x128xf32, #tpu.memory_space<hbm>>
    %dma_wait3A_1097 = tpu.memref_squeeze %dma_wait3A_1096 : memref<1x16384x128xf32, #tpu.memory_space<hbm>> -> memref<16384x128xf32, #tpu.memory_space<hbm>>
    %dma_wait3A_1098 = arith.constant 0 : i32
    %dma_wait3A_1099 = tpu.memref_slice %dma_wait3A_1097[%add3A_1092, %dma_wait3A_1098] : memref<16384x128xf32, #tpu.memory_space<hbm>> -> memref<128x128xf32, #tpu.memory_space<hbm>>
    %dma_wait3A_1100 = arith.constant 0 : i32
    %dma_wait3A_1101 = arith.constant 0 : i32
    %dma_wait3A_1102 = tpu.memref_slice %arg4[%dma_wait3A_1093, %dma_wait3A_1100, %dma_wait3A_1101] : memref<7x16384x128xf32, #tpu.memory_space<hbm>> -> memref<1x16384x128xf32, #tpu.memory_space<hbm>>
    %dma_wait3A_1103 = tpu.memref_squeeze %dma_wait3A_1102 : memref<1x16384x128xf32, #tpu.memory_space<hbm>> -> memref<16384x128xf32, #tpu.memory_space<hbm>>
    %dma_wait3A_1104 = arith.constant 0 : i32
    %dma_wait3A_1105 = tpu.memref_slice %dma_wait3A_1103[%add3A_1092, %dma_wait3A_1104] : memref<16384x128xf32, #tpu.memory_space<hbm>> -> memref<128x128xf32, #tpu.memory_space<hbm>>
    tpu.wait_dma2 semaphore(%arg11 : memref<!tpu.dma_semaphore, #tpu.memory_space<semaphore_mem>>) src(%arg6 : memref<128x128xf32, #tpu.memory_space<vmem>>) dst(%dma_wait3A_1105 : memref<128x128xf32, #tpu.memory_space<hbm>>)
    %dma_start3A_1106 = arith.constant 6 : i32
    %dma_start3A_1107 = arith.constant 0 : i32
    %dma_start3A_1108 = tpu.memref_slice %arg5[%dma_start3A_1107] : memref<512xi32, #tpu.memory_space<vmem>> -> memref<128xi32, #tpu.memory_space<vmem>>
    %dma_start3A_1109 = arith.constant 0 : i32
    %dma_start3A_1110 = arith.constant 0 : i32
    %dma_start3A_1111 = tpu.memref_slice %arg2[%dma_start3A_1106, %dma_start3A_1109, %dma_start3A_1110] : memref<7x100000x128xf32, #tpu.memory_space<hbm>> -> memref<1x100000x128xf32, #tpu.memory_space<hbm>>
    %dma_start3A_1112 = tpu.memref_squeeze %dma_start3A_1111 : memref<1x100000x128xf32, #tpu.memory_space<hbm>> -> memref<100000x128xf32, #tpu.memory_space<hbm>>
    %dma_start3A_1113 = arith.constant 0 : i32
    %dma_start3A_1114 = arith.constant 0 : i32
    %dma_start3A_1115 = tpu.memref_slice %dma_start3A_1112[%dma_start3A_1113, %dma_start3A_1114] : memref<100000x128xf32, #tpu.memory_space<hbm>> -> memref<100000x128xf32, #tpu.memory_space<hbm>>
    tpu.enqueue_indirect_dma source(%dma_start3A_1115 : memref<100000x128xf32, #tpu.memory_space<hbm>>) target(%arg6 : memref<128x128xf32, #tpu.memory_space<vmem>>) offsets(%dma_start3A_1108 : memref<128xi32, #tpu.memory_space<vmem>>) semaphore(%arg10 : memref<!tpu.dma_semaphore, #tpu.memory_space<semaphore_mem>>)
    %dma_wait3A_1116 = arith.constant 5 : i32
    %dma_wait3A_1117 = arith.constant 256 : i32
    %dma_wait3A_1118 = tpu.memref_slice %arg5[%dma_wait3A_1117] : memref<512xi32, #tpu.memory_space<vmem>> -> memref<128xi32, #tpu.memory_space<vmem>>
    %dma_wait3A_1119 = arith.constant 0 : i32
    %dma_wait3A_1120 = arith.constant 0 : i32
    %dma_wait3A_1121 = tpu.memref_slice %arg2[%dma_wait3A_1116, %dma_wait3A_1119, %dma_wait3A_1120] : memref<7x100000x128xf32, #tpu.memory_space<hbm>> -> memref<1x100000x128xf32, #tpu.memory_space<hbm>>
    %dma_wait3A_1122 = tpu.memref_squeeze %dma_wait3A_1121 : memref<1x100000x128xf32, #tpu.memory_space<hbm>> -> memref<100000x128xf32, #tpu.memory_space<hbm>>
    %dma_wait3A_1123 = arith.constant 0 : i32
    %dma_wait3A_1124 = arith.constant 0 : i32
    %dma_wait3A_1125 = tpu.memref_slice %dma_wait3A_1122[%dma_wait3A_1123, %dma_wait3A_1124] : memref<100000x128xf32, #tpu.memory_space<hbm>> -> memref<100000x128xf32, #tpu.memory_space<hbm>>
    tpu.wait_indirect_dma semaphore(%arg10 : memref<!tpu.dma_semaphore, #tpu.memory_space<semaphore_mem>>) src(%dma_wait3A_1125 : memref<100000x128xf32, #tpu.memory_space<hbm>>) dst(%arg8 : memref<128x128xf32, #tpu.memory_space<vmem>>)
    %add3A_1126 = arith.constant 256 : i32
    %add3A_1127 = arith.addi %mul3A_2, %add3A_1126 : i32
    %dma_start3A_1128 = arith.constant 5 : i32
    %dma_start3A_1129 = arith.constant 0 : i32
    %dma_start3A_1130 = arith.constant 0 : i32
    %dma_start3A_1131 = tpu.memref_slice %arg4[%dma_start3A_1128, %dma_start3A_1129, %dma_start3A_1130] : memref<7x16384x128xf32, #tpu.memory_space<hbm>> -> memref<1x16384x128xf32, #tpu.memory_space<hbm>>
    %dma_start3A_1132 = tpu.memref_squeeze %dma_start3A_1131 : memref<1x16384x128xf32, #tpu.memory_space<hbm>> -> memref<16384x128xf32, #tpu.memory_space<hbm>>
    %dma_start3A_1133 = arith.constant 0 : i32
    %dma_start3A_1134 = tpu.memref_slice %dma_start3A_1132[%add3A_1127, %dma_start3A_1133] : memref<16384x128xf32, #tpu.memory_space<hbm>> -> memref<128x128xf32, #tpu.memory_space<hbm>>
    %dma_start3A_1135 = arith.constant 0 : i32
    %dma_start3A_1136 = arith.constant 0 : i32
    %dma_start3A_1137 = tpu.memref_slice %arg4[%dma_start3A_1128, %dma_start3A_1135, %dma_start3A_1136] : memref<7x16384x128xf32, #tpu.memory_space<hbm>> -> memref<1x16384x128xf32, #tpu.memory_space<hbm>>
    %dma_start3A_1138 = tpu.memref_squeeze %dma_start3A_1137 : memref<1x16384x128xf32, #tpu.memory_space<hbm>> -> memref<16384x128xf32, #tpu.memory_space<hbm>>
    %dma_start3A_1139 = arith.constant 0 : i32
    %dma_start3A_1140 = tpu.memref_slice %dma_start3A_1138[%add3A_1127, %dma_start3A_1139] : memref<16384x128xf32, #tpu.memory_space<hbm>> -> memref<128x128xf32, #tpu.memory_space<hbm>>
    tpu.enqueue_dma source(%arg8 : memref<128x128xf32, #tpu.memory_space<vmem>>) target(%dma_start3A_1140 : memref<128x128xf32, #tpu.memory_space<hbm>>) target_semaphore(%arg11 : memref<!tpu.dma_semaphore, #tpu.memory_space<semaphore_mem>>)
    %add3A_1141 = arith.constant 128 : i32
    %add3A_1142 = arith.addi %mul3A_2, %add3A_1141 : i32
    %dma_wait3A_1143 = arith.constant 5 : i32
    %dma_wait3A_1144 = arith.constant 0 : i32
    %dma_wait3A_1145 = arith.constant 0 : i32
    %dma_wait3A_1146 = tpu.memref_slice %arg4[%dma_wait3A_1143, %dma_wait3A_1144, %dma_wait3A_1145] : memref<7x16384x128xf32, #tpu.memory_space<hbm>> -> memref<1x16384x128xf32, #tpu.memory_space<hbm>>
    %dma_wait3A_1147 = tpu.memref_squeeze %dma_wait3A_1146 : memref<1x16384x128xf32, #tpu.memory_space<hbm>> -> memref<16384x128xf32, #tpu.memory_space<hbm>>
    %dma_wait3A_1148 = arith.constant 0 : i32
    %dma_wait3A_1149 = tpu.memref_slice %dma_wait3A_1147[%add3A_1142, %dma_wait3A_1148] : memref<16384x128xf32, #tpu.memory_space<hbm>> -> memref<128x128xf32, #tpu.memory_space<hbm>>
    %dma_wait3A_1150 = arith.constant 0 : i32
    %dma_wait3A_1151 = arith.constant 0 : i32
    %dma_wait3A_1152 = tpu.memref_slice %arg4[%dma_wait3A_1143, %dma_wait3A_1150, %dma_wait3A_1151] : memref<7x16384x128xf32, #tpu.memory_space<hbm>> -> memref<1x16384x128xf32, #tpu.memory_space<hbm>>
    %dma_wait3A_1153 = tpu.memref_squeeze %dma_wait3A_1152 : memref<1x16384x128xf32, #tpu.memory_space<hbm>> -> memref<16384x128xf32, #tpu.memory_space<hbm>>
    %dma_wait3A_1154 = arith.constant 0 : i32
    %dma_wait3A_1155 = tpu.memref_slice %dma_wait3A_1153[%add3A_1142, %dma_wait3A_1154] : memref<16384x128xf32, #tpu.memory_space<hbm>> -> memref<128x128xf32, #tpu.memory_space<hbm>>
    tpu.wait_dma2 semaphore(%arg11 : memref<!tpu.dma_semaphore, #tpu.memory_space<semaphore_mem>>) src(%arg7 : memref<128x128xf32, #tpu.memory_space<vmem>>) dst(%dma_wait3A_1155 : memref<128x128xf32, #tpu.memory_space<hbm>>)
    %dma_start3A_1156 = arith.constant 6 : i32
    %dma_start3A_1157 = arith.constant 128 : i32
    %dma_start3A_1158 = tpu.memref_slice %arg5[%dma_start3A_1157] : memref<512xi32, #tpu.memory_space<vmem>> -> memref<128xi32, #tpu.memory_space<vmem>>
    %dma_start3A_1159 = arith.constant 0 : i32
    %dma_start3A_1160 = arith.constant 0 : i32
    %dma_start3A_1161 = tpu.memref_slice %arg2[%dma_start3A_1156, %dma_start3A_1159, %dma_start3A_1160] : memref<7x100000x128xf32, #tpu.memory_space<hbm>> -> memref<1x100000x128xf32, #tpu.memory_space<hbm>>
    %dma_start3A_1162 = tpu.memref_squeeze %dma_start3A_1161 : memref<1x100000x128xf32, #tpu.memory_space<hbm>> -> memref<100000x128xf32, #tpu.memory_space<hbm>>
    %dma_start3A_1163 = arith.constant 0 : i32
    %dma_start3A_1164 = arith.constant 0 : i32
    %dma_start3A_1165 = tpu.memref_slice %dma_start3A_1162[%dma_start3A_1163, %dma_start3A_1164] : memref<100000x128xf32, #tpu.memory_space<hbm>> -> memref<100000x128xf32, #tpu.memory_space<hbm>>
    tpu.enqueue_indirect_dma source(%dma_start3A_1165 : memref<100000x128xf32, #tpu.memory_space<hbm>>) target(%arg7 : memref<128x128xf32, #tpu.memory_space<vmem>>) offsets(%dma_start3A_1158 : memref<128xi32, #tpu.memory_space<vmem>>) semaphore(%arg10 : memref<!tpu.dma_semaphore, #tpu.memory_space<semaphore_mem>>)
    %dma_wait3A_1166 = arith.constant 5 : i32
    %dma_wait3A_1167 = arith.constant 384 : i32
    %dma_wait3A_1168 = tpu.memref_slice %arg5[%dma_wait3A_1167] : memref<512xi32, #tpu.memory_space<vmem>> -> memref<128xi32, #tpu.memory_space<vmem>>
    %dma_wait3A_1169 = arith.constant 0 : i32
    %dma_wait3A_1170 = arith.constant 0 : i32
    %dma_wait3A_1171 = tpu.memref_slice %arg2[%dma_wait3A_1166, %dma_wait3A_1169, %dma_wait3A_1170] : memref<7x100000x128xf32, #tpu.memory_space<hbm>> -> memref<1x100000x128xf32, #tpu.memory_space<hbm>>
    %dma_wait3A_1172 = tpu.memref_squeeze %dma_wait3A_1171 : memref<1x100000x128xf32, #tpu.memory_space<hbm>> -> memref<100000x128xf32, #tpu.memory_space<hbm>>
    %dma_wait3A_1173 = arith.constant 0 : i32
    %dma_wait3A_1174 = arith.constant 0 : i32
    %dma_wait3A_1175 = tpu.memref_slice %dma_wait3A_1172[%dma_wait3A_1173, %dma_wait3A_1174] : memref<100000x128xf32, #tpu.memory_space<hbm>> -> memref<100000x128xf32, #tpu.memory_space<hbm>>
    tpu.wait_indirect_dma semaphore(%arg10 : memref<!tpu.dma_semaphore, #tpu.memory_space<semaphore_mem>>) src(%dma_wait3A_1175 : memref<100000x128xf32, #tpu.memory_space<hbm>>) dst(%arg9 : memref<128x128xf32, #tpu.memory_space<vmem>>)
    %add3A_1176 = arith.constant 384 : i32
    %add3A_1177 = arith.addi %mul3A_2, %add3A_1176 : i32
    %dma_start3A_1178 = arith.constant 5 : i32
    %dma_start3A_1179 = arith.constant 0 : i32
    %dma_start3A_1180 = arith.constant 0 : i32
    %dma_start3A_1181 = tpu.memref_slice %arg4[%dma_start3A_1178, %dma_start3A_1179, %dma_start3A_1180] : memref<7x16384x128xf32, #tpu.memory_space<hbm>> -> memref<1x16384x128xf32, #tpu.memory_space<hbm>>
    %dma_start3A_1182 = tpu.memref_squeeze %dma_start3A_1181 : memref<1x16384x128xf32, #tpu.memory_space<hbm>> -> memref<16384x128xf32, #tpu.memory_space<hbm>>
    %dma_start3A_1183 = arith.constant 0 : i32
    %dma_start3A_1184 = tpu.memref_slice %dma_start3A_1182[%add3A_1177, %dma_start3A_1183] : memref<16384x128xf32, #tpu.memory_space<hbm>> -> memref<128x128xf32, #tpu.memory_space<hbm>>
    %dma_start3A_1185 = arith.constant 0 : i32
    %dma_start3A_1186 = arith.constant 0 : i32
    %dma_start3A_1187 = tpu.memref_slice %arg4[%dma_start3A_1178, %dma_start3A_1185, %dma_start3A_1186] : memref<7x16384x128xf32, #tpu.memory_space<hbm>> -> memref<1x16384x128xf32, #tpu.memory_space<hbm>>
    %dma_start3A_1188 = tpu.memref_squeeze %dma_start3A_1187 : memref<1x16384x128xf32, #tpu.memory_space<hbm>> -> memref<16384x128xf32, #tpu.memory_space<hbm>>
    %dma_start3A_1189 = arith.constant 0 : i32
    %dma_start3A_1190 = tpu.memref_slice %dma_start3A_1188[%add3A_1177, %dma_start3A_1189] : memref<16384x128xf32, #tpu.memory_space<hbm>> -> memref<128x128xf32, #tpu.memory_space<hbm>>
    tpu.enqueue_dma source(%arg9 : memref<128x128xf32, #tpu.memory_space<vmem>>) target(%dma_start3A_1190 : memref<128x128xf32, #tpu.memory_space<hbm>>) target_semaphore(%arg11 : memref<!tpu.dma_semaphore, #tpu.memory_space<semaphore_mem>>)
    %add3A_1191 = arith.constant 256 : i32
    %add3A_1192 = arith.addi %mul3A_2, %add3A_1191 : i32
    %dma_wait3A_1193 = arith.constant 5 : i32
    %dma_wait3A_1194 = arith.constant 0 : i32
    %dma_wait3A_1195 = arith.constant 0 : i32
    %dma_wait3A_1196 = tpu.memref_slice %arg4[%dma_wait3A_1193, %dma_wait3A_1194, %dma_wait3A_1195] : memref<7x16384x128xf32, #tpu.memory_space<hbm>> -> memref<1x16384x128xf32, #tpu.memory_space<hbm>>
    %dma_wait3A_1197 = tpu.memref_squeeze %dma_wait3A_1196 : memref<1x16384x128xf32, #tpu.memory_space<hbm>> -> memref<16384x128xf32, #tpu.memory_space<hbm>>
    %dma_wait3A_1198 = arith.constant 0 : i32
    %dma_wait3A_1199 = tpu.memref_slice %dma_wait3A_1197[%add3A_1192, %dma_wait3A_1198] : memref<16384x128xf32, #tpu.memory_space<hbm>> -> memref<128x128xf32, #tpu.memory_space<hbm>>
    %dma_wait3A_1200 = arith.constant 0 : i32
    %dma_wait3A_1201 = arith.constant 0 : i32
    %dma_wait3A_1202 = tpu.memref_slice %arg4[%dma_wait3A_1193, %dma_wait3A_1200, %dma_wait3A_1201] : memref<7x16384x128xf32, #tpu.memory_space<hbm>> -> memref<1x16384x128xf32, #tpu.memory_space<hbm>>
    %dma_wait3A_1203 = tpu.memref_squeeze %dma_wait3A_1202 : memref<1x16384x128xf32, #tpu.memory_space<hbm>> -> memref<16384x128xf32, #tpu.memory_space<hbm>>
    %dma_wait3A_1204 = arith.constant 0 : i32
    %dma_wait3A_1205 = tpu.memref_slice %dma_wait3A_1203[%add3A_1192, %dma_wait3A_1204] : memref<16384x128xf32, #tpu.memory_space<hbm>> -> memref<128x128xf32, #tpu.memory_space<hbm>>
    tpu.wait_dma2 semaphore(%arg11 : memref<!tpu.dma_semaphore, #tpu.memory_space<semaphore_mem>>) src(%arg8 : memref<128x128xf32, #tpu.memory_space<vmem>>) dst(%dma_wait3A_1205 : memref<128x128xf32, #tpu.memory_space<hbm>>)
    %dma_start3A_1206 = arith.constant 6 : i32
    %dma_start3A_1207 = arith.constant 256 : i32
    %dma_start3A_1208 = tpu.memref_slice %arg5[%dma_start3A_1207] : memref<512xi32, #tpu.memory_space<vmem>> -> memref<128xi32, #tpu.memory_space<vmem>>
    %dma_start3A_1209 = arith.constant 0 : i32
    %dma_start3A_1210 = arith.constant 0 : i32
    %dma_start3A_1211 = tpu.memref_slice %arg2[%dma_start3A_1206, %dma_start3A_1209, %dma_start3A_1210] : memref<7x100000x128xf32, #tpu.memory_space<hbm>> -> memref<1x100000x128xf32, #tpu.memory_space<hbm>>
    %dma_start3A_1212 = tpu.memref_squeeze %dma_start3A_1211 : memref<1x100000x128xf32, #tpu.memory_space<hbm>> -> memref<100000x128xf32, #tpu.memory_space<hbm>>
    %dma_start3A_1213 = arith.constant 0 : i32
    %dma_start3A_1214 = arith.constant 0 : i32
    %dma_start3A_1215 = tpu.memref_slice %dma_start3A_1212[%dma_start3A_1213, %dma_start3A_1214] : memref<100000x128xf32, #tpu.memory_space<hbm>> -> memref<100000x128xf32, #tpu.memory_space<hbm>>
    tpu.enqueue_indirect_dma source(%dma_start3A_1215 : memref<100000x128xf32, #tpu.memory_space<hbm>>) target(%arg8 : memref<128x128xf32, #tpu.memory_space<vmem>>) offsets(%dma_start3A_1208 : memref<128xi32, #tpu.memory_space<vmem>>) semaphore(%arg10 : memref<!tpu.dma_semaphore, #tpu.memory_space<semaphore_mem>>)
    %dma_wait3A_1216 = arith.constant 6 : i32
    %dma_wait3A_1217 = arith.constant 0 : i32
    %dma_wait3A_1218 = tpu.memref_slice %arg5[%dma_wait3A_1217] : memref<512xi32, #tpu.memory_space<vmem>> -> memref<128xi32, #tpu.memory_space<vmem>>
    %dma_wait3A_1219 = arith.constant 0 : i32
    %dma_wait3A_1220 = arith.constant 0 : i32
    %dma_wait3A_1221 = tpu.memref_slice %arg2[%dma_wait3A_1216, %dma_wait3A_1219, %dma_wait3A_1220] : memref<7x100000x128xf32, #tpu.memory_space<hbm>> -> memref<1x100000x128xf32, #tpu.memory_space<hbm>>
    %dma_wait3A_1222 = tpu.memref_squeeze %dma_wait3A_1221 : memref<1x100000x128xf32, #tpu.memory_space<hbm>> -> memref<100000x128xf32, #tpu.memory_space<hbm>>
    %dma_wait3A_1223 = arith.constant 0 : i32
    %dma_wait3A_1224 = arith.constant 0 : i32
    %dma_wait3A_1225 = tpu.memref_slice %dma_wait3A_1222[%dma_wait3A_1223, %dma_wait3A_1224] : memref<100000x128xf32, #tpu.memory_space<hbm>> -> memref<100000x128xf32, #tpu.memory_space<hbm>>
    tpu.wait_indirect_dma semaphore(%arg10 : memref<!tpu.dma_semaphore, #tpu.memory_space<semaphore_mem>>) src(%dma_wait3A_1225 : memref<100000x128xf32, #tpu.memory_space<hbm>>) dst(%arg6 : memref<128x128xf32, #tpu.memory_space<vmem>>)
    %add3A_1226 = arith.constant 0 : i32
    %add3A_1227 = arith.addi %mul3A_2, %add3A_1226 : i32
    %dma_start3A_1228 = arith.constant 6 : i32
    %dma_start3A_1229 = arith.constant 0 : i32
    %dma_start3A_1230 = arith.constant 0 : i32
    %dma_start3A_1231 = tpu.memref_slice %arg4[%dma_start3A_1228, %dma_start3A_1229, %dma_start3A_1230] : memref<7x16384x128xf32, #tpu.memory_space<hbm>> -> memref<1x16384x128xf32, #tpu.memory_space<hbm>>
    %dma_start3A_1232 = tpu.memref_squeeze %dma_start3A_1231 : memref<1x16384x128xf32, #tpu.memory_space<hbm>> -> memref<16384x128xf32, #tpu.memory_space<hbm>>
    %dma_start3A_1233 = arith.constant 0 : i32
    %dma_start3A_1234 = tpu.memref_slice %dma_start3A_1232[%add3A_1227, %dma_start3A_1233] : memref<16384x128xf32, #tpu.memory_space<hbm>> -> memref<128x128xf32, #tpu.memory_space<hbm>>
    %dma_start3A_1235 = arith.constant 0 : i32
    %dma_start3A_1236 = arith.constant 0 : i32
    %dma_start3A_1237 = tpu.memref_slice %arg4[%dma_start3A_1228, %dma_start3A_1235, %dma_start3A_1236] : memref<7x16384x128xf32, #tpu.memory_space<hbm>> -> memref<1x16384x128xf32, #tpu.memory_space<hbm>>
    %dma_start3A_1238 = tpu.memref_squeeze %dma_start3A_1237 : memref<1x16384x128xf32, #tpu.memory_space<hbm>> -> memref<16384x128xf32, #tpu.memory_space<hbm>>
    %dma_start3A_1239 = arith.constant 0 : i32
    %dma_start3A_1240 = tpu.memref_slice %dma_start3A_1238[%add3A_1227, %dma_start3A_1239] : memref<16384x128xf32, #tpu.memory_space<hbm>> -> memref<128x128xf32, #tpu.memory_space<hbm>>
    tpu.enqueue_dma source(%arg6 : memref<128x128xf32, #tpu.memory_space<vmem>>) target(%dma_start3A_1240 : memref<128x128xf32, #tpu.memory_space<hbm>>) target_semaphore(%arg11 : memref<!tpu.dma_semaphore, #tpu.memory_space<semaphore_mem>>)
    %add3A_1241 = arith.constant 384 : i32
    %add3A_1242 = arith.addi %mul3A_2, %add3A_1241 : i32
    %dma_wait3A_1243 = arith.constant 5 : i32
    %dma_wait3A_1244 = arith.constant 0 : i32
    %dma_wait3A_1245 = arith.constant 0 : i32
    %dma_wait3A_1246 = tpu.memref_slice %arg4[%dma_wait3A_1243, %dma_wait3A_1244, %dma_wait3A_1245] : memref<7x16384x128xf32, #tpu.memory_space<hbm>> -> memref<1x16384x128xf32, #tpu.memory_space<hbm>>
    %dma_wait3A_1247 = tpu.memref_squeeze %dma_wait3A_1246 : memref<1x16384x128xf32, #tpu.memory_space<hbm>> -> memref<16384x128xf32, #tpu.memory_space<hbm>>
    %dma_wait3A_1248 = arith.constant 0 : i32
    %dma_wait3A_1249 = tpu.memref_slice %dma_wait3A_1247[%add3A_1242, %dma_wait3A_1248] : memref<16384x128xf32, #tpu.memory_space<hbm>> -> memref<128x128xf32, #tpu.memory_space<hbm>>
    %dma_wait3A_1250 = arith.constant 0 : i32
    %dma_wait3A_1251 = arith.constant 0 : i32
    %dma_wait3A_1252 = tpu.memref_slice %arg4[%dma_wait3A_1243, %dma_wait3A_1250, %dma_wait3A_1251] : memref<7x16384x128xf32, #tpu.memory_space<hbm>> -> memref<1x16384x128xf32, #tpu.memory_space<hbm>>
    %dma_wait3A_1253 = tpu.memref_squeeze %dma_wait3A_1252 : memref<1x16384x128xf32, #tpu.memory_space<hbm>> -> memref<16384x128xf32, #tpu.memory_space<hbm>>
    %dma_wait3A_1254 = arith.constant 0 : i32
    %dma_wait3A_1255 = tpu.memref_slice %dma_wait3A_1253[%add3A_1242, %dma_wait3A_1254] : memref<16384x128xf32, #tpu.memory_space<hbm>> -> memref<128x128xf32, #tpu.memory_space<hbm>>
    tpu.wait_dma2 semaphore(%arg11 : memref<!tpu.dma_semaphore, #tpu.memory_space<semaphore_mem>>) src(%arg9 : memref<128x128xf32, #tpu.memory_space<vmem>>) dst(%dma_wait3A_1255 : memref<128x128xf32, #tpu.memory_space<hbm>>)
    %dma_start3A_1256 = arith.constant 6 : i32
    %dma_start3A_1257 = arith.constant 384 : i32
    %dma_start3A_1258 = tpu.memref_slice %arg5[%dma_start3A_1257] : memref<512xi32, #tpu.memory_space<vmem>> -> memref<128xi32, #tpu.memory_space<vmem>>
    %dma_start3A_1259 = arith.constant 0 : i32
    %dma_start3A_1260 = arith.constant 0 : i32
    %dma_start3A_1261 = tpu.memref_slice %arg2[%dma_start3A_1256, %dma_start3A_1259, %dma_start3A_1260] : memref<7x100000x128xf32, #tpu.memory_space<hbm>> -> memref<1x100000x128xf32, #tpu.memory_space<hbm>>
    %dma_start3A_1262 = tpu.memref_squeeze %dma_start3A_1261 : memref<1x100000x128xf32, #tpu.memory_space<hbm>> -> memref<100000x128xf32, #tpu.memory_space<hbm>>
    %dma_start3A_1263 = arith.constant 0 : i32
    %dma_start3A_1264 = arith.constant 0 : i32
    %dma_start3A_1265 = tpu.memref_slice %dma_start3A_1262[%dma_start3A_1263, %dma_start3A_1264] : memref<100000x128xf32, #tpu.memory_space<hbm>> -> memref<100000x128xf32, #tpu.memory_space<hbm>>
    tpu.enqueue_indirect_dma source(%dma_start3A_1265 : memref<100000x128xf32, #tpu.memory_space<hbm>>) target(%arg9 : memref<128x128xf32, #tpu.memory_space<vmem>>) offsets(%dma_start3A_1258 : memref<128xi32, #tpu.memory_space<vmem>>) semaphore(%arg10 : memref<!tpu.dma_semaphore, #tpu.memory_space<semaphore_mem>>)
    %dma_wait3A_1266 = arith.constant 6 : i32
    %dma_wait3A_1267 = arith.constant 128 : i32
    %dma_wait3A_1268 = tpu.memref_slice %arg5[%dma_wait3A_1267] : memref<512xi32, #tpu.memory_space<vmem>> -> memref<128xi32, #tpu.memory_space<vmem>>
    %dma_wait3A_1269 = arith.constant 0 : i32
    %dma_wait3A_1270 = arith.constant 0 : i32
    %dma_wait3A_1271 = tpu.memref_slice %arg2[%dma_wait3A_1266, %dma_wait3A_1269, %dma_wait3A_1270] : memref<7x100000x128xf32, #tpu.memory_space<hbm>> -> memref<1x100000x128xf32, #tpu.memory_space<hbm>>
    %dma_wait3A_1272 = tpu.memref_squeeze %dma_wait3A_1271 : memref<1x100000x128xf32, #tpu.memory_space<hbm>> -> memref<100000x128xf32, #tpu.memory_space<hbm>>
    %dma_wait3A_1273 = arith.constant 0 : i32
    %dma_wait3A_1274 = arith.constant 0 : i32
    %dma_wait3A_1275 = tpu.memref_slice %dma_wait3A_1272[%dma_wait3A_1273, %dma_wait3A_1274] : memref<100000x128xf32, #tpu.memory_space<hbm>> -> memref<100000x128xf32, #tpu.memory_space<hbm>>
    tpu.wait_indirect_dma semaphore(%arg10 : memref<!tpu.dma_semaphore, #tpu.memory_space<semaphore_mem>>) src(%dma_wait3A_1275 : memref<100000x128xf32, #tpu.memory_space<hbm>>) dst(%arg7 : memref<128x128xf32, #tpu.memory_space<vmem>>)
    %add3A_1276 = arith.constant 128 : i32
    %add3A_1277 = arith.addi %mul3A_2, %add3A_1276 : i32
    %dma_start3A_1278 = arith.constant 6 : i32
    %dma_start3A_1279 = arith.constant 0 : i32
    %dma_start3A_1280 = arith.constant 0 : i32
    %dma_start3A_1281 = tpu.memref_slice %arg4[%dma_start3A_1278, %dma_start3A_1279, %dma_start3A_1280] : memref<7x16384x128xf32, #tpu.memory_space<hbm>> -> memref<1x16384x128xf32, #tpu.memory_space<hbm>>
    %dma_start3A_1282 = tpu.memref_squeeze %dma_start3A_1281 : memref<1x16384x128xf32, #tpu.memory_space<hbm>> -> memref<16384x128xf32, #tpu.memory_space<hbm>>
    %dma_start3A_1283 = arith.constant 0 : i32
    %dma_start3A_1284 = tpu.memref_slice %dma_start3A_1282[%add3A_1277, %dma_start3A_1283] : memref<16384x128xf32, #tpu.memory_space<hbm>> -> memref<128x128xf32, #tpu.memory_space<hbm>>
    %dma_start3A_1285 = arith.constant 0 : i32
    %dma_start3A_1286 = arith.constant 0 : i32
    %dma_start3A_1287 = tpu.memref_slice %arg4[%dma_start3A_1278, %dma_start3A_1285, %dma_start3A_1286] : memref<7x16384x128xf32, #tpu.memory_space<hbm>> -> memref<1x16384x128xf32, #tpu.memory_space<hbm>>
    %dma_start3A_1288 = tpu.memref_squeeze %dma_start3A_1287 : memref<1x16384x128xf32, #tpu.memory_space<hbm>> -> memref<16384x128xf32, #tpu.memory_space<hbm>>
    %dma_start3A_1289 = arith.constant 0 : i32
    %dma_start3A_1290 = tpu.memref_slice %dma_start3A_1288[%add3A_1277, %dma_start3A_1289] : memref<16384x128xf32, #tpu.memory_space<hbm>> -> memref<128x128xf32, #tpu.memory_space<hbm>>
    tpu.enqueue_dma source(%arg7 : memref<128x128xf32, #tpu.memory_space<vmem>>) target(%dma_start3A_1290 : memref<128x128xf32, #tpu.memory_space<hbm>>) target_semaphore(%arg11 : memref<!tpu.dma_semaphore, #tpu.memory_space<semaphore_mem>>)
    %dma_wait3A_1291 = arith.constant 6 : i32
    %dma_wait3A_1292 = arith.constant 256 : i32
    %dma_wait3A_1293 = tpu.memref_slice %arg5[%dma_wait3A_1292] : memref<512xi32, #tpu.memory_space<vmem>> -> memref<128xi32, #tpu.memory_space<vmem>>
    %dma_wait3A_1294 = arith.constant 0 : i32
    %dma_wait3A_1295 = arith.constant 0 : i32
    %dma_wait3A_1296 = tpu.memref_slice %arg2[%dma_wait3A_1291, %dma_wait3A_1294, %dma_wait3A_1295] : memref<7x100000x128xf32, #tpu.memory_space<hbm>> -> memref<1x100000x128xf32, #tpu.memory_space<hbm>>
    %dma_wait3A_1297 = tpu.memref_squeeze %dma_wait3A_1296 : memref<1x100000x128xf32, #tpu.memory_space<hbm>> -> memref<100000x128xf32, #tpu.memory_space<hbm>>
    %dma_wait3A_1298 = arith.constant 0 : i32
    %dma_wait3A_1299 = arith.constant 0 : i32
    %dma_wait3A_1300 = tpu.memref_slice %dma_wait3A_1297[%dma_wait3A_1298, %dma_wait3A_1299] : memref<100000x128xf32, #tpu.memory_space<hbm>> -> memref<100000x128xf32, #tpu.memory_space<hbm>>
    tpu.wait_indirect_dma semaphore(%arg10 : memref<!tpu.dma_semaphore, #tpu.memory_space<semaphore_mem>>) src(%dma_wait3A_1300 : memref<100000x128xf32, #tpu.memory_space<hbm>>) dst(%arg8 : memref<128x128xf32, #tpu.memory_space<vmem>>)
    %add3A_1301 = arith.constant 256 : i32
    %add3A_1302 = arith.addi %mul3A_2, %add3A_1301 : i32
    %dma_start3A_1303 = arith.constant 6 : i32
    %dma_start3A_1304 = arith.constant 0 : i32
    %dma_start3A_1305 = arith.constant 0 : i32
    %dma_start3A_1306 = tpu.memref_slice %arg4[%dma_start3A_1303, %dma_start3A_1304, %dma_start3A_1305] : memref<7x16384x128xf32, #tpu.memory_space<hbm>> -> memref<1x16384x128xf32, #tpu.memory_space<hbm>>
    %dma_start3A_1307 = tpu.memref_squeeze %dma_start3A_1306 : memref<1x16384x128xf32, #tpu.memory_space<hbm>> -> memref<16384x128xf32, #tpu.memory_space<hbm>>
    %dma_start3A_1308 = arith.constant 0 : i32
    %dma_start3A_1309 = tpu.memref_slice %dma_start3A_1307[%add3A_1302, %dma_start3A_1308] : memref<16384x128xf32, #tpu.memory_space<hbm>> -> memref<128x128xf32, #tpu.memory_space<hbm>>
    %dma_start3A_1310 = arith.constant 0 : i32
    %dma_start3A_1311 = arith.constant 0 : i32
    %dma_start3A_1312 = tpu.memref_slice %arg4[%dma_start3A_1303, %dma_start3A_1310, %dma_start3A_1311] : memref<7x16384x128xf32, #tpu.memory_space<hbm>> -> memref<1x16384x128xf32, #tpu.memory_space<hbm>>
    %dma_start3A_1313 = tpu.memref_squeeze %dma_start3A_1312 : memref<1x16384x128xf32, #tpu.memory_space<hbm>> -> memref<16384x128xf32, #tpu.memory_space<hbm>>
    %dma_start3A_1314 = arith.constant 0 : i32
    %dma_start3A_1315 = tpu.memref_slice %dma_start3A_1313[%add3A_1302, %dma_start3A_1314] : memref<16384x128xf32, #tpu.memory_space<hbm>> -> memref<128x128xf32, #tpu.memory_space<hbm>>
    tpu.enqueue_dma source(%arg8 : memref<128x128xf32, #tpu.memory_space<vmem>>) target(%dma_start3A_1315 : memref<128x128xf32, #tpu.memory_space<hbm>>) target_semaphore(%arg11 : memref<!tpu.dma_semaphore, #tpu.memory_space<semaphore_mem>>)
    %dma_wait3A_1316 = arith.constant 6 : i32
    %dma_wait3A_1317 = arith.constant 384 : i32
    %dma_wait3A_1318 = tpu.memref_slice %arg5[%dma_wait3A_1317] : memref<512xi32, #tpu.memory_space<vmem>> -> memref<128xi32, #tpu.memory_space<vmem>>
    %dma_wait3A_1319 = arith.constant 0 : i32
    %dma_wait3A_1320 = arith.constant 0 : i32
    %dma_wait3A_1321 = tpu.memref_slice %arg2[%dma_wait3A_1316, %dma_wait3A_1319, %dma_wait3A_1320] : memref<7x100000x128xf32, #tpu.memory_space<hbm>> -> memref<1x100000x128xf32, #tpu.memory_space<hbm>>
    %dma_wait3A_1322 = tpu.memref_squeeze %dma_wait3A_1321 : memref<1x100000x128xf32, #tpu.memory_space<hbm>> -> memref<100000x128xf32, #tpu.memory_space<hbm>>
    %dma_wait3A_1323 = arith.constant 0 : i32
    %dma_wait3A_1324 = arith.constant 0 : i32
    %dma_wait3A_1325 = tpu.memref_slice %dma_wait3A_1322[%dma_wait3A_1323, %dma_wait3A_1324] : memref<100000x128xf32, #tpu.memory_space<hbm>> -> memref<100000x128xf32, #tpu.memory_space<hbm>>
    tpu.wait_indirect_dma semaphore(%arg10 : memref<!tpu.dma_semaphore, #tpu.memory_space<semaphore_mem>>) src(%dma_wait3A_1325 : memref<100000x128xf32, #tpu.memory_space<hbm>>) dst(%arg9 : memref<128x128xf32, #tpu.memory_space<vmem>>)
    %add3A_1326 = arith.constant 384 : i32
    %add3A_1327 = arith.addi %mul3A_2, %add3A_1326 : i32
    %dma_start3A_1328 = arith.constant 6 : i32
    %dma_start3A_1329 = arith.constant 0 : i32
    %dma_start3A_1330 = arith.constant 0 : i32
    %dma_start3A_1331 = tpu.memref_slice %arg4[%dma_start3A_1328, %dma_start3A_1329, %dma_start3A_1330] : memref<7x16384x128xf32, #tpu.memory_space<hbm>> -> memref<1x16384x128xf32, #tpu.memory_space<hbm>>
    %dma_start3A_1332 = tpu.memref_squeeze %dma_start3A_1331 : memref<1x16384x128xf32, #tpu.memory_space<hbm>> -> memref<16384x128xf32, #tpu.memory_space<hbm>>
    %dma_start3A_1333 = arith.constant 0 : i32
    %dma_start3A_1334 = tpu.memref_slice %dma_start3A_1332[%add3A_1327, %dma_start3A_1333] : memref<16384x128xf32, #tpu.memory_space<hbm>> -> memref<128x128xf32, #tpu.memory_space<hbm>>
    %dma_start3A_1335 = arith.constant 0 : i32
    %dma_start3A_1336 = arith.constant 0 : i32
    %dma_start3A_1337 = tpu.memref_slice %arg4[%dma_start3A_1328, %dma_start3A_1335, %dma_start3A_1336] : memref<7x16384x128xf32, #tpu.memory_space<hbm>> -> memref<1x16384x128xf32, #tpu.memory_space<hbm>>
    %dma_start3A_1338 = tpu.memref_squeeze %dma_start3A_1337 : memref<1x16384x128xf32, #tpu.memory_space<hbm>> -> memref<16384x128xf32, #tpu.memory_space<hbm>>
    %dma_start3A_1339 = arith.constant 0 : i32
    %dma_start3A_1340 = tpu.memref_slice %dma_start3A_1338[%add3A_1327, %dma_start3A_1339] : memref<16384x128xf32, #tpu.memory_space<hbm>> -> memref<128x128xf32, #tpu.memory_space<hbm>>
    tpu.enqueue_dma source(%arg9 : memref<128x128xf32, #tpu.memory_space<vmem>>) target(%dma_start3A_1340 : memref<128x128xf32, #tpu.memory_space<hbm>>) target_semaphore(%arg11 : memref<!tpu.dma_semaphore, #tpu.memory_space<semaphore_mem>>)
    %add3A_1341 = arith.constant 0 : i32
    %add3A_1342 = arith.addi %mul3A_2, %add3A_1341 : i32
    %dma_wait3A_1343 = arith.constant 6 : i32
    %dma_wait3A_1344 = arith.constant 0 : i32
    %dma_wait3A_1345 = arith.constant 0 : i32
    %dma_wait3A_1346 = tpu.memref_slice %arg4[%dma_wait3A_1343, %dma_wait3A_1344, %dma_wait3A_1345] : memref<7x16384x128xf32, #tpu.memory_space<hbm>> -> memref<1x16384x128xf32, #tpu.memory_space<hbm>>
    %dma_wait3A_1347 = tpu.memref_squeeze %dma_wait3A_1346 : memref<1x16384x128xf32, #tpu.memory_space<hbm>> -> memref<16384x128xf32, #tpu.memory_space<hbm>>
    %dma_wait3A_1348 = arith.constant 0 : i32
    %dma_wait3A_1349 = tpu.memref_slice %dma_wait3A_1347[%add3A_1342, %dma_wait3A_1348] : memref<16384x128xf32, #tpu.memory_space<hbm>> -> memref<128x128xf32, #tpu.memory_space<hbm>>
    %dma_wait3A_1350 = arith.constant 0 : i32
    %dma_wait3A_1351 = arith.constant 0 : i32
    %dma_wait3A_1352 = tpu.memref_slice %arg4[%dma_wait3A_1343, %dma_wait3A_1350, %dma_wait3A_1351] : memref<7x16384x128xf32, #tpu.memory_space<hbm>> -> memref<1x16384x128xf32, #tpu.memory_space<hbm>>
    %dma_wait3A_1353 = tpu.memref_squeeze %dma_wait3A_1352 : memref<1x16384x128xf32, #tpu.memory_space<hbm>> -> memref<16384x128xf32, #tpu.memory_space<hbm>>
    %dma_wait3A_1354 = arith.constant 0 : i32
    %dma_wait3A_1355 = tpu.memref_slice %dma_wait3A_1353[%add3A_1342, %dma_wait3A_1354] : memref<16384x128xf32, #tpu.memory_space<hbm>> -> memref<128x128xf32, #tpu.memory_space<hbm>>
    tpu.wait_dma2 semaphore(%arg11 : memref<!tpu.dma_semaphore, #tpu.memory_space<semaphore_mem>>) src(%arg6 : memref<128x128xf32, #tpu.memory_space<vmem>>) dst(%dma_wait3A_1355 : memref<128x128xf32, #tpu.memory_space<hbm>>)
    %add3A_1356 = arith.constant 128 : i32
    %add3A_1357 = arith.addi %mul3A_2, %add3A_1356 : i32
    %dma_wait3A_1358 = arith.constant 6 : i32
    %dma_wait3A_1359 = arith.constant 0 : i32
    %dma_wait3A_1360 = arith.constant 0 : i32
    %dma_wait3A_1361 = tpu.memref_slice %arg4[%dma_wait3A_1358, %dma_wait3A_1359, %dma_wait3A_1360] : memref<7x16384x128xf32, #tpu.memory_space<hbm>> -> memref<1x16384x128xf32, #tpu.memory_space<hbm>>
    %dma_wait3A_1362 = tpu.memref_squeeze %dma_wait3A_1361 : memref<1x16384x128xf32, #tpu.memory_space<hbm>> -> memref<16384x128xf32, #tpu.memory_space<hbm>>
    %dma_wait3A_1363 = arith.constant 0 : i32
    %dma_wait3A_1364 = tpu.memref_slice %dma_wait3A_1362[%add3A_1357, %dma_wait3A_1363] : memref<16384x128xf32, #tpu.memory_space<hbm>> -> memref<128x128xf32, #tpu.memory_space<hbm>>
    %dma_wait3A_1365 = arith.constant 0 : i32
    %dma_wait3A_1366 = arith.constant 0 : i32
    %dma_wait3A_1367 = tpu.memref_slice %arg4[%dma_wait3A_1358, %dma_wait3A_1365, %dma_wait3A_1366] : memref<7x16384x128xf32, #tpu.memory_space<hbm>> -> memref<1x16384x128xf32, #tpu.memory_space<hbm>>
    %dma_wait3A_1368 = tpu.memref_squeeze %dma_wait3A_1367 : memref<1x16384x128xf32, #tpu.memory_space<hbm>> -> memref<16384x128xf32, #tpu.memory_space<hbm>>
    %dma_wait3A_1369 = arith.constant 0 : i32
    %dma_wait3A_1370 = tpu.memref_slice %dma_wait3A_1368[%add3A_1357, %dma_wait3A_1369] : memref<16384x128xf32, #tpu.memory_space<hbm>> -> memref<128x128xf32, #tpu.memory_space<hbm>>
    tpu.wait_dma2 semaphore(%arg11 : memref<!tpu.dma_semaphore, #tpu.memory_space<semaphore_mem>>) src(%arg7 : memref<128x128xf32, #tpu.memory_space<vmem>>) dst(%dma_wait3A_1370 : memref<128x128xf32, #tpu.memory_space<hbm>>)
    %add3A_1371 = arith.constant 256 : i32
    %add3A_1372 = arith.addi %mul3A_2, %add3A_1371 : i32
    %dma_wait3A_1373 = arith.constant 6 : i32
    %dma_wait3A_1374 = arith.constant 0 : i32
    %dma_wait3A_1375 = arith.constant 0 : i32
    %dma_wait3A_1376 = tpu.memref_slice %arg4[%dma_wait3A_1373, %dma_wait3A_1374, %dma_wait3A_1375] : memref<7x16384x128xf32, #tpu.memory_space<hbm>> -> memref<1x16384x128xf32, #tpu.memory_space<hbm>>
    %dma_wait3A_1377 = tpu.memref_squeeze %dma_wait3A_1376 : memref<1x16384x128xf32, #tpu.memory_space<hbm>> -> memref<16384x128xf32, #tpu.memory_space<hbm>>
    %dma_wait3A_1378 = arith.constant 0 : i32
    %dma_wait3A_1379 = tpu.memref_slice %dma_wait3A_1377[%add3A_1372, %dma_wait3A_1378] : memref<16384x128xf32, #tpu.memory_space<hbm>> -> memref<128x128xf32, #tpu.memory_space<hbm>>
    %dma_wait3A_1380 = arith.constant 0 : i32
    %dma_wait3A_1381 = arith.constant 0 : i32
    %dma_wait3A_1382 = tpu.memref_slice %arg4[%dma_wait3A_1373, %dma_wait3A_1380, %dma_wait3A_1381] : memref<7x16384x128xf32, #tpu.memory_space<hbm>> -> memref<1x16384x128xf32, #tpu.memory_space<hbm>>
    %dma_wait3A_1383 = tpu.memref_squeeze %dma_wait3A_1382 : memref<1x16384x128xf32, #tpu.memory_space<hbm>> -> memref<16384x128xf32, #tpu.memory_space<hbm>>
    %dma_wait3A_1384 = arith.constant 0 : i32
    %dma_wait3A_1385 = tpu.memref_slice %dma_wait3A_1383[%add3A_1372, %dma_wait3A_1384] : memref<16384x128xf32, #tpu.memory_space<hbm>> -> memref<128x128xf32, #tpu.memory_space<hbm>>
    tpu.wait_dma2 semaphore(%arg11 : memref<!tpu.dma_semaphore, #tpu.memory_space<semaphore_mem>>) src(%arg8 : memref<128x128xf32, #tpu.memory_space<vmem>>) dst(%dma_wait3A_1385 : memref<128x128xf32, #tpu.memory_space<hbm>>)
    %add3A_1386 = arith.constant 384 : i32
    %add3A_1387 = arith.addi %mul3A_2, %add3A_1386 : i32
    %dma_wait3A_1388 = arith.constant 6 : i32
    %dma_wait3A_1389 = arith.constant 0 : i32
    %dma_wait3A_1390 = arith.constant 0 : i32
    %dma_wait3A_1391 = tpu.memref_slice %arg4[%dma_wait3A_1388, %dma_wait3A_1389, %dma_wait3A_1390] : memref<7x16384x128xf32, #tpu.memory_space<hbm>> -> memref<1x16384x128xf32, #tpu.memory_space<hbm>>
    %dma_wait3A_1392 = tpu.memref_squeeze %dma_wait3A_1391 : memref<1x16384x128xf32, #tpu.memory_space<hbm>> -> memref<16384x128xf32, #tpu.memory_space<hbm>>
    %dma_wait3A_1393 = arith.constant 0 : i32
    %dma_wait3A_1394 = tpu.memref_slice %dma_wait3A_1392[%add3A_1387, %dma_wait3A_1393] : memref<16384x128xf32, #tpu.memory_space<hbm>> -> memref<128x128xf32, #tpu.memory_space<hbm>>
    %dma_wait3A_1395 = arith.constant 0 : i32
    %dma_wait3A_1396 = arith.constant 0 : i32
    %dma_wait3A_1397 = tpu.memref_slice %arg4[%dma_wait3A_1388, %dma_wait3A_1395, %dma_wait3A_1396] : memref<7x16384x128xf32, #tpu.memory_space<hbm>> -> memref<1x16384x128xf32, #tpu.memory_space<hbm>>
    %dma_wait3A_1398 = tpu.memref_squeeze %dma_wait3A_1397 : memref<1x16384x128xf32, #tpu.memory_space<hbm>> -> memref<16384x128xf32, #tpu.memory_space<hbm>>
    %dma_wait3A_1399 = arith.constant 0 : i32
    %dma_wait3A_1400 = tpu.memref_slice %dma_wait3A_1398[%add3A_1387, %dma_wait3A_1399] : memref<16384x128xf32, #tpu.memory_space<hbm>> -> memref<128x128xf32, #tpu.memory_space<hbm>>
    tpu.wait_dma2 semaphore(%arg11 : memref<!tpu.dma_semaphore, #tpu.memory_space<semaphore_mem>>) src(%arg9 : memref<128x128xf32, #tpu.memory_space<vmem>>) dst(%dma_wait3A_1400 : memref<128x128xf32, #tpu.memory_space<hbm>>)
    return
  }
}

</mosaic_0001>

<sc_bundles>
// kernel: kernel.3.cloned.1.call-start
scs
__scs_entry_jumppad:
0x0: {  	(pc) =	sbr.rel $0x88, $3  }
0x1: {  	(tag) =	ssettag $0x0;
	lr =	simm.s32 $0x1  }
0x2: {  	[smem:$0x3F9F] =	sst lr;
	_ =	strace $0xD0000000  }
0x3: {  	_ = 	snop  }
0x4: {  	_ = 	snop  }
0x5: {  	_ = 	snop  }
0x6: {  	_ = 	snop  }
0x7: {  	_ = 	snop  }
__scs_overlays_trampoline_lowered:
0x8: {  	[smem:$0x3FAE] =	sst s0  }
0x9: {  	[smem:$0x3FAF] =	sst s1  }
0xa: {  	[smem:$0x3FB0] =	sst s2  }
0xb: {  	[smem:$0x3FB1] =	sst s3  }
0xc: {  	[smem:$0x3FB2] =	sst s4  }
0xd: {  	[smem:$0x3FB3] =	sst s5  }
0xe: {  	[smem:$0x3FB4] =	sst s6  }
0xf: {  	[smem:$0x3FB5] =	sst s7  }
0x10: {  	[smem:$0x3FB6] =	sst s8  }
0x11: {  	[smem:$0x3FB7] =	sst s9;
	s0 =	simm.s32 @!p0 $0x0  }
0x12: {  	s1 =	sld [smem:$0x3F9D];
	s0 =	simm.s32 @p0 $0x1  }
0x13: {  	[smem:$0x3FB8] =	sst s0;
	s0 =	simm.s32 @!p1 $0x0  }
0x14: {  	s2 =	sld [smem:$0x3F9C];
	s0 =	simm.s32 @p1 $0x1  }
0x15: {  	[smem:$0x3FB9] =	sst s0;
	s0 =	simm.s32 @!p2 $0x0  }
0x16: {  	s3 =	sld [smem:$0x3FDB];
	s0 =	simm.s32 @p2 $0x1  }
0x17: {  	s4 =	simm.s32 $0x1BF5;
	[smem:$0x3FBB] =	sst s0  }
0x18: {  	s0 =	sld [smem:$0x3F9E];
	_ =	swait.ge [sflag:s4], $0x0  }
0x19: {  	s7 =	sld [smem:$0x3F9F]  }
0x1a: {  	s8 =	sadd.s32 $0xFFFFE003, lr  }
0x1b: {  	s9 =	sadd.s32 $0xFFFFFEF7, lr;
	s5 =	simm.s32 $0xFFFFFFFF;
	p2 =	slt.u32 s8, $0xFFFFF086  }
0x1c: {  	p1 =	slt.u32 s9, $0xF7A;
	s5 =	simm.s32 @!p2 $0x0  }
0x1d: {  	s5 =	simm.s32 @p1 $0x1;
	p0 =	seq.s32 s7, s2  }
0x1e: {  	s7 =	smul.u32 @!p0 $0xF7A, s2;
	p2 =	seq.s32 @!p0 s5, $0x0  }
0x1f: {  	s9 =	smul.u32 $0xF7A, s1;
	s8 =	simm.s32 @!p0 $0x1BF5;
	p2 =	por !p2, p0  }
0x20: {  	[sflag:s8] =	ssyncset.s32 @!p0 $0xFFFFF086;
	s6 =	sadd.s32 @!p0 s3, s7;
	s7 =	simm.s32 @!p0 $0x108  }
0x21: {  	s3 =	sadd.s32 s3, s9;
	s6 =	sadd.s32 @!p0 $0x88, s6;
	s7 =	simm.s32 @p2 $0x1082  }
0x22: {  	[simem:s7], [sflag:s8] =	dma.local @!p0 [hbm:s6], $0xF7A  }
0x23: {  	s9 =	sor.u32 $0xD0000000, s2;
	s6 =	simm.s32 $0x108;
	_ =	swait.ge @!p0 [sflag:s8], $0x0  }
0x24: {  	s3 =	sadd.s32 $0x88, s3;
	s6 =	simm.s32 @!p1 $0x1082;
	[sflag:s4] =	ssyncset.s32 $0xFFFFF086  }
0x25: {  	[simem:s6], [sflag:s4] =	dma.local [hbm:s3], $0xF7A  }
0x26: {  	[smem:$0x3F9F] =	sst s1;
	(tag) =	ssettag s2;
	_ =	strace s9  }
0x27: {  	s1 =	sld [smem:$0x3FAF]  }
0x28: {  	s2 =	sld [smem:$0x3FB0]  }
0x29: {  	s4 =	sld [smem:$0x3FB2]  }
0x2a: {  	p0 =	seq.s32 s5, $0x0;
	s5 =	sld [smem:$0x3FB3]  }
0x2b: {  	s6 =	sld [smem:$0x3FB4]  }
0x2c: {  	s7 =	sld [smem:$0x3FB5]  }
0x2d: {  	s3 =	simm.s32 $0x108;
	s8 =	sld [smem:$0x3FB6]  }
0x2e: {  	s3 =	simm.s32 @!p0 $0x1082;
	s9 =	sld [smem:$0x3FB7]  }
0x2f: {  	lr =	sadd.s32 s0, s3;
	s0 =	sld [smem:$0x3FAE]  }
0x30: {  	s3 =	sld [smem:$0x3FB1]  }
0x31: {  	[smem:$0x3FBA] =	sst s10  }
0x32: {  	s10 =	sld [smem:$0x3FB8];
	_ =	sdelay $0x3  }
0x33: {  	p0 =	seq.s32 s10, $0x1;
	s10 =	sld [smem:$0x3FBA];
	_ =	sdelay $0x3  }
0x34: {  	[smem:$0x3FBA] =	sst s10  }
0x35: {  	s10 =	sld [smem:$0x3FB9];
	_ =	sdelay $0x3  }
0x36: {  	p1 =	seq.s32 s10, $0x1;
	s10 =	sld [smem:$0x3FBA];
	_ =	sdelay $0x3  }
0x37: {  	[smem:$0x3FBA] =	sst s10  }
0x38: {  	s10 =	sld [smem:$0x3FBB]  }
0x39: {  	_ = 	snop;
	(pc) =	sbr.ind lr, $3  }
0x3a: {  	_ = 	snop  }
0x3b: {  	_ = 	snop  }
0x3c: {  	p2 =	seq.s32 s10, $0x1;
	s10 =	sld [smem:$0x3FBA]  }
0x3d: {  	_ =	shalt  }
0x3e: {  	_ =	shalt  }
0x3f: {  	_ =	shalt  }
0x40: {  	_ =	shalt  }
0x41: {  	_ =	shalt  }
0x42: {  	_ =	shalt  }
0x43: {  	_ =	shalt  }
0x44: {  	_ =	shalt  }
0x45: {  	_ =	shalt  }
0x46: {  	_ =	shalt  }
0x47: {  	_ =	shalt  }
0x48: {  	_ =	shalt  }
0x49: {  	_ =	shalt  }
0x4a: {  	_ =	shalt  }
0x4b: {  	_ =	shalt  }
0x4c: {  	_ =	shalt  }
0x4d: {  	_ =	shalt  }
0x4e: {  	_ =	shalt  }
0x4f: {  	_ =	shalt  }
0x50: {  	_ =	shalt  }
0x51: {  	_ =	shalt  }
0x52: {  	_ =	shalt  }
0x53: {  	_ =	shalt  }
0x54: {  	_ =	shalt  }
0x55: {  	_ =	shalt  }
0x56: {  	_ =	shalt  }
0x57: {  	_ =	shalt  }
0x58: {  	_ =	shalt  }
0x59: {  	_ =	shalt  }
0x5a: {  	_ =	shalt  }
0x5b: {  	_ =	shalt  }
0x5c: {  	_ =	shalt  }
0x5d: {  	_ =	shalt  }
0x5e: {  	_ =	shalt  }
0x5f: {  	_ =	shalt  }
0x60: {  	_ =	shalt  }
0x61: {  	_ =	shalt  }
0x62: {  	_ =	shalt  }
0x63: {  	_ =	shalt  }
0x64: {  	_ =	shalt  }
0x65: {  	_ =	shalt  }
0x66: {  	_ =	shalt  }
0x67: {  	_ =	shalt  }
0x68: {  	_ =	shalt  }
0x69: {  	_ =	shalt  }
0x6a: {  	_ =	shalt  }
0x6b: {  	_ =	shalt  }
0x6c: {  	_ =	shalt  }
0x6d: {  	_ =	shalt  }
0x6e: {  	_ =	shalt  }
0x6f: {  	_ =	shalt  }
0x70: {  	_ =	shalt  }
0x71: {  	_ =	shalt  }
0x72: {  	_ =	shalt  }
0x73: {  	_ =	shalt  }
0x74: {  	_ =	shalt  }
0x75: {  	_ =	shalt  }
0x76: {  	_ =	shalt  }
0x77: {  	_ =	shalt  }
0x78: {  	_ =	shalt  }
0x79: {  	_ =	shalt  }
0x7a: {  	_ =	shalt  }
0x7b: {  	_ =	shalt  }
0x7c: {  	_ =	shalt  }
0x7d: {  	_ =	shalt  }
0x7e: {  	_ =	shalt  }
0x7f: {  	_ =	shalt  }
0x80: {  	_ =	shalt  }
0x81: {  	_ =	shalt  }
0x82: {  	_ =	shalt  }
0x83: {  	_ =	shalt  }
0x84: {  	_ =	shalt  }
0x85: {  	_ =	shalt  }
0x86: {  	_ =	shalt  }
0x87: {  	_ =	shalt  }
.Lfunc_end0:
.L_simem_size_0:
called_computation_lowered:
.L_overlay_start_0:
0x88: {  	s2 =	sld [smem:$0x3FD9]  }
0x89: {  	s3 =	sld [smem:$0x3FFE];
	_ =	sdelay $0x1  }
0x8a: {  	s1 =	srdreg.scid  }
0x8b: {  	s0 =	sand.u32 $0x1, s1  }
0x8c: {  	s18 =	sshll.u32 s0, $0xA;
	s2 =	sadd.s32 s3, s2  }
0x8d: {  	s2 =	sadd.s32 s2, s18  }
0x8e: {  	[smem:$0x3FC6] =	sst s2  }
0x8f: {  	_ = 	snop  }
0x90: {  	s2 =	sld [smem:$0x3FC9]  }
0x91: {  	s19 =	sld [smem:$0x3FC8]  }
0x92: {  	s4 =	sld [smem:$0x3FD0];
	(tm) =	ssettm $0x1  }
0x93: {  	s5 =	sld [smem:$0x3FFB];
	_ =	sdelay $0x3  }
0x94: {  	_ =	strace s5  }
0x95: {  	s5 =	sld [smem:$0x3FFC];
	_ =	sdelay $0x3  }
0x96: {  	_ =	strace s5  }
0x97: {  	s5 =	sld [smem:$0x3FFD];
	_ =	sdelay $0x3  }
0x98: {  	_ =	strace s5  }
0x99: {  	_ =	strace $0x8FFFFFFF  }
0x9a: {  	s20 =	sld [smem:$0x3FDB];
	_ =	sdelay $0x1  }
0x9b: {  	s6 =	simm.s32 $_scs_section_size  }
0x9c: {  	s7 =	simm.s32 $_size__tile_overlayer_lowered;
	s8 =	simm.s32 $_tile_overlayer_lowered  }
0x9d: {  	s23 =	simm.s32 $0x1BFF;
	s22 =	sshll.u32 s8, $0x1;
	s5 =	sadd.s32 s6, s20  }
0x9e: {  	s9 =	simm.s32 $0x0;
	s21 =	sshll.u32 s7, $0x1;
	s7 =	sadd.s32 s22, s5  }
0x9f: {  	[timem:s9], [sflag:s23] =	dma.local [hbm:s7], s21  }
0xa0: {  	_ =	swait.ge [sflag:s23], s21  }
0xa1: {  	s6 =	ssub.s32 $0x0, s21;
	[sflag:s23] =	ssyncset.done $0x0  }
0xa2: {  	[sflag:s23] =	ssyncadd.s32 s6;
	_ =	sdelay $0x1  }
0xa3: {  	s24 =	simm.s32 $0x1B8B  }
0xa4: {  	_ =	swait.ge [sflag:s24], $0x1  }
0xa5: {  	[sflag:s24] =	ssyncset.done $0x0  }
0xa6: {  	s25 =	simm.s32 $0x1B8E;
	[sflag:s24] =	ssyncadd.s32 $0xFFFFFFFF  }
0xa7: {  	s26 =	simm.s32 $execute0_lowered;
	[smem:$0x3FD2] =	sst s25  }
0xa8: {  	s6 =	sshll.u32 s26, $0x1;
	_ =	strace $0x80000046;
	[dreg:$0x1] =	wrdreg $0xFFFFFFFF  }
0xa9: {  	s28 =	simm.s32 $_size_execute0_lowered;
	s5 =	sadd.s32 s5, s6;
	[dreg:$0x0] =	wrdreg $0x0  }
0xaa: {  	s6 =	sshll.u32 s28, $0x1;
	[dreg:$0x2] =	wrdreg s5  }
0xab: {  	[dreg:$0x3] =	wrdreg s6  }
0xac: {  	[dreg:$0x4] =	wrdreg $0xC0  }
0xad: {  	_ =	task [dreg:s9], $0x5FFFF  }
0xae: {  	[dreg:$0x1] =	wrdreg $0xFFFFFFFF  }
0xaf: {  	[dreg:$0x0] =	wrdreg $0x60  }
0xb0: {  	[dreg:$0x2] =	wrdreg s2  }
0xb1: {  	[dreg:$0x3] =	wrdreg s19  }
0xb2: {  	[dreg:$0x4] =	wrdreg s4  }
0xb3: {  	[dreg:$0x5] =	wrdreg $0x9  }
0xb4: {  	_ =	task.clear_ibuf [dreg:s9], $0x6FFFF;
	_ =	strace $0x90000046  }
0xb5: {  	s29 =	simm.s32 $0x9;
	_ =	strace $0x80000048  }
0xb6: {  	_ =	swait.ge [sflag:s29], $0x1  }
0xb7: {  	[sflag:s29] =	ssyncadd.s32 $0xFFFFFFFF  }
0xb8: {  	_ =	strace $0x90000048  }
0xb9: {  	_ =	sfence  }
0xba: {  	s30 =	sld [smem:$0x0];
	_ =	sdelay $0x2  }
0xbb: {  	s31 =	sshll.u32 s1, $0xD;
	s1 =	sshrl.u32 s1, $0x2  }
0xbc: {  	s3 =	sand.u32 $0x4000, s31;
	s1 =	sadd.s32 s1, s30  }
0xbd: {  	s0 =	sor.u32 s3, s0;
	s1 =	sshll.u32 s1, $0x11  }
0xbe: {  	s0 =	sor.u32 s1, s0  }
0xbf: {  	s0 =	sadd.s32 $0x8F2B, s0  }
0xc0: {  	[sflag:s0] =	ssyncadd.remote.s32 $0x1  }
0xc1: {  	_ =	sfence.sel $0xFFFF  }
0xc2: {  	[dreg:$0x0] =	wrdreg $0xFFFFFFFF;
	(pc) =	sbr.abs _section_cstart, $3  }
0xc3: {  	[dreg:$0x1] =	wrdreg $0xFFFFFFFF  }
0xc4: {  	_ =	task.clear_ibuf [dreg:s9], $0x2FFFF;
	_ =	strace $0x9FFFFFFF  }
0xc5: {  	(tm) =	ssettm $0x7FFFFFFF  }
tec
execute0_lowered:
.L_overlay_start_1:
0x0: {  	(tag) =	ssettag $0x1  }
0x1: {  	s0 =	srdreg.scid  }
0x2: {  	s2 =	rddreg [dreg:$0x0];
	s3 =	stileid.u32;
	s31 =	sand.u32 $0x1, s0  }
0x3: {  	s1 =	rddreg [dreg:$0x1];
	s4 =	sshll.u32 s3, $0x9;
	s0 =	sshll.u32 s31, $0xD  }
0x4: {  	s30 =	rddreg [dreg:$0x2];
	s3 =	simm.s32 $0x0;
	s0 =	sor.u32 s4, s0  }
0x5: {  	[smem:$0x7FF] =	sst s3;
	s4 =	sshrl.u32 s0, $0x3  }
0x6: {  	_ =	strace $0x80000047;
	s24 =	sshll.u32 s0, $0x4;
	s1 =	sadd.s32 s1, s4  }
0x7: {  	s0 =	sadd.s32 s30, s24;
	s25 =	sor.u32 $0x800, s24;
	[dreg:$0x4] =	wrdreg s1  }
0x8: {  	[dreg:$0x5] =	wrdreg s0;
	s19 =	sadd.s32 s30, s25  }
0x9: {  	s26 =	sor.u32 $0x1000, s24;
	[dreg:$0x6] =	wrdreg s19  }
0xa: {  	s29 =	sor.u32 $0x1800, s24;
	s20 =	sadd.s32 s30, s26;
	s1 =	rddreg [dreg:$0x4]  }
0xb: {  	s21 =	sadd.s32 s30, s29;
	[dreg:$0x7] =	wrdreg s20  }
0xc: {  	s4 =	simm.s32 $0x3;
	[dreg:$0x8] =	wrdreg s21  }
0xd: {  	[tilespmem:s3], [sflag:$0x3] =	stream.linear.gather [hbm4b:s1+s3], $0x200, $0x38;
	[tilespmem:$0x10200] =	vst v63  }
0xe: {  	_ =	swait.ge [sflag:s4], $0x200  }
0xf: {  	[sflag:s4] =	ssyncset.done $0x0  }
0x10: {  	s5 =	simm.s32 $0x80;
	s6 =	simm.s32 $0x200;
	[sflag:s4] =	ssyncadd.s32 $0xFFFFFE00  }
0x11: {  	[tilespmem:s6], [sflag:$0x1] =	stream.indirect.gather [hbm4b:s2+s5], $0x80, s3, s5, $0xb8;
	[tilespmem:$0x10200] =	vst v63  }
0x12: {  	s7 =	simm.s32 $0x4200  }
0x13: {  	[tilespmem:s7], [sflag:$0x1] =	stream.indirect.gather [hbm4b:s2+s5], $0x80, s5, s5, $0xb8;
	[tilespmem:$0x10200] =	vst v63  }
0x14: {  	s8 =	simm.s32 $0x100;
	s9 =	simm.s32 $0x8200;
	s10 =	simm.s32 $0x1  }
0x15: {  	[tilespmem:s9], [sflag:$0x1] =	stream.indirect.gather [hbm4b:s2+s5], $0x80, s8, s5, $0xb8;
	[tilespmem:$0x10200] =	vst v63  }
0x16: {  	_ =	swait.ge [sflag:s10], $0x4000  }
0x17: {  	[sflag:s10] =	ssyncset.done $0x0  }
0x18: {  	s22 =	rddreg [dreg:$0x5];
	[sflag:s10] =	ssyncadd.s32 $0xFFFFC000  }
0x19: {  	[hbm4b:s22+s3] =	stream.linear.scatter [tilespmem:s6], [sflag:$0x2], $0x4000, $0x38;
	[tilespmem:$0x10200] =	vst v63  }
0x1a: {  	s11 =	simm.s32 $0x180;
	s12 =	simm.s32 $0xC200  }
0x1b: {  	[tilespmem:s12], [sflag:$0x1] =	stream.indirect.gather [hbm4b:s2+s5], $0x80, s11, s5, $0xb8;
	[tilespmem:$0x10200] =	vst v63  }
0x1c: {  	_ =	swait.ge [sflag:s10], $0x4000  }
0x1d: {  	[sflag:s10] =	ssyncset.done $0x0  }
0x1e: {  	s13 =	simm.s32 $0x2;
	s23 =	rddreg [dreg:$0x6];
	[sflag:s10] =	ssyncadd.s32 $0xFFFFC000  }
0x1f: {  	[hbm4b:s23+s3] =	stream.linear.scatter [tilespmem:s7], [sflag:$0x2], $0x4000, $0x38;
	[tilespmem:$0x10200] =	vst v63  }
0x20: {  	_ =	swait.ge [sflag:s13], $0x4000  }
0x21: {  	[sflag:s13] =	ssyncset.done $0x0  }
0x22: {  	s14 =	sadd.s32 $0x186A00, s2;
	[sflag:s13] =	ssyncadd.s32 $0xFFFFC000  }
0x23: {  	[tilespmem:s6], [sflag:$0x1] =	stream.indirect.gather [hbm4b:s14+s5], $0x80, s3, s5, $0xb8;
	[tilespmem:$0x10200] =	vst v63  }
0x24: {  	_ =	swait.ge [sflag:s10], $0x4000  }
0x25: {  	[sflag:s10] =	ssyncset.done $0x0  }
0x26: {  	s1 =	rddreg [dreg:$0x7];
	[sflag:s10] =	ssyncadd.s32 $0xFFFFC000  }
0x27: {  	[hbm4b:s1+s3] =	stream.linear.scatter [tilespmem:s9], [sflag:$0x2], $0x4000, $0x38;
	[tilespmem:$0x10200] =	vst v63  }
0x28: {  	_ =	swait.ge [sflag:s13], $0x4000  }
0x29: {  	[sflag:s13] =	ssyncset.done $0x0  }
0x2a: {  	[sflag:s13] =	ssyncadd.s32 $0xFFFFC000  }
0x2b: {  	[tilespmem:s7], [sflag:$0x1] =	stream.indirect.gather [hbm4b:s14+s5], $0x80, s5, s5, $0xb8;
	[tilespmem:$0x10200] =	vst v63  }
0x2c: {  	_ =	swait.ge [sflag:s10], $0x4000  }
0x2d: {  	[sflag:s10] =	ssyncset.done $0x0  }
0x2e: {  	s15 =	rddreg [dreg:$0x8];
	[sflag:s10] =	ssyncadd.s32 $0xFFFFC000  }
0x2f: {  	[hbm4b:s15+s3] =	stream.linear.scatter [tilespmem:s12], [sflag:$0x2], $0x4000, $0x38;
	[tilespmem:$0x10200] =	vst v63  }
0x30: {  	_ =	swait.ge [sflag:s13], $0x4000  }
0x31: {  	[sflag:s13] =	ssyncset.done $0x0  }
0x32: {  	[sflag:s13] =	ssyncadd.s32 $0xFFFFC000  }
0x33: {  	[tilespmem:s9], [sflag:$0x1] =	stream.indirect.gather [hbm4b:s14+s5], $0x80, s8, s5, $0xb8;
	[tilespmem:$0x10200] =	vst v63  }
0x34: {  	s16 =	sadd.s32 $0x40000, s30;
	_ =	swait.ge [sflag:s10], $0x4000  }
0x35: {  	s18 =	sadd.s32 s24, s16;
	[sflag:s10] =	ssyncset.done $0x0  }
0x36: {  	[dreg:$0x9] =	wrdreg s18;
	[sflag:s10] =	ssyncadd.s32 $0xFFFFC000  }
0x37: {  	[hbm4b:s18+s3] =	stream.linear.scatter [tilespmem:s6], [sflag:$0x2], $0x4000, $0x38;
	[tilespmem:$0x10200] =	vst v63  }
0x38: {  	_ =	swait.ge [sflag:s13], $0x4000  }
0x39: {  	[sflag:s13] =	ssyncset.done $0x0  }
0x3a: {  	[sflag:s13] =	ssyncadd.s32 $0xFFFFC000  }
0x3b: {  	[tilespmem:s12], [sflag:$0x1] =	stream.indirect.gather [hbm4b:s14+s5], $0x80, s11, s5, $0xb8;
	[tilespmem:$0x10200] =	vst v63  }
0x3c: {  	_ =	swait.ge [sflag:s10], $0x4000  }
0x3d: {  	s19 =	sadd.s32 s25, s16;
	[sflag:s10] =	ssyncset.done $0x0  }
0x3e: {  	[dreg:$0xa] =	wrdreg s19;
	[sflag:s10] =	ssyncadd.s32 $0xFFFFC000  }
0x3f: {  	[hbm4b:s19+s3] =	stream.linear.scatter [tilespmem:s7], [sflag:$0x2], $0x4000, $0x38;
	[tilespmem:$0x10200] =	vst v63  }
0x40: {  	_ =	swait.ge [sflag:s13], $0x4000  }
0x41: {  	[sflag:s13] =	ssyncset.done $0x0  }
0x42: {  	s17 =	sadd.s32 $0x30D400, s2;
	[sflag:s13] =	ssyncadd.s32 $0xFFFFC000  }
0x43: {  	[tilespmem:s6], [sflag:$0x1] =	stream.indirect.gather [hbm4b:s17+s5], $0x80, s3, s5, $0xb8;
	[tilespmem:$0x10200] =	vst v63  }
0x44: {  	_ =	swait.ge [sflag:s10], $0x4000  }
0x45: {  	s20 =	sadd.s32 s26, s16;
	[sflag:s10] =	ssyncset.done $0x0  }
0x46: {  	[dreg:$0xb] =	wrdreg s20;
	[sflag:s10] =	ssyncadd.s32 $0xFFFFC000  }
0x47: {  	[hbm4b:s20+s3] =	stream.linear.scatter [tilespmem:s9], [sflag:$0x2], $0x4000, $0x38;
	[tilespmem:$0x10200] =	vst v63  }
0x48: {  	_ =	swait.ge [sflag:s13], $0x4000  }
0x49: {  	[sflag:s13] =	ssyncset.done $0x0  }
0x4a: {  	[sflag:s13] =	ssyncadd.s32 $0xFFFFC000  }
0x4b: {  	[tilespmem:s7], [sflag:$0x1] =	stream.indirect.gather [hbm4b:s17+s5], $0x80, s5, s5, $0xb8;
	[tilespmem:$0x10200] =	vst v63  }
0x4c: {  	_ =	swait.ge [sflag:s10], $0x4000  }
0x4d: {  	s0 =	sadd.s32 s29, s16;
	[sflag:s10] =	ssyncset.done $0x0  }
0x4e: {  	[dreg:$0xc] =	wrdreg s0;
	[sflag:s10] =	ssyncadd.s32 $0xFFFFC000  }
0x4f: {  	[hbm4b:s0+s3] =	stream.linear.scatter [tilespmem:s12], [sflag:$0x2], $0x4000, $0x38;
	[tilespmem:$0x10200] =	vst v63  }
0x50: {  	_ =	swait.ge [sflag:s13], $0x4000  }
0x51: {  	[sflag:s13] =	ssyncset.done $0x0  }
0x52: {  	[sflag:s13] =	ssyncadd.s32 $0xFFFFC000  }
0x53: {  	[tilespmem:s9], [sflag:$0x1] =	stream.indirect.gather [hbm4b:s17+s5], $0x80, s8, s5, $0xb8;
	[tilespmem:$0x10200] =	vst v63  }
0x54: {  	s21 =	sadd.s32 $0x80000, s30;
	_ =	swait.ge [sflag:s10], $0x4000  }
0x55: {  	s23 =	sadd.s32 s24, s21;
	[sflag:s10] =	ssyncset.done $0x0  }
0x56: {  	[dreg:$0xd] =	wrdreg s23;
	[sflag:s10] =	ssyncadd.s32 $0xFFFFC000  }
0x57: {  	[hbm4b:s23+s3] =	stream.linear.scatter [tilespmem:s6], [sflag:$0x2], $0x4000, $0x38;
	[tilespmem:$0x10200] =	vst v63  }
0x58: {  	_ =	swait.ge [sflag:s13], $0x4000  }
0x59: {  	[sflag:s13] =	ssyncset.done $0x0  }
0x5a: {  	[sflag:s13] =	ssyncadd.s32 $0xFFFFC000  }
0x5b: {  	[tilespmem:s12], [sflag:$0x1] =	stream.indirect.gather [hbm4b:s17+s5], $0x80, s11, s5, $0xb8;
	[tilespmem:$0x10200] =	vst v63  }
0x5c: {  	_ =	swait.ge [sflag:s10], $0x4000  }
0x5d: {  	s15 =	sadd.s32 s25, s21;
	[sflag:s10] =	ssyncset.done $0x0  }
0x5e: {  	[dreg:$0xe] =	wrdreg s15;
	[sflag:s10] =	ssyncadd.s32 $0xFFFFC000  }
0x5f: {  	[hbm4b:s15+s3] =	stream.linear.scatter [tilespmem:s7], [sflag:$0x2], $0x4000, $0x38;
	[tilespmem:$0x10200] =	vst v63  }
0x60: {  	_ =	swait.ge [sflag:s13], $0x4000  }
0x61: {  	[sflag:s13] =	ssyncset.done $0x0  }
0x62: {  	s22 =	sadd.s32 $0x493E00, s2;
	[sflag:s13] =	ssyncadd.s32 $0xFFFFC000  }
0x63: {  	[tilespmem:s6], [sflag:$0x1] =	stream.indirect.gather [hbm4b:s22+s5], $0x80, s3, s5, $0xb8;
	[tilespmem:$0x10200] =	vst v63  }
0x64: {  	_ =	swait.ge [sflag:s10], $0x4000  }
0x65: {  	s16 =	sadd.s32 s26, s21;
	[sflag:s10] =	ssyncset.done $0x0  }
0x66: {  	[dreg:$0xf] =	wrdreg s16;
	[sflag:s10] =	ssyncadd.s32 $0xFFFFC000  }
0x67: {  	[hbm4b:s16+s3] =	stream.linear.scatter [tilespmem:s9], [sflag:$0x2], $0x4000, $0x38;
	[tilespmem:$0x10200] =	vst v63  }
0x68: {  	_ =	swait.ge [sflag:s13], $0x4000  }
0x69: {  	[sflag:s13] =	ssyncset.done $0x0  }
0x6a: {  	[sflag:s13] =	ssyncadd.s32 $0xFFFFC000  }
0x6b: {  	[tilespmem:s7], [sflag:$0x1] =	stream.indirect.gather [hbm4b:s22+s5], $0x80, s5, s5, $0xb8;
	[tilespmem:$0x10200] =	vst v63  }
0x6c: {  	_ =	swait.ge [sflag:s10], $0x4000  }
0x6d: {  	s0 =	sadd.s32 s29, s21;
	[sflag:s10] =	ssyncset.done $0x0  }
0x6e: {  	[dreg:$0x10] =	wrdreg s0;
	[sflag:s10] =	ssyncadd.s32 $0xFFFFC000  }
0x6f: {  	[hbm4b:s0+s3] =	stream.linear.scatter [tilespmem:s12], [sflag:$0x2], $0x4000, $0x38;
	[tilespmem:$0x10200] =	vst v63  }
0x70: {  	_ =	swait.ge [sflag:s13], $0x4000  }
0x71: {  	[sflag:s13] =	ssyncset.done $0x0  }
0x72: {  	[sflag:s13] =	ssyncadd.s32 $0xFFFFC000  }
0x73: {  	[tilespmem:s9], [sflag:$0x1] =	stream.indirect.gather [hbm4b:s22+s5], $0x80, s8, s5, $0xb8;
	[tilespmem:$0x10200] =	vst v63  }
0x74: {  	s18 =	sadd.s32 $0xC0000, s30;
	_ =	swait.ge [sflag:s10], $0x4000  }
0x75: {  	s19 =	sadd.s32 s24, s18;
	[sflag:s10] =	ssyncset.done $0x0  }
0x76: {  	[dreg:$0x11] =	wrdreg s19;
	[sflag:s10] =	ssyncadd.s32 $0xFFFFC000  }
0x77: {  	[hbm4b:s19+s3] =	stream.linear.scatter [tilespmem:s6], [sflag:$0x2], $0x4000, $0x38;
	[tilespmem:$0x10200] =	vst v63  }
0x78: {  	_ =	swait.ge [sflag:s13], $0x4000  }
0x79: {  	[sflag:s13] =	ssyncset.done $0x0  }
0x7a: {  	[sflag:s13] =	ssyncadd.s32 $0xFFFFC000  }
0x7b: {  	[tilespmem:s12], [sflag:$0x1] =	stream.indirect.gather [hbm4b:s22+s5], $0x80, s11, s5, $0xb8;
	[tilespmem:$0x10200] =	vst v63  }
0x7c: {  	_ =	swait.ge [sflag:s10], $0x4000  }
0x7d: {  	s20 =	sadd.s32 s25, s18;
	[sflag:s10] =	ssyncset.done $0x0  }
0x7e: {  	[dreg:$0x12] =	wrdreg s20;
	[sflag:s10] =	ssyncadd.s32 $0xFFFFC000  }
0x7f: {  	[hbm4b:s20+s3] =	stream.linear.scatter [tilespmem:s7], [sflag:$0x2], $0x4000, $0x38;
	[tilespmem:$0x10200] =	vst v63  }
0x80: {  	_ =	swait.ge [sflag:s13], $0x4000  }
0x81: {  	[sflag:s13] =	ssyncset.done $0x0  }
0x82: {  	s28 =	sadd.s32 $0x61A800, s2;
	[sflag:s13] =	ssyncadd.s32 $0xFFFFC000  }
0x83: {  	[tilespmem:s6], [sflag:$0x1] =	stream.indirect.gather [hbm4b:s28+s5], $0x80, s3, s5, $0xb8;
	[tilespmem:$0x10200] =	vst v63  }
0x84: {  	_ =	swait.ge [sflag:s10], $0x4000  }
0x85: {  	s21 =	sadd.s32 s26, s18;
	[sflag:s10] =	ssyncset.done $0x0  }
0x86: {  	[dreg:$0x13] =	wrdreg s21;
	[sflag:s10] =	ssyncadd.s32 $0xFFFFC000  }
0x87: {  	[hbm4b:s21+s3] =	stream.linear.scatter [tilespmem:s9], [sflag:$0x2], $0x4000, $0x38;
	[tilespmem:$0x10200] =	vst v63  }
0x88: {  	_ =	swait.ge [sflag:s13], $0x4000  }
0x89: {  	[sflag:s13] =	ssyncset.done $0x0  }
0x8a: {  	[sflag:s13] =	ssyncadd.s32 $0xFFFFC000  }
0x8b: {  	[tilespmem:s7], [sflag:$0x1] =	stream.indirect.gather [hbm4b:s28+s5], $0x80, s5, s5, $0xb8;
	[tilespmem:$0x10200] =	vst v63  }
0x8c: {  	_ =	swait.ge [sflag:s10], $0x4000  }
0x8d: {  	s0 =	sadd.s32 s29, s18;
	[sflag:s10] =	ssyncset.done $0x0  }
0x8e: {  	[dreg:$0x14] =	wrdreg s0;
	[sflag:s10] =	ssyncadd.s32 $0xFFFFC000  }
0x8f: {  	[hbm4b:s0+s3] =	stream.linear.scatter [tilespmem:s12], [sflag:$0x2], $0x4000, $0x38;
	[tilespmem:$0x10200] =	vst v63  }
0x90: {  	_ =	swait.ge [sflag:s13], $0x4000  }
0x91: {  	[sflag:s13] =	ssyncset.done $0x0  }
0x92: {  	[sflag:s13] =	ssyncadd.s32 $0xFFFFC000  }
0x93: {  	[tilespmem:s9], [sflag:$0x1] =	stream.indirect.gather [hbm4b:s28+s5], $0x80, s8, s5, $0xb8;
	[tilespmem:$0x10200] =	vst v63  }
0x94: {  	s16 =	sadd.s32 $0x100000, s30;
	_ =	swait.ge [sflag:s10], $0x4000  }
0x95: {  	s23 =	sadd.s32 s24, s16;
	[sflag:s10] =	ssyncset.done $0x0  }
0x96: {  	[dreg:$0x15] =	wrdreg s23;
	[sflag:s10] =	ssyncadd.s32 $0xFFFFC000  }
0x97: {  	[hbm4b:s23+s3] =	stream.linear.scatter [tilespmem:s6], [sflag:$0x2], $0x4000, $0x38;
	[tilespmem:$0x10200] =	vst v63  }
0x98: {  	_ =	swait.ge [sflag:s13], $0x4000  }
0x99: {  	[sflag:s13] =	ssyncset.done $0x0  }
0x9a: {  	[sflag:s13] =	ssyncadd.s32 $0xFFFFC000  }
0x9b: {  	[tilespmem:s12], [sflag:$0x1] =	stream.indirect.gather [hbm4b:s28+s5], $0x80, s11, s5, $0xb8;
	[tilespmem:$0x10200] =	vst v63  }
0x9c: {  	_ =	swait.ge [sflag:s10], $0x4000  }
0x9d: {  	[sflag:s10] =	ssyncset.done $0x0  }
0x9e: {  	s1 =	sadd.s32 s25, s16;
	[sflag:s10] =	ssyncadd.s32 $0xFFFFC000  }
0x9f: {  	[hbm4b:s1+s3] =	stream.linear.scatter [tilespmem:s7], [sflag:$0x2], $0x4000, $0x38;
	[tilespmem:$0x10200] =	vst v63  }
0xa0: {  	_ =	swait.ge [sflag:s13], $0x4000  }
0xa1: {  	[sflag:s13] =	ssyncset.done $0x0  }
0xa2: {  	s0 =	sadd.s32 $0x7A1200, s2;
	[sflag:s13] =	ssyncadd.s32 $0xFFFFC000  }
0xa3: {  	[tilespmem:s6], [sflag:$0x1] =	stream.indirect.gather [hbm4b:s0+s5], $0x80, s3, s5, $0xb8;
	[tilespmem:$0x10200] =	vst v63  }
0xa4: {  	_ =	swait.ge [sflag:s10], $0x4000  }
0xa5: {  	[sflag:s10] =	ssyncset.done $0x0  }
0xa6: {  	s15 =	sadd.s32 s26, s16;
	[sflag:s10] =	ssyncadd.s32 $0xFFFFC000  }
0xa7: {  	[hbm4b:s15+s3] =	stream.linear.scatter [tilespmem:s9], [sflag:$0x2], $0x4000, $0x38;
	[tilespmem:$0x10200] =	vst v63  }
0xa8: {  	_ =	swait.ge [sflag:s13], $0x4000  }
0xa9: {  	[sflag:s13] =	ssyncset.done $0x0  }
0xaa: {  	[sflag:s13] =	ssyncadd.s32 $0xFFFFC000  }
0xab: {  	[tilespmem:s7], [sflag:$0x1] =	stream.indirect.gather [hbm4b:s0+s5], $0x80, s5, s5, $0xb8;
	[tilespmem:$0x10200] =	vst v63  }
0xac: {  	_ =	swait.ge [sflag:s10], $0x4000  }
0xad: {  	[sflag:s10] =	ssyncset.done $0x0  }
0xae: {  	s16 =	sadd.s32 s29, s16;
	[sflag:s10] =	ssyncadd.s32 $0xFFFFC000  }
0xaf: {  	[hbm4b:s16+s3] =	stream.linear.scatter [tilespmem:s12], [sflag:$0x2], $0x4000, $0x38;
	[tilespmem:$0x10200] =	vst v63  }
0xb0: {  	_ =	swait.ge [sflag:s13], $0x4000  }
0xb1: {  	[sflag:s13] =	ssyncset.done $0x0  }
0xb2: {  	[sflag:s13] =	ssyncadd.s32 $0xFFFFC000  }
0xb3: {  	[tilespmem:s9], [sflag:$0x1] =	stream.indirect.gather [hbm4b:s0+s5], $0x80, s8, s5, $0xb8;
	[tilespmem:$0x10200] =	vst v63  }
0xb4: {  	_ =	swait.ge [sflag:s10], $0x4000  }
0xb5: {  	s23 =	sadd.s32 $0x140000, s30;
	[sflag:s10] =	ssyncset.done $0x0  }
0xb6: {  	s18 =	sadd.s32 s24, s23;
	[sflag:s10] =	ssyncadd.s32 $0xFFFFC000  }
0xb7: {  	[hbm4b:s18+s3] =	stream.linear.scatter [tilespmem:s6], [sflag:$0x2], $0x4000, $0x38;
	[tilespmem:$0x10200] =	vst v63  }
0xb8: {  	_ =	swait.ge [sflag:s13], $0x4000  }
0xb9: {  	[sflag:s13] =	ssyncset.done $0x0  }
0xba: {  	[sflag:s13] =	ssyncadd.s32 $0xFFFFC000  }
0xbb: {  	[tilespmem:s12], [sflag:$0x1] =	stream.indirect.gather [hbm4b:s0+s5], $0x80, s11, s5, $0xb8;
	[tilespmem:$0x10200] =	vst v63  }
0xbc: {  	_ =	swait.ge [sflag:s10], $0x4000  }
0xbd: {  	[sflag:s10] =	ssyncset.done $0x0  }
0xbe: {  	s19 =	sadd.s32 s25, s23;
	[sflag:s10] =	ssyncadd.s32 $0xFFFFC000  }
0xbf: {  	[hbm4b:s19+s3] =	stream.linear.scatter [tilespmem:s7], [sflag:$0x2], $0x4000, $0x38;
	[tilespmem:$0x10200] =	vst v63  }
0xc0: {  	_ =	swait.ge [sflag:s13], $0x4000  }
0xc1: {  	[sflag:s13] =	ssyncset.done $0x0  }
0xc2: {  	s20 =	sadd.s32 $0x927C00, s2;
	[sflag:s13] =	ssyncadd.s32 $0xFFFFC000  }
0xc3: {  	[tilespmem:s6], [sflag:$0x1] =	stream.indirect.gather [hbm4b:s20+s5], $0x80, s3, s5, $0xb8;
	[tilespmem:$0x10200] =	vst v63  }
0xc4: {  	_ =	swait.ge [sflag:s10], $0x4000  }
0xc5: {  	[sflag:s10] =	ssyncset.done $0x0  }
0xc6: {  	s21 =	sadd.s32 s26, s23;
	[sflag:s10] =	ssyncadd.s32 $0xFFFFC000  }
0xc7: {  	[hbm4b:s21+s3] =	stream.linear.scatter [tilespmem:s9], [sflag:$0x2], $0x4000, $0x38;
	[tilespmem:$0x10200] =	vst v63  }
0xc8: {  	_ =	swait.ge [sflag:s13], $0x4000  }
0xc9: {  	[sflag:s13] =	ssyncset.done $0x0  }
0xca: {  	[sflag:s13] =	ssyncadd.s32 $0xFFFFC000  }
0xcb: {  	[tilespmem:s7], [sflag:$0x1] =	stream.indirect.gather [hbm4b:s20+s5], $0x80, s5, s5, $0xb8;
	[tilespmem:$0x10200] =	vst v63  }
0xcc: {  	_ =	swait.ge [sflag:s10], $0x4000  }
0xcd: {  	[sflag:s10] =	ssyncset.done $0x0  }
0xce: {  	s23 =	sadd.s32 s29, s23;
	[sflag:s10] =	ssyncadd.s32 $0xFFFFC000  }
0xcf: {  	[hbm4b:s23+s3] =	stream.linear.scatter [tilespmem:s12], [sflag:$0x2], $0x4000, $0x38;
	[tilespmem:$0x10200] =	vst v63  }
0xd0: {  	_ =	swait.ge [sflag:s13], $0x4000  }
0xd1: {  	[sflag:s13] =	ssyncset.done $0x0  }
0xd2: {  	[sflag:s13] =	ssyncadd.s32 $0xFFFFC000  }
0xd3: {  	[tilespmem:s9], [sflag:$0x1] =	stream.indirect.gather [hbm4b:s20+s5], $0x80, s8, s5, $0xb8;
	[tilespmem:$0x10200] =	vst v63  }
0xd4: {  	_ =	swait.ge [sflag:s10], $0x4000  }
0xd5: {  	s30 =	sadd.s32 $0x180000, s30;
	[sflag:s10] =	ssyncset.done $0x0  }
0xd6: {  	s24 =	sadd.s32 s24, s30;
	[sflag:s10] =	ssyncadd.s32 $0xFFFFC000  }
0xd7: {  	[hbm4b:s24+s3] =	stream.linear.scatter [tilespmem:s6], [sflag:$0x2], $0x4000, $0x38;
	[tilespmem:$0x10200] =	vst v63  }
0xd8: {  	_ =	swait.ge [sflag:s13], $0x4000  }
0xd9: {  	[sflag:s13] =	ssyncset.done $0x0  }
0xda: {  	[sflag:s13] =	ssyncadd.s32 $0xFFFFC000  }
0xdb: {  	[tilespmem:s12], [sflag:$0x1] =	stream.indirect.gather [hbm4b:s20+s5], $0x80, s11, s5, $0xb8;
	[tilespmem:$0x10200] =	vst v63  }
0xdc: {  	_ =	swait.ge [sflag:s10], $0x4000  }
0xdd: {  	[sflag:s10] =	ssyncset.done $0x0  }
0xde: {  	s25 =	sadd.s32 s25, s30;
	[sflag:s10] =	ssyncadd.s32 $0xFFFFC000  }
0xdf: {  	[hbm4b:s25+s3] =	stream.linear.scatter [tilespmem:s7], [sflag:$0x2], $0x4000, $0x38;
	[tilespmem:$0x10200] =	vst v63  }
0xe0: {  	_ =	swait.ge [sflag:s10], $0x4000  }
0xe1: {  	[sflag:s10] =	ssyncset.done $0x0  }
0xe2: {  	s26 =	sadd.s32 s26, s30;
	[sflag:s10] =	ssyncadd.s32 $0xFFFFC000  }
0xe3: {  	[hbm4b:s26+s3] =	stream.linear.scatter [tilespmem:s9], [sflag:$0x2], $0x4000, $0x38;
	[tilespmem:$0x10200] =	vst v63  }
0xe4: {  	_ =	swait.ge [sflag:s10], $0x4000  }
0xe5: {  	[sflag:s10] =	ssyncset.done $0x0  }
0xe6: {  	s29 =	sadd.s32 s29, s30;
	[sflag:s10] =	ssyncadd.s32 $0xFFFFC000  }
0xe7: {  	[hbm4b:s29+s3] =	stream.linear.scatter [tilespmem:s12], [sflag:$0x2], $0x4000, $0x38;
	[tilespmem:$0x10200] =	vst v63  }
0xe8: {  	s31 =	ssub.s32 $0x2, s31;
	_ =	swait.ge [sflag:s13], $0x4000  }
0xe9: {  	s30 =	sshrl.u32 s31, $0x1;
	[sflag:s13] =	ssyncset.done $0x0  }
0xea: {  	s30 =	ssub.s32 s31, s30;
	[sflag:s13] =	ssyncadd.s32 $0xFFFFC000  }
0xeb: {  	s30 =	smax.u32 s30, $0x1;
	_ =	swait.ge [sflag:s13], $0x4000  }
0xec: {  	p0 =	sne.s32 s30, $0x1;
	[sflag:s13] =	ssyncset.done $0x0  }
.Ltmp0:
0xed: {  	[sflag:s13] =	ssyncadd.s32 $0xFFFFC000;
	(pc) =	sbr.rel @!p0 .LBB2_2-.Ltmp0, $4  }
0xee: {  	_ =	swait.ge [sflag:s13], $0x4000  }
0xef: {  	[sflag:s13] =	ssyncset.done $0x0  }
0xf0: {  	[sflag:s13] =	ssyncadd.s32 $0xFFFFC000  }
0xf1: {  	s30 =	sadd.s32 $0xFFFFFFFF, s30;
	_ =	swait.ge [sflag:s13], $0x4000  }
.LBB2_1:
0xf2: {  	[sflag:s13] =	ssyncset.done $0x0  }
0xf3: {  	s31 =	rddreg [dreg:$0x4];
	[sflag:s13] =	ssyncadd.s32 $0xFFFFC000  }
0xf4: {  	[tilespmem:s3], [sflag:$0x3] =	stream.linear.gather [hbm4b:s31+s3], $0x200, $0x38;
	[tilespmem:$0x10200] =	vst v63  }
0xf5: {  	_ =	swait.ge [sflag:s4], $0x200  }
0xf6: {  	[sflag:s4] =	ssyncset.done $0x0  }
0xf7: {  	[sflag:s4] =	ssyncadd.s32 $0xFFFFFE00  }
0xf8: {  	[tilespmem:s6], [sflag:$0x1] =	stream.indirect.gather [hbm4b:s2+s5], $0x80, s3, s5, $0xb8;
	[tilespmem:$0x10200] =	vst v63  }
0xf9: {  	_ = 	snop  }
0xfa: {  	[tilespmem:s7], [sflag:$0x1] =	stream.indirect.gather [hbm4b:s2+s5], $0x80, s5, s5, $0xb8;
	[tilespmem:$0x10200] =	vst v63  }
0xfb: {  	_ = 	snop  }
0xfc: {  	[tilespmem:s9], [sflag:$0x1] =	stream.indirect.gather [hbm4b:s2+s5], $0x80, s8, s5, $0xb8;
	[tilespmem:$0x10200] =	vst v63  }
0xfd: {  	_ =	swait.ge [sflag:s10], $0x4000  }
0xfe: {  	[sflag:s10] =	ssyncset.done $0x0  }
0xff: {  	s31 =	rddreg [dreg:$0x5];
	[sflag:s10] =	ssyncadd.s32 $0xFFFFC000  }
0x100: {  	[hbm4b:s31+s3] =	stream.linear.scatter [tilespmem:s6], [sflag:$0x2], $0x4000, $0x38;
	[tilespmem:$0x10200] =	vst v63  }
0x101: {  	_ = 	snop  }
0x102: {  	[tilespmem:s12], [sflag:$0x1] =	stream.indirect.gather [hbm4b:s2+s5], $0x80, s11, s5, $0xb8;
	[tilespmem:$0x10200] =	vst v63  }
0x103: {  	_ =	swait.ge [sflag:s10], $0x4000  }
0x104: {  	[sflag:s10] =	ssyncset.done $0x0  }
0x105: {  	s31 =	rddreg [dreg:$0x6];
	[sflag:s10] =	ssyncadd.s32 $0xFFFFC000  }
0x106: {  	[hbm4b:s31+s3] =	stream.linear.scatter [tilespmem:s7], [sflag:$0x2], $0x4000, $0x38;
	[tilespmem:$0x10200] =	vst v63  }
0x107: {  	_ =	swait.ge [sflag:s13], $0x4000  }
0x108: {  	[sflag:s13] =	ssyncset.done $0x0  }
0x109: {  	[sflag:s13] =	ssyncadd.s32 $0xFFFFC000  }
0x10a: {  	[tilespmem:s6], [sflag:$0x1] =	stream.indirect.gather [hbm4b:s14+s5], $0x80, s3, s5, $0xb8;
	[tilespmem:$0x10200] =	vst v63  }
0x10b: {  	_ =	swait.ge [sflag:s10], $0x4000  }
0x10c: {  	[sflag:s10] =	ssyncset.done $0x0  }
0x10d: {  	s31 =	rddreg [dreg:$0x7];
	[sflag:s10] =	ssyncadd.s32 $0xFFFFC000  }
0x10e: {  	[hbm4b:s31+s3] =	stream.linear.scatter [tilespmem:s9], [sflag:$0x2], $0x4000, $0x38;
	[tilespmem:$0x10200] =	vst v63  }
0x10f: {  	_ =	swait.ge [sflag:s13], $0x4000  }
0x110: {  	[sflag:s13] =	ssyncset.done $0x0  }
0x111: {  	[sflag:s13] =	ssyncadd.s32 $0xFFFFC000  }
0x112: {  	[tilespmem:s7], [sflag:$0x1] =	stream.indirect.gather [hbm4b:s14+s5], $0x80, s5, s5, $0xb8;
	[tilespmem:$0x10200] =	vst v63  }
0x113: {  	_ =	swait.ge [sflag:s10], $0x4000  }
0x114: {  	[sflag:s10] =	ssyncset.done $0x0  }
0x115: {  	s31 =	rddreg [dreg:$0x8];
	[sflag:s10] =	ssyncadd.s32 $0xFFFFC000  }
0x116: {  	[hbm4b:s31+s3] =	stream.linear.scatter [tilespmem:s12], [sflag:$0x2], $0x4000, $0x38;
	[tilespmem:$0x10200] =	vst v63  }
0x117: {  	_ =	swait.ge [sflag:s13], $0x4000  }
0x118: {  	[sflag:s13] =	ssyncset.done $0x0  }
0x119: {  	[sflag:s13] =	ssyncadd.s32 $0xFFFFC000  }
0x11a: {  	[tilespmem:s9], [sflag:$0x1] =	stream.indirect.gather [hbm4b:s14+s5], $0x80, s8, s5, $0xb8;
	[tilespmem:$0x10200] =	vst v63  }
0x11b: {  	_ =	swait.ge [sflag:s10], $0x4000  }
0x11c: {  	[sflag:s10] =	ssyncset.done $0x0  }
0x11d: {  	s31 =	rddreg [dreg:$0x9];
	[sflag:s10] =	ssyncadd.s32 $0xFFFFC000  }
0x11e: {  	[hbm4b:s31+s3] =	stream.linear.scatter [tilespmem:s6], [sflag:$0x2], $0x4000, $0x38;
	[tilespmem:$0x10200] =	vst v63  }
0x11f: {  	_ =	swait.ge [sflag:s13], $0x4000  }
0x120: {  	[sflag:s13] =	ssyncset.done $0x0  }
0x121: {  	[sflag:s13] =	ssyncadd.s32 $0xFFFFC000  }
0x122: {  	[tilespmem:s12], [sflag:$0x1] =	stream.indirect.gather [hbm4b:s14+s5], $0x80, s11, s5, $0xb8;
	[tilespmem:$0x10200] =	vst v63  }
0x123: {  	_ =	swait.ge [sflag:s10], $0x4000  }
0x124: {  	[sflag:s10] =	ssyncset.done $0x0  }
0x125: {  	s31 =	rddreg [dreg:$0xa];
	[sflag:s10] =	ssyncadd.s32 $0xFFFFC000  }
0x126: {  	[hbm4b:s31+s3] =	stream.linear.scatter [tilespmem:s7], [sflag:$0x2], $0x4000, $0x38;
	[tilespmem:$0x10200] =	vst v63  }
0x127: {  	_ =	swait.ge [sflag:s13], $0x4000  }
0x128: {  	[sflag:s13] =	ssyncset.done $0x0  }
0x129: {  	[sflag:s13] =	ssyncadd.s32 $0xFFFFC000  }
0x12a: {  	[tilespmem:s6], [sflag:$0x1] =	stream.indirect.gather [hbm4b:s17+s5], $0x80, s3, s5, $0xb8;
	[tilespmem:$0x10200] =	vst v63  }
0x12b: {  	_ =	swait.ge [sflag:s10], $0x4000  }
0x12c: {  	[sflag:s10] =	ssyncset.done $0x0  }
0x12d: {  	s31 =	rddreg [dreg:$0xb];
	[sflag:s10] =	ssyncadd.s32 $0xFFFFC000  }
0x12e: {  	[hbm4b:s31+s3] =	stream.linear.scatter [tilespmem:s9], [sflag:$0x2], $0x4000, $0x38;
	[tilespmem:$0x10200] =	vst v63  }
0x12f: {  	_ =	swait.ge [sflag:s13], $0x4000  }
0x130: {  	[sflag:s13] =	ssyncset.done $0x0  }
0x131: {  	[sflag:s13] =	ssyncadd.s32 $0xFFFFC000  }
0x132: {  	[tilespmem:s7], [sflag:$0x1] =	stream.indirect.gather [hbm4b:s17+s5], $0x80, s5, s5, $0xb8;
	[tilespmem:$0x10200] =	vst v63  }
0x133: {  	_ =	swait.ge [sflag:s10], $0x4000  }
0x134: {  	[sflag:s10] =	ssyncset.done $0x0  }
0x135: {  	s31 =	rddreg [dreg:$0xc];
	[sflag:s10] =	ssyncadd.s32 $0xFFFFC000  }
0x136: {  	[hbm4b:s31+s3] =	stream.linear.scatter [tilespmem:s12], [sflag:$0x2], $0x4000, $0x38;
	[tilespmem:$0x10200] =	vst v63  }
0x137: {  	_ =	swait.ge [sflag:s13], $0x4000  }
0x138: {  	[sflag:s13] =	ssyncset.done $0x0  }
0x139: {  	[sflag:s13] =	ssyncadd.s32 $0xFFFFC000  }
0x13a: {  	[tilespmem:s9], [sflag:$0x1] =	stream.indirect.gather [hbm4b:s17+s5], $0x80, s8, s5, $0xb8;
	[tilespmem:$0x10200] =	vst v63  }
0x13b: {  	_ =	swait.ge [sflag:s10], $0x4000  }
0x13c: {  	[sflag:s10] =	ssyncset.done $0x0  }
0x13d: {  	s31 =	rddreg [dreg:$0xd];
	[sflag:s10] =	ssyncadd.s32 $0xFFFFC000  }
0x13e: {  	[hbm4b:s31+s3] =	stream.linear.scatter [tilespmem:s6], [sflag:$0x2], $0x4000, $0x38;
	[tilespmem:$0x10200] =	vst v63  }
0x13f: {  	_ =	swait.ge [sflag:s13], $0x4000  }
0x140: {  	[sflag:s13] =	ssyncset.done $0x0  }
0x141: {  	[sflag:s13] =	ssyncadd.s32 $0xFFFFC000  }
0x142: {  	[tilespmem:s12], [sflag:$0x1] =	stream.indirect.gather [hbm4b:s17+s5], $0x80, s11, s5, $0xb8;
	[tilespmem:$0x10200] =	vst v63  }
0x143: {  	_ =	swait.ge [sflag:s10], $0x4000  }
0x144: {  	[sflag:s10] =	ssyncset.done $0x0  }
0x145: {  	s31 =	rddreg [dreg:$0xe];
	[sflag:s10] =	ssyncadd.s32 $0xFFFFC000  }
0x146: {  	[hbm4b:s31+s3] =	stream.linear.scatter [tilespmem:s7], [sflag:$0x2], $0x4000, $0x38;
	[tilespmem:$0x10200] =	vst v63  }
0x147: {  	_ =	swait.ge [sflag:s13], $0x4000  }
0x148: {  	[sflag:s13] =	ssyncset.done $0x0  }
0x149: {  	[sflag:s13] =	ssyncadd.s32 $0xFFFFC000  }
0x14a: {  	[tilespmem:s6], [sflag:$0x1] =	stream.indirect.gather [hbm4b:s22+s5], $0x80, s3, s5, $0xb8;
	[tilespmem:$0x10200] =	vst v63  }
0x14b: {  	_ =	swait.ge [sflag:s10], $0x4000  }
0x14c: {  	[sflag:s10] =	ssyncset.done $0x0  }
0x14d: {  	s31 =	rddreg [dreg:$0xf];
	[sflag:s10] =	ssyncadd.s32 $0xFFFFC000  }
0x14e: {  	[hbm4b:s31+s3] =	stream.linear.scatter [tilespmem:s9], [sflag:$0x2], $0x4000, $0x38;
	[tilespmem:$0x10200] =	vst v63  }
0x14f: {  	_ =	swait.ge [sflag:s13], $0x4000  }
0x150: {  	[sflag:s13] =	ssyncset.done $0x0  }
0x151: {  	[sflag:s13] =	ssyncadd.s32 $0xFFFFC000  }
0x152: {  	[tilespmem:s7], [sflag:$0x1] =	stream.indirect.gather [hbm4b:s22+s5], $0x80, s5, s5, $0xb8;
	[tilespmem:$0x10200] =	vst v63  }
0x153: {  	_ =	swait.ge [sflag:s10], $0x4000  }
0x154: {  	[sflag:s10] =	ssyncset.done $0x0  }
0x155: {  	s31 =	rddreg [dreg:$0x10];
	[sflag:s10] =	ssyncadd.s32 $0xFFFFC000  }
0x156: {  	[hbm4b:s31+s3] =	stream.linear.scatter [tilespmem:s12], [sflag:$0x2], $0x4000, $0x38;
	[tilespmem:$0x10200] =	vst v63  }
0x157: {  	_ =	swait.ge [sflag:s13], $0x4000  }
0x158: {  	[sflag:s13] =	ssyncset.done $0x0  }
0x159: {  	[sflag:s13] =	ssyncadd.s32 $0xFFFFC000  }
0x15a: {  	[tilespmem:s9], [sflag:$0x1] =	stream.indirect.gather [hbm4b:s22+s5], $0x80, s8, s5, $0xb8;
	[tilespmem:$0x10200] =	vst v63  }
0x15b: {  	_ =	swait.ge [sflag:s10], $0x4000  }
0x15c: {  	[sflag:s10] =	ssyncset.done $0x0  }
0x15d: {  	s31 =	rddreg [dreg:$0x11];
	[sflag:s10] =	ssyncadd.s32 $0xFFFFC000  }
0x15e: {  	[hbm4b:s31+s3] =	stream.linear.scatter [tilespmem:s6], [sflag:$0x2], $0x4000, $0x38;
	[tilespmem:$0x10200] =	vst v63  }
0x15f: {  	_ =	swait.ge [sflag:s13], $0x4000  }
0x160: {  	[sflag:s13] =	ssyncset.done $0x0  }
0x161: {  	[sflag:s13] =	ssyncadd.s32 $0xFFFFC000  }
0x162: {  	[tilespmem:s12], [sflag:$0x1] =	stream.indirect.gather [hbm4b:s22+s5], $0x80, s11, s5, $0xb8;
	[tilespmem:$0x10200] =	vst v63  }
0x163: {  	_ =	swait.ge [sflag:s10], $0x4000  }
0x164: {  	[sflag:s10] =	ssyncset.done $0x0  }
0x165: {  	s31 =	rddreg [dreg:$0x12];
	[sflag:s10] =	ssyncadd.s32 $0xFFFFC000  }
0x166: {  	[hbm4b:s31+s3] =	stream.linear.scatter [tilespmem:s7], [sflag:$0x2], $0x4000, $0x38;
	[tilespmem:$0x10200] =	vst v63  }
0x167: {  	_ =	swait.ge [sflag:s13], $0x4000  }
0x168: {  	[sflag:s13] =	ssyncset.done $0x0  }
0x169: {  	[sflag:s13] =	ssyncadd.s32 $0xFFFFC000  }
0x16a: {  	[tilespmem:s6], [sflag:$0x1] =	stream.indirect.gather [hbm4b:s28+s5], $0x80, s3, s5, $0xb8;
	[tilespmem:$0x10200] =	vst v63  }
0x16b: {  	_ =	swait.ge [sflag:s10], $0x4000  }
0x16c: {  	[sflag:s10] =	ssyncset.done $0x0  }
0x16d: {  	s31 =	rddreg [dreg:$0x13];
	[sflag:s10] =	ssyncadd.s32 $0xFFFFC000  }
0x16e: {  	[hbm4b:s31+s3] =	stream.linear.scatter [tilespmem:s9], [sflag:$0x2], $0x4000, $0x38;
	[tilespmem:$0x10200] =	vst v63  }
0x16f: {  	_ =	swait.ge [sflag:s13], $0x4000  }
0x170: {  	[sflag:s13] =	ssyncset.done $0x0  }
0x171: {  	[sflag:s13] =	ssyncadd.s32 $0xFFFFC000  }
0x172: {  	[tilespmem:s7], [sflag:$0x1] =	stream.indirect.gather [hbm4b:s28+s5], $0x80, s5, s5, $0xb8;
	[tilespmem:$0x10200] =	vst v63  }
0x173: {  	_ =	swait.ge [sflag:s10], $0x4000  }
0x174: {  	[sflag:s10] =	ssyncset.done $0x0  }
0x175: {  	s31 =	rddreg [dreg:$0x14];
	[sflag:s10] =	ssyncadd.s32 $0xFFFFC000  }
0x176: {  	[hbm4b:s31+s3] =	stream.linear.scatter [tilespmem:s12], [sflag:$0x2], $0x4000, $0x38;
	[tilespmem:$0x10200] =	vst v63  }
0x177: {  	_ =	swait.ge [sflag:s13], $0x4000  }
0x178: {  	[sflag:s13] =	ssyncset.done $0x0  }
0x179: {  	[sflag:s13] =	ssyncadd.s32 $0xFFFFC000  }
0x17a: {  	[tilespmem:s9], [sflag:$0x1] =	stream.indirect.gather [hbm4b:s28+s5], $0x80, s8, s5, $0xb8;
	[tilespmem:$0x10200] =	vst v63  }
0x17b: {  	_ =	swait.ge [sflag:s10], $0x4000  }
0x17c: {  	[sflag:s10] =	ssyncset.done $0x0  }
0x17d: {  	s31 =	rddreg [dreg:$0x15];
	[sflag:s10] =	ssyncadd.s32 $0xFFFFC000  }
0x17e: {  	[hbm4b:s31+s3] =	stream.linear.scatter [tilespmem:s6], [sflag:$0x2], $0x4000, $0x38;
	[tilespmem:$0x10200] =	vst v63  }
0x17f: {  	_ =	swait.ge [sflag:s13], $0x4000  }
0x180: {  	[sflag:s13] =	ssyncset.done $0x0  }
0x181: {  	[sflag:s13] =	ssyncadd.s32 $0xFFFFC000  }
0x182: {  	[tilespmem:s12], [sflag:$0x1] =	stream.indirect.gather [hbm4b:s28+s5], $0x80, s11, s5, $0xb8;
	[tilespmem:$0x10200] =	vst v63  }
0x183: {  	_ =	swait.ge [sflag:s10], $0x4000  }
0x184: {  	[sflag:s10] =	ssyncset.done $0x0  }
0x185: {  	[sflag:s10] =	ssyncadd.s32 $0xFFFFC000  }
0x186: {  	[hbm4b:s1+s3] =	stream.linear.scatter [tilespmem:s7], [sflag:$0x2], $0x4000, $0x38;
	[tilespmem:$0x10200] =	vst v63  }
0x187: {  	_ =	swait.ge [sflag:s13], $0x4000  }
0x188: {  	[sflag:s13] =	ssyncset.done $0x0  }
0x189: {  	[sflag:s13] =	ssyncadd.s32 $0xFFFFC000  }
0x18a: {  	[tilespmem:s6], [sflag:$0x1] =	stream.indirect.gather [hbm4b:s0+s5], $0x80, s3, s5, $0xb8;
	[tilespmem:$0x10200] =	vst v63  }
0x18b: {  	_ =	swait.ge [sflag:s10], $0x4000  }
0x18c: {  	[sflag:s10] =	ssyncset.done $0x0  }
0x18d: {  	[sflag:s10] =	ssyncadd.s32 $0xFFFFC000  }
0x18e: {  	[hbm4b:s15+s3] =	stream.linear.scatter [tilespmem:s9], [sflag:$0x2], $0x4000, $0x38;
	[tilespmem:$0x10200] =	vst v63  }
0x18f: {  	_ =	swait.ge [sflag:s13], $0x4000  }
0x190: {  	[sflag:s13] =	ssyncset.done $0x0  }
0x191: {  	[sflag:s13] =	ssyncadd.s32 $0xFFFFC000  }
0x192: {  	[tilespmem:s7], [sflag:$0x1] =	stream.indirect.gather [hbm4b:s0+s5], $0x80, s5, s5, $0xb8;
	[tilespmem:$0x10200] =	vst v63  }
0x193: {  	_ =	swait.ge [sflag:s10], $0x4000  }
0x194: {  	[sflag:s10] =	ssyncset.done $0x0  }
0x195: {  	[sflag:s10] =	ssyncadd.s32 $0xFFFFC000  }
0x196: {  	[hbm4b:s16+s3] =	stream.linear.scatter [tilespmem:s12], [sflag:$0x2], $0x4000, $0x38;
	[tilespmem:$0x10200] =	vst v63  }
0x197: {  	_ =	swait.ge [sflag:s13], $0x4000  }
0x198: {  	[sflag:s13] =	ssyncset.done $0x0  }
0x199: {  	[sflag:s13] =	ssyncadd.s32 $0xFFFFC000  }
0x19a: {  	[tilespmem:s9], [sflag:$0x1] =	stream.indirect.gather [hbm4b:s0+s5], $0x80, s8, s5, $0xb8;
	[tilespmem:$0x10200] =	vst v63  }
0x19b: {  	_ =	swait.ge [sflag:s10], $0x4000  }
0x19c: {  	[sflag:s10] =	ssyncset.done $0x0  }
0x19d: {  	[sflag:s10] =	ssyncadd.s32 $0xFFFFC000  }
0x19e: {  	[hbm4b:s18+s3] =	stream.linear.scatter [tilespmem:s6], [sflag:$0x2], $0x4000, $0x38;
	[tilespmem:$0x10200] =	vst v63  }
0x19f: {  	_ =	swait.ge [sflag:s13], $0x4000  }
0x1a0: {  	[sflag:s13] =	ssyncset.done $0x0  }
0x1a1: {  	[sflag:s13] =	ssyncadd.s32 $0xFFFFC000  }
0x1a2: {  	[tilespmem:s12], [sflag:$0x1] =	stream.indirect.gather [hbm4b:s0+s5], $0x80, s11, s5, $0xb8;
	[tilespmem:$0x10200] =	vst v63  }
0x1a3: {  	_ =	swait.ge [sflag:s10], $0x4000  }
0x1a4: {  	[sflag:s10] =	ssyncset.done $0x0  }
0x1a5: {  	[sflag:s10] =	ssyncadd.s32 $0xFFFFC000  }
0x1a6: {  	[hbm4b:s19+s3] =	stream.linear.scatter [tilespmem:s7], [sflag:$0x2], $0x4000, $0x38;
	[tilespmem:$0x10200] =	vst v63  }
0x1a7: {  	_ =	swait.ge [sflag:s13], $0x4000  }
0x1a8: {  	[sflag:s13] =	ssyncset.done $0x0  }
0x1a9: {  	[sflag:s13] =	ssyncadd.s32 $0xFFFFC000  }
0x1aa: {  	[tilespmem:s6], [sflag:$0x1] =	stream.indirect.gather [hbm4b:s20+s5], $0x80, s3, s5, $0xb8;
	[tilespmem:$0x10200] =	vst v63  }
0x1ab: {  	_ =	swait.ge [sflag:s10], $0x4000  }
0x1ac: {  	[sflag:s10] =	ssyncset.done $0x0  }
0x1ad: {  	[sflag:s10] =	ssyncadd.s32 $0xFFFFC000  }
0x1ae: {  	[hbm4b:s21+s3] =	stream.linear.scatter [tilespmem:s9], [sflag:$0x2], $0x4000, $0x38;
	[tilespmem:$0x10200] =	vst v63  }
0x1af: {  	_ =	swait.ge [sflag:s13], $0x4000  }
0x1b0: {  	[sflag:s13] =	ssyncset.done $0x0  }
0x1b1: {  	[sflag:s13] =	ssyncadd.s32 $0xFFFFC000  }
0x1b2: {  	[tilespmem:s7], [sflag:$0x1] =	stream.indirect.gather [hbm4b:s20+s5], $0x80, s5, s5, $0xb8;
	[tilespmem:$0x10200] =	vst v63  }
0x1b3: {  	_ =	swait.ge [sflag:s10], $0x4000  }
0x1b4: {  	[sflag:s10] =	ssyncset.done $0x0  }
0x1b5: {  	[sflag:s10] =	ssyncadd.s32 $0xFFFFC000  }
0x1b6: {  	[hbm4b:s23+s3] =	stream.linear.scatter [tilespmem:s12], [sflag:$0x2], $0x4000, $0x38;
	[tilespmem:$0x10200] =	vst v63  }
0x1b7: {  	_ =	swait.ge [sflag:s13], $0x4000  }
0x1b8: {  	[sflag:s13] =	ssyncset.done $0x0  }
0x1b9: {  	[sflag:s13] =	ssyncadd.s32 $0xFFFFC000  }
0x1ba: {  	[tilespmem:s9], [sflag:$0x1] =	stream.indirect.gather [hbm4b:s20+s5], $0x80, s8, s5, $0xb8;
	[tilespmem:$0x10200] =	vst v63  }
0x1bb: {  	_ =	swait.ge [sflag:s10], $0x4000  }
0x1bc: {  	[sflag:s10] =	ssyncset.done $0x0  }
0x1bd: {  	[sflag:s10] =	ssyncadd.s32 $0xFFFFC000  }
0x1be: {  	[hbm4b:s24+s3] =	stream.linear.scatter [tilespmem:s6], [sflag:$0x2], $0x4000, $0x38;
	[tilespmem:$0x10200] =	vst v63  }
0x1bf: {  	_ =	swait.ge [sflag:s13], $0x4000  }
0x1c0: {  	[sflag:s13] =	ssyncset.done $0x0  }
0x1c1: {  	[sflag:s13] =	ssyncadd.s32 $0xFFFFC000  }
0x1c2: {  	[tilespmem:s12], [sflag:$0x1] =	stream.indirect.gather [hbm4b:s20+s5], $0x80, s11, s5, $0xb8;
	[tilespmem:$0x10200] =	vst v63  }
0x1c3: {  	_ =	swait.ge [sflag:s10], $0x4000  }
0x1c4: {  	[sflag:s10] =	ssyncset.done $0x0  }
0x1c5: {  	[sflag:s10] =	ssyncadd.s32 $0xFFFFC000  }
0x1c6: {  	[hbm4b:s25+s3] =	stream.linear.scatter [tilespmem:s7], [sflag:$0x2], $0x4000, $0x38;
	[tilespmem:$0x10200] =	vst v63  }
0x1c7: {  	_ =	swait.ge [sflag:s10], $0x4000  }
0x1c8: {  	[sflag:s10] =	ssyncset.done $0x0  }
0x1c9: {  	[sflag:s10] =	ssyncadd.s32 $0xFFFFC000  }
0x1ca: {  	[hbm4b:s26+s3] =	stream.linear.scatter [tilespmem:s9], [sflag:$0x2], $0x4000, $0x38;
	[tilespmem:$0x10200] =	vst v63  }
0x1cb: {  	_ =	swait.ge [sflag:s10], $0x4000  }
0x1cc: {  	[sflag:s10] =	ssyncset.done $0x0  }
0x1cd: {  	[sflag:s10] =	ssyncadd.s32 $0xFFFFC000  }
0x1ce: {  	[hbm4b:s29+s3] =	stream.linear.scatter [tilespmem:s12], [sflag:$0x2], $0x4000, $0x38;
	[tilespmem:$0x10200] =	vst v63  }
0x1cf: {  	_ =	swait.ge [sflag:s13], $0x4000  }
0x1d0: {  	[sflag:s13] =	ssyncset.done $0x0  }
0x1d1: {  	[sflag:s13] =	ssyncadd.s32 $0xFFFFC000  }
0x1d2: {  	_ =	swait.ge [sflag:s13], $0x4000  }
0x1d3: {  	p0 =	sne.s32 s30, $0x1;
	[sflag:s13] =	ssyncset.done $0x0  }
.Ltmp1:
0x1d4: {  	[sflag:s13] =	ssyncadd.s32 $0xFFFFC000;
	(pc) =	sbr.rel @p0 .LBB2_1-.Ltmp1, $4  }
0x1d5: {  	_ =	swait.ge [sflag:s13], $0x4000  }
0x1d6: {  	[sflag:s13] =	ssyncset.done $0x0  }
0x1d7: {  	[sflag:s13] =	ssyncadd.s32 $0xFFFFC000  }
0x1d8: {  	s30 =	sadd.s32 $0xFFFFFFFF, s30;
	_ =	swait.ge [sflag:s13], $0x4000  }
.LBB2_2:
0x1d9: {  	[sflag:s13] =	ssyncset.done $0x0  }
0x1da: {  	[sflag:s13] =	ssyncadd.s32 $0xFFFFC000  }
0x1db: {  	_ =	sfence.sel $0x180000  }
0x1dc: {  	[bflag:$0x0] =	sbarrier.arrive $0xFFFF  }
0x1dd: {  	_ =	strace $0x90000047  }
0x1de: {  	s0 =	stileid.u32;
	[bflag:$0x2] =	sbarrier.arrive $0xFFFF  }
0x1df: {  	p0 =	sne.s32 s0, $0x0;
	s0 =	rddreg [dreg:$0x3]  }
0x1e0: {  	s0 =	sadd.s32 @!p0 $0x100000, s0  }
0x1e1: {  	[sflag:s0] =	ssyncadd.tile.s32 @!p0 $0x1;
	_ =	shalt  }
.Lfunc_end2:
_tile_overlayer_lowered:
.L_overlay_start_2:
0x1e2: {  	(tag) =	ssettag $0x2  }
0x1e3: {  	s0 =	rddreg [dreg:$0x0];
	s2 =	stileid.u32  }
0x1e4: {  	s1 =	rddreg [dreg:$0x1];
	p0 =	sne.s32 s2, $0x0  }
0x1e5: {  	s3 =	rddreg [dreg:$0x2];
	[bflag:$0x3] =	sbarrier.arrive $0xFFFF;
	s2 =	simm.s32 @!p0 $0x1C03  }
0x1e6: {  	[timem:s3], [sflag:s2] =	dma.local @!p0 [hbm:s0], s1  }
0x1e7: {  	s0 =	simm.s32 @!p0 $0x3  }
0x1e8: {  	_ =	swait.ge @!p0 [sflag:s0], s1  }
0x1e9: {  	s1 =	ssub.s32 @!p0 $0x0, s1;
	[sflag:s0] =	ssyncset.done @!p0 $0x0  }
0x1ea: {  	[sflag:s0] =	ssyncadd.s32 @!p0 s1  }
0x1eb: {  	[bflag:$0x3] =	sbarrier.arrive $0xFFFF  }
0x1ec: {  	_ =	shalt  }

</sc_bundles>
